<compile_context>
chip_gen: v7x
topology: tpu7x:2x2x1
jax: 0.10.2.dev20260603
libtpu: 0.0.44.dev20260713+nightly
codegen_flags: <defaults>
</compile_context>

<pallas_src>
import functools

import jax
import jax.numpy as jnp
from jax import lax
from jax.experimental import pallas as pl
from jax.experimental.pallas import tpu as pltpu
from jax.experimental.pallas import tpu_sc as plsc

_CUTOFF = 14.0
_EPS_RF = 78.4
_MRF = 4
_NRF = 6
_KRF = (_EPS_RF - 1) / (1 + 2 * _EPS_RF) * (1 / _CUTOFF ** 3)
_ARFM = 3 * _CUTOFF ** (-(_MRF + 1)) / (_MRF * (_NRF - _MRF)) * ((2 * _EPS_RF + _NRF - 1) / (1 + 2 * _EPS_RF))
_ARFN = 3 * _CUTOFF ** (-(_NRF + 1)) / (_NRF * (_MRF - _NRF)) * ((2 * _EPS_RF + _MRF - 1) / (1 + 2 * _EPS_RF))
_CRF = 3 * _EPS_RF / (1 + 2 * _EPS_RF) * (1 / _CUTOFF) + _ARFM * _CUTOFF ** _MRF + _ARFN * _CUTOFF ** _NRF
_K_EPS = 1389.35457644382

_NC = 2
_NS = 16
_NW = _NC * _NS
_L = 16

_N_EDGES = 3200000
_PER_TILE = _N_EDGES // _NW
_C = 2000
_NCHUNK = _PER_TILE // _C
_FW = 16
_NE = 14


def _sc_body(f_hbm, e_hbms, idx_hbm, out_hbm, idx_v, f_v, e_v, acc_v, sem,
             isem):
    c = lax.axis_index("c")
    s = lax.axis_index("s")
    wid = s * _NC + c
    base0 = wid * _PER_TILE
    iota = lax.iota(jnp.int32, _L)
    cols = [jnp.full((_L,), j, jnp.int32) for j in range(13)]

    def idx_issue(b, base):
        pltpu.async_copy(idx_hbm.at[pl.ds(base, _C)], idx_v.at[b],
                         isem.at[b])

    def idx_drain(b):
        pltpu.make_async_copy(idx_hbm.at[pl.ds(0, _C)], idx_v.at[b],
                              isem.at[b]).wait()

    def issue(b, base):
        pltpu.async_copy(f_hbm.at[idx_v.at[b]], f_v.at[b], sem.at[b])
        for j in range(_NE):
            pltpu.async_copy(e_hbms[j].at[pl.ds(base, _C)],
                             e_v.at[b, j], sem.at[b])

    def drain(b):
        pltpu.make_async_copy(f_hbm.at[idx_v.at[b]], f_v.at[b],
                              sem.at[b]).wait()
        for j in range(_NE):
            pltpu.make_async_copy(e_hbms[j].at[pl.ds(0, _C)],
                                  e_v.at[b, j], sem.at[b]).wait()

    def compute(b, acc):
        fb = f_v.at[b]

        def inner(i, acc):
            o = i * _L
            rows = iota + o
            r1 = e_v[b, 12, pl.ds(o, _L)]
            mm = e_v[b, 13, pl.ds(o, _L)]
            r2 = r1 * r1
            b0 = 1.0 / r1 + ((_ARFN * r2 + _ARFM) * r2 + _KRF) * r2 - _CRF
            rinv2 = 1.0 / r2
            b1 = b0 * rinv2
            b2 = 3.0 * b1 * rinv2
            mono = plsc.load_gather(fb, [rows, cols[0]])
            dsum = (e_v[b, 0, pl.ds(o, _L)] *
                    plsc.load_gather(fb, [rows, cols[1]]))
            for j in range(1, 3):
                dsum = dsum + (e_v[b, j, pl.ds(o, _L)] *
                               plsc.load_gather(fb, [rows, cols[1 + j]]))
            qsum = (e_v[b, 3, pl.ds(o, _L)] *
                    plsc.load_gather(fb, [rows, cols[4]]))
            for j in range(1, 9):
                qsum = qsum + (e_v[b, 3 + j, pl.ds(o, _L)] *
                               plsc.load_gather(fb, [rows, cols[4 + j]]))
            return acc + mm * (mono * b0 + dsum * b1 + qsum * b2)

        return lax.fori_loop(0, _C // _L, inner, acc)

    assert _NCHUNK % 2 == 0
    idx_issue(0, base0)
    idx_drain(0)
    issue(0, base0)
    idx_issue(1, base0 + _C)

    def pair(k2, acc):
        base = base0 + (2 * k2) * _C
        idx_drain(1)
        issue(1, base + _C)
        drain(0)

        @pl.when(2 * k2 + 2 < _NCHUNK)
        def _():
            idx_issue(0, base + 2 * _C)

        acc = compute(0, acc)

        @pl.when(2 * k2 + 2 < _NCHUNK)
        def _():
            idx_drain(0)
            issue(0, base + 2 * _C)

        drain(1)

        @pl.when(2 * k2 + 3 < _NCHUNK)
        def _():
            idx_issue(1, base + 3 * _C)

        return compute(1, acc)

    acc = lax.fori_loop(0, _NCHUNK // 2, pair, jnp.zeros((_L,), jnp.float32))
    acc_v[...] = acc * _K_EPS
    pltpu.sync_copy(acc_v, out_hbm.at[pl.ds(wid * _L, _L)])


@functools.partial(
    pl.kernel,
    out_type=jax.ShapeDtypeStruct((_NW * _L,), jnp.float32),
    mesh=plsc.VectorSubcoreMesh(core_axis_name="c", subcore_axis_name="s",
                                num_cores=_NC, num_subcores=_NS),
    compiler_params=pltpu.CompilerParams(needs_layout_passes=False,
                                         use_tc_tiling_on_sc=False),
    scratch_types=[
        pltpu.VMEM((2, _C), jnp.int32),
        pltpu.VMEM((2, _C, _FW), jnp.float32),
        pltpu.VMEM((2, _NE, _C), jnp.float32),
        pltpu.VMEM((_L,), jnp.float32),
        pltpu.SemaphoreType.DMA((2,)),
        pltpu.SemaphoreType.DMA((2,)),
    ],
)
def _sc_coulomb(f_hbm, e0, e1, e2, e3, e4, e5, e6, e7, e8, e9, e10, e11,
                e12, e13, idx_hbm, out_hbm, idx_v, f_v, e_v, acc_v, sem,
                isem):
    _sc_body(f_hbm, (e0, e1, e2, e3, e4, e5, e6, e7, e8, e9, e10, e11,
                     e12, e13), idx_hbm, out_hbm, idx_v, f_v, e_v, acc_v,
             sem, isem)


def kernel(monos, dipos, quads, Rx1_qmmm_esp, Rx2_qmmm_esp, R1_qmmm_esp,
           mm_monos_esp, receivers_qmmm_esp):
    n = monos.shape[0]
    feat = jnp.concatenate(
        [monos, dipos, quads.reshape(n, 9),
         jnp.zeros((n, _FW - 13), jnp.float32)], axis=1)
    comps = ([Rx1_qmmm_esp[:, j] for j in range(3)] +
             [Rx2_qmmm_esp[:, i, j] for i in range(3) for j in range(3)] +
             [R1_qmmm_esp[:, 0], mm_monos_esp[:, 0]])
    partials = _sc_coulomb(feat, *comps,
                           receivers_qmmm_esp.astype(jnp.int32))
    return jnp.sum(partials).reshape(1, 1)

# --- scband reference (transcript-rebuilt; emitter-appended) ---
"""Pipeline reference for scband-coulomb-qmmm-10677288698559 (READ-ONLY COPY).

The authoritative reference and input builder live on the scoring server;
editing this copy changes nothing except your own understanding.
"""

import jax, jax.numpy as jnp
import numpy as np

CUTOFF = 14.0
EPS_RF = 78.4
MRF = 4
NRF = 6
KRF = (EPS_RF - 1) / (1 + 2 * EPS_RF) * (1 / CUTOFF ** 3)
ARFM = 3 * CUTOFF ** (-(MRF + 1)) / (MRF * (NRF - MRF)) * ((2 * EPS_RF + NRF - 1) / (1 + 2 * EPS_RF))
ARFN = 3 * CUTOFF ** (-(NRF + 1)) / (NRF * (MRF - NRF)) * ((2 * EPS_RF + MRF - 1) / (1 + 2 * EPS_RF))
CRF = 3 * EPS_RF / (1 + 2 * EPS_RF) * (1 / CUTOFF) + ARFM * CUTOFF ** MRF + ARFN * CUTOFF ** NRF
K_EPS = 1389.35457644382

N_NODES = 50000
N_EDGES = 3200000


def setup_inputs(seed: int = 0) -> dict:
    key = jax.random.key(seed)
    ks = jax.random.split(key, 8)
    monos = jax.random.normal(ks[0], (N_NODES, 1), dtype=jnp.float32)
    dipos = jax.random.normal(ks[1], (N_NODES, 3), dtype=jnp.float32)
    quads = jax.random.normal(ks[2], (N_NODES, 3, 3), dtype=jnp.float32)
    Rx1_qmmm_esp = jax.random.normal(ks[3], (N_EDGES, 3), dtype=jnp.float32)
    Rx2_qmmm_esp = jax.random.normal(ks[4], (N_EDGES, 3, 3), dtype=jnp.float32)
    # distances kept strictly positive and within cutoff for numerical sanity
    R1_qmmm_esp = jax.random.uniform(ks[5], (N_EDGES, 1), dtype=jnp.float32, minval=0.5, maxval=CUTOFF)
    mm_monos_esp = jax.random.normal(ks[6], (N_EDGES, 1), dtype=jnp.float32)
    receivers_qmmm_esp = jax.random.randint(ks[7], (N_EDGES,), 0, N_NODES, dtype=jnp.int64 if jax.config.jax_enable_x64 else jnp.int32)
    return {
        'monos': monos,
        'dipos': dipos,
        'quads': quads,
        'Rx1_qmmm_esp': Rx1_qmmm_esp,
        'Rx2_qmmm_esp': Rx2_qmmm_esp,
        'R1_qmmm_esp': R1_qmmm_esp,
        'mm_monos_esp': mm_monos_esp,
        'receivers_qmmm_esp': receivers_qmmm_esp,
    }


def reference(monos, dipos, quads, Rx1_qmmm_esp, Rx2_qmmm_esp, R1_qmmm_esp, mm_monos_esp, receivers_qmmm_esp):
    # md_mode = True branch of the original module
    # B matrices (reaction-field Coulomb kernels)
    R2 = jnp.square(R1_qmmm_esp)
    B0 = jnp.reciprocal(R1_qmmm_esp)
    R4 = R2 * R2
    R6 = R2 * R4
    B0 = B0 + KRF * R2 + ARFM * R4 + ARFN * R6 - CRF
    B1 = B0 / R2
    B2 = 3 * B1 / R2
    # G matrices (multipole gathers per QM-MM pair)
    qm_monos = jnp.take(monos, receivers_qmmm_esp, axis=0)
    qm_dipos = jnp.take(dipos, receivers_qmmm_esp, axis=0)
    qm_quads = jnp.take(quads, receivers_qmmm_esp, axis=0)
    D1_Rx1 = jnp.sum(qm_dipos * Rx1_qmmm_esp, axis=-1, keepdims=True)
    Q1_Rx2 = jnp.einsum('bjk,bjk->b', qm_quads, Rx2_qmmm_esp)[:, None]
    G0 = qm_monos * mm_monos_esp
    G1 = D1_Rx1 * mm_monos_esp
    G2 = Q1_Rx2 * mm_monos_esp
    coulomb_terms = G0 * B0 + G1 * B1 + G2 * B2
    V_coulomb_qmmm = jnp.sum(coulomb_terms, axis=0, keepdims=True) * K_EPS
    return V_coulomb_qmmm

if __name__ == "__main__":
    import jax
    _d = setup_inputs()
    print(jax.jit(kernel)(*tuple(_d.values())))

</pallas_src>

<mosaic_0001>
#map = affine_map<(d0, d1) -> (0, 0)>
#map1 = affine_map<(d0, d1) -> (0)>
module attributes {stable_mosaic.version = 14 : i64} {
  func.func @_sc_coulomb(%arg0: i32, %arg1: i32, %arg2: memref<50000x16xf32, #tpu.memory_space<hbm>>, %arg3: memref<3200000xf32, #tpu.memory_space<hbm>>, %arg4: memref<3200000xf32, #tpu.memory_space<hbm>>, %arg5: memref<3200000xf32, #tpu.memory_space<hbm>>, %arg6: memref<3200000xf32, #tpu.memory_space<hbm>>, %arg7: memref<3200000xf32, #tpu.memory_space<hbm>>, %arg8: memref<3200000xf32, #tpu.memory_space<hbm>>, %arg9: memref<3200000xf32, #tpu.memory_space<hbm>>, %arg10: memref<3200000xf32, #tpu.memory_space<hbm>>, %arg11: memref<3200000xf32, #tpu.memory_space<hbm>>, %arg12: memref<3200000xf32, #tpu.memory_space<hbm>>, %arg13: memref<3200000xf32, #tpu.memory_space<hbm>>, %arg14: memref<3200000xf32, #tpu.memory_space<hbm>>, %arg15: memref<3200000xf32, #tpu.memory_space<hbm>>, %arg16: memref<3200000xf32, #tpu.memory_space<hbm>>, %arg17: memref<3200000xi32, #tpu.memory_space<hbm>>, %arg18: memref<512xf32, #tpu.memory_space<hbm>>, %arg19: memref<2x2000xi32, #tpu.memory_space<vmem>>, %arg20: memref<2x2000x16xf32, #tpu.memory_space<vmem>>, %arg21: memref<2x14x2000xf32, #tpu.memory_space<vmem>>, %arg22: memref<16xf32, #tpu.memory_space<vmem>>, %arg23: memref<2x!tpu.dma_semaphore, #tpu.memory_space<semaphore_mem>>, %arg24: memref<2x!tpu.dma_semaphore, #tpu.memory_space<semaphore_mem>>) attributes {dimension_semantics = [#tpu.dimension_semantics<core_parallel>, #tpu.dimension_semantics<subcore_parallel>], iteration_bounds = array<i64: 2, 16>, scalar_prefetch = 0 : i64, scratch_operands = 6 : i64, tpu.core_type = #tpu.core_type<sc_vector_subcore>, window_params = [{transform_indices = #map}, {transform_indices = #map1}, {transform_indices = #map1}, {transform_indices = #map1}, {transform_indices = #map1}, {transform_indices = #map1}, {transform_indices = #map1}, {transform_indices = #map1}, {transform_indices = #map1}, {transform_indices = #map1}, {transform_indices = #map1}, {transform_indices = #map1}, {transform_indices = #map1}, {transform_indices = #map1}, {transform_indices = #map1}, {transform_indices = #map1}, {transform_indices = #map1}]} {
    %mul3A = arith.constant 2 : i32
    %mul3A_0 = arith.muli %arg1, %mul3A : i32
    %add3A = arith.addi %mul3A_0, %arg0 : i32
    %mul3A_1 = arith.constant 100000 : i32
    %mul3A_2 = arith.muli %add3A, %mul3A_1 : i32
    %iota3A = tpu.iota {dimensions = array<i32: 0>} : vector<16xi32>
    %broadcast_in_dim3A = arith.constant 0 : i32
    %broadcast_in_dim3A_3 = vector.broadcast %broadcast_in_dim3A : i32 to vector<16xi32>
    %broadcast_in_dim3A_4 = arith.constant 1 : i32
    %broadcast_in_dim3A_5 = vector.broadcast %broadcast_in_dim3A_4 : i32 to vector<16xi32>
    %broadcast_in_dim3A_6 = arith.constant 2 : i32
    %broadcast_in_dim3A_7 = vector.broadcast %broadcast_in_dim3A_6 : i32 to vector<16xi32>
    %broadcast_in_dim3A_8 = arith.constant 3 : i32
    %broadcast_in_dim3A_9 = vector.broadcast %broadcast_in_dim3A_8 : i32 to vector<16xi32>
    %broadcast_in_dim3A_10 = arith.constant 4 : i32
    %broadcast_in_dim3A_11 = vector.broadcast %broadcast_in_dim3A_10 : i32 to vector<16xi32>
    %broadcast_in_dim3A_12 = arith.constant 5 : i32
    %broadcast_in_dim3A_13 = vector.broadcast %broadcast_in_dim3A_12 : i32 to vector<16xi32>
    %broadcast_in_dim3A_14 = arith.constant 6 : i32
    %broadcast_in_dim3A_15 = vector.broadcast %broadcast_in_dim3A_14 : i32 to vector<16xi32>
    %broadcast_in_dim3A_16 = arith.constant 7 : i32
    %broadcast_in_dim3A_17 = vector.broadcast %broadcast_in_dim3A_16 : i32 to vector<16xi32>
    %broadcast_in_dim3A_18 = arith.constant 8 : i32
    %broadcast_in_dim3A_19 = vector.broadcast %broadcast_in_dim3A_18 : i32 to vector<16xi32>
    %broadcast_in_dim3A_20 = arith.constant 9 : i32
    %broadcast_in_dim3A_21 = vector.broadcast %broadcast_in_dim3A_20 : i32 to vector<16xi32>
    %broadcast_in_dim3A_22 = arith.constant 10 : i32
    %broadcast_in_dim3A_23 = vector.broadcast %broadcast_in_dim3A_22 : i32 to vector<16xi32>
    %broadcast_in_dim3A_24 = arith.constant 11 : i32
    %broadcast_in_dim3A_25 = vector.broadcast %broadcast_in_dim3A_24 : i32 to vector<16xi32>
    %broadcast_in_dim3A_26 = arith.constant 12 : i32
    %broadcast_in_dim3A_27 = vector.broadcast %broadcast_in_dim3A_26 : i32 to vector<16xi32>
    %dma_start3A = arith.constant 0 : i32
    %dma_start3A_28 = arith.constant 0 : i32
    %dma_start3A_29 = arith.constant 0 : i32
    %dma_start3A_30 = tpu.memref_slice %arg19[%dma_start3A, %dma_start3A_29] : memref<2x2000xi32, #tpu.memory_space<vmem>> -> memref<1x2000xi32, #tpu.memory_space<vmem>>
    %dma_start3A_31 = tpu.memref_squeeze %dma_start3A_30 : memref<1x2000xi32, #tpu.memory_space<vmem>> -> memref<2000xi32, #tpu.memory_space<vmem>>
    %dma_start3A_32 = tpu.memref_slice %arg17[%mul3A_2] : memref<3200000xi32, #tpu.memory_space<hbm>> -> memref<2000xi32, #tpu.memory_space<hbm>>
    %dma_start3A_33 = tpu.memref_slice %arg24[%dma_start3A_28] : memref<2x!tpu.dma_semaphore, #tpu.memory_space<semaphore_mem>> -> memref<1x!tpu.dma_semaphore, #tpu.memory_space<semaphore_mem>>
    %dma_start3A_34 = tpu.memref_squeeze %dma_start3A_33 : memref<1x!tpu.dma_semaphore, #tpu.memory_space<semaphore_mem>> -> memref<!tpu.dma_semaphore, #tpu.memory_space<semaphore_mem>>
    %dma_start3A_35 = arith.constant 0 : i32
    %dma_start3A_36 = tpu.memref_slice %arg19[%dma_start3A, %dma_start3A_35] : memref<2x2000xi32, #tpu.memory_space<vmem>> -> memref<1x2000xi32, #tpu.memory_space<vmem>>
    %dma_start3A_37 = tpu.memref_squeeze %dma_start3A_36 : memref<1x2000xi32, #tpu.memory_space<vmem>> -> memref<2000xi32, #tpu.memory_space<vmem>>
    %dma_start3A_38 = tpu.memref_slice %arg17[%mul3A_2] : memref<3200000xi32, #tpu.memory_space<hbm>> -> memref<2000xi32, #tpu.memory_space<hbm>>
    tpu.enqueue_dma source(%dma_start3A_38 : memref<2000xi32, #tpu.memory_space<hbm>>) target(%dma_start3A_37 : memref<2000xi32, #tpu.memory_space<vmem>>) target_semaphore(%dma_start3A_34 : memref<!tpu.dma_semaphore, #tpu.memory_space<semaphore_mem>>)
    %dma_wait3A = arith.constant 0 : i32
    %dma_wait3A_39 = arith.constant 0 : i32
    %dma_wait3A_40 = arith.constant 0 : i32
    %dma_wait3A_41 = tpu.memref_slice %arg19[%dma_wait3A, %dma_wait3A_40] : memref<2x2000xi32, #tpu.memory_space<vmem>> -> memref<1x2000xi32, #tpu.memory_space<vmem>>
    %dma_wait3A_42 = tpu.memref_squeeze %dma_wait3A_41 : memref<1x2000xi32, #tpu.memory_space<vmem>> -> memref<2000xi32, #tpu.memory_space<vmem>>
    %dma_wait3A_43 = arith.constant 0 : i32
    %dma_wait3A_44 = tpu.memref_slice %arg17[%dma_wait3A_43] : memref<3200000xi32, #tpu.memory_space<hbm>> -> memref<2000xi32, #tpu.memory_space<hbm>>
    %dma_wait3A_45 = tpu.memref_slice %arg24[%dma_wait3A_39] : memref<2x!tpu.dma_semaphore, #tpu.memory_space<semaphore_mem>> -> memref<1x!tpu.dma_semaphore, #tpu.memory_space<semaphore_mem>>
    %dma_wait3A_46 = tpu.memref_squeeze %dma_wait3A_45 : memref<1x!tpu.dma_semaphore, #tpu.memory_space<semaphore_mem>> -> memref<!tpu.dma_semaphore, #tpu.memory_space<semaphore_mem>>
    %dma_wait3A_47 = arith.constant 0 : i32
    %dma_wait3A_48 = tpu.memref_slice %arg19[%dma_wait3A, %dma_wait3A_47] : memref<2x2000xi32, #tpu.memory_space<vmem>> -> memref<1x2000xi32, #tpu.memory_space<vmem>>
    %dma_wait3A_49 = tpu.memref_squeeze %dma_wait3A_48 : memref<1x2000xi32, #tpu.memory_space<vmem>> -> memref<2000xi32, #tpu.memory_space<vmem>>
    %dma_wait3A_50 = arith.constant 0 : i32
    %dma_wait3A_51 = tpu.memref_slice %arg17[%dma_wait3A_50] : memref<3200000xi32, #tpu.memory_space<hbm>> -> memref<2000xi32, #tpu.memory_space<hbm>>
    tpu.wait_dma2 semaphore(%dma_wait3A_46 : memref<!tpu.dma_semaphore, #tpu.memory_space<semaphore_mem>>) src(%dma_wait3A_51 : memref<2000xi32, #tpu.memory_space<hbm>>) dst(%dma_wait3A_49 : memref<2000xi32, #tpu.memory_space<vmem>>)
    %dma_start3A_52 = arith.constant 0 : i32
    %dma_start3A_53 = arith.constant 0 : i32
    %dma_start3A_54 = arith.constant 0 : i32
    %dma_start3A_55 = arith.constant 0 : i32
    %dma_start3A_56 = arith.constant 0 : i32
    %dma_start3A_57 = tpu.memref_slice %arg20[%dma_start3A_53, %dma_start3A_55, %dma_start3A_56] : memref<2x2000x16xf32, #tpu.memory_space<vmem>> -> memref<1x2000x16xf32, #tpu.memory_space<vmem>>
    %dma_start3A_58 = tpu.memref_squeeze %dma_start3A_57 : memref<1x2000x16xf32, #tpu.memory_space<vmem>> -> memref<2000x16xf32, #tpu.memory_space<vmem>>
    %dma_start3A_59 = arith.constant 0 : i32
    %dma_start3A_60 = tpu.memref_slice %arg19[%dma_start3A_52, %dma_start3A_59] : memref<2x2000xi32, #tpu.memory_space<vmem>> -> memref<1x2000xi32, #tpu.memory_space<vmem>>
    %dma_start3A_61 = tpu.memref_squeeze %dma_start3A_60 : memref<1x2000xi32, #tpu.memory_space<vmem>> -> memref<2000xi32, #tpu.memory_space<vmem>>
    %dma_start3A_62 = arith.constant 0 : i32
    %dma_start3A_63 = arith.constant 0 : i32
    %dma_start3A_64 = tpu.memref_slice %arg2[%dma_start3A_62, %dma_start3A_63] : memref<50000x16xf32, #tpu.memory_space<hbm>> -> memref<50000x16xf32, #tpu.memory_space<hbm>>
    %dma_start3A_65 = tpu.memref_slice %arg23[%dma_start3A_54] : memref<2x!tpu.dma_semaphore, #tpu.memory_space<semaphore_mem>> -> memref<1x!tpu.dma_semaphore, #tpu.memory_space<semaphore_mem>>
    %dma_start3A_66 = tpu.memref_squeeze %dma_start3A_65 : memref<1x!tpu.dma_semaphore, #tpu.memory_space<semaphore_mem>> -> memref<!tpu.dma_semaphore, #tpu.memory_space<semaphore_mem>>
    tpu.enqueue_indirect_dma source(%dma_start3A_64 : memref<50000x16xf32, #tpu.memory_space<hbm>>) target(%dma_start3A_58 : memref<2000x16xf32, #tpu.memory_space<vmem>>) offsets(%dma_start3A_61 : memref<2000xi32, #tpu.memory_space<vmem>>) semaphore(%dma_start3A_66 : memref<!tpu.dma_semaphore, #tpu.memory_space<semaphore_mem>>)
    %dma_start3A_67 = arith.constant 0 : i32
    %dma_start3A_68 = arith.constant 0 : i32
    %dma_start3A_69 = arith.constant 0 : i32
    %dma_start3A_70 = arith.constant 0 : i32
    %dma_start3A_71 = tpu.memref_slice %arg21[%dma_start3A_67, %dma_start3A_68, %dma_start3A_70] : memref<2x14x2000xf32, #tpu.memory_space<vmem>> -> memref<1x1x2000xf32, #tpu.memory_space<vmem>>
    %dma_start3A_72 = tpu.memref_squeeze %dma_start3A_71 : memref<1x1x2000xf32, #tpu.memory_space<vmem>> -> memref<2000xf32, #tpu.memory_space<vmem>>
    %dma_start3A_73 = tpu.memref_slice %arg3[%mul3A_2] : memref<3200000xf32, #tpu.memory_space<hbm>> -> memref<2000xf32, #tpu.memory_space<hbm>>
    %dma_start3A_74 = tpu.memref_slice %arg23[%dma_start3A_69] : memref<2x!tpu.dma_semaphore, #tpu.memory_space<semaphore_mem>> -> memref<1x!tpu.dma_semaphore, #tpu.memory_space<semaphore_mem>>
    %dma_start3A_75 = tpu.memref_squeeze %dma_start3A_74 : memref<1x!tpu.dma_semaphore, #tpu.memory_space<semaphore_mem>> -> memref<!tpu.dma_semaphore, #tpu.memory_space<semaphore_mem>>
    %dma_start3A_76 = arith.constant 0 : i32
    %dma_start3A_77 = tpu.memref_slice %arg21[%dma_start3A_67, %dma_start3A_68, %dma_start3A_76] : memref<2x14x2000xf32, #tpu.memory_space<vmem>> -> memref<1x1x2000xf32, #tpu.memory_space<vmem>>
    %dma_start3A_78 = tpu.memref_squeeze %dma_start3A_77 : memref<1x1x2000xf32, #tpu.memory_space<vmem>> -> memref<2000xf32, #tpu.memory_space<vmem>>
    %dma_start3A_79 = tpu.memref_slice %arg3[%mul3A_2] : memref<3200000xf32, #tpu.memory_space<hbm>> -> memref<2000xf32, #tpu.memory_space<hbm>>
    tpu.enqueue_dma source(%dma_start3A_79 : memref<2000xf32, #tpu.memory_space<hbm>>) target(%dma_start3A_78 : memref<2000xf32, #tpu.memory_space<vmem>>) target_semaphore(%dma_start3A_75 : memref<!tpu.dma_semaphore, #tpu.memory_space<semaphore_mem>>)
    %dma_start3A_80 = arith.constant 0 : i32
    %dma_start3A_81 = arith.constant 1 : i32
    %dma_start3A_82 = arith.constant 0 : i32
    %dma_start3A_83 = arith.constant 0 : i32
    %dma_start3A_84 = tpu.memref_slice %arg21[%dma_start3A_80, %dma_start3A_81, %dma_start3A_83] : memref<2x14x2000xf32, #tpu.memory_space<vmem>> -> memref<1x1x2000xf32, #tpu.memory_space<vmem>>
    %dma_start3A_85 = tpu.memref_squeeze %dma_start3A_84 : memref<1x1x2000xf32, #tpu.memory_space<vmem>> -> memref<2000xf32, #tpu.memory_space<vmem>>
    %dma_start3A_86 = tpu.memref_slice %arg4[%mul3A_2] : memref<3200000xf32, #tpu.memory_space<hbm>> -> memref<2000xf32, #tpu.memory_space<hbm>>
    %dma_start3A_87 = tpu.memref_slice %arg23[%dma_start3A_82] : memref<2x!tpu.dma_semaphore, #tpu.memory_space<semaphore_mem>> -> memref<1x!tpu.dma_semaphore, #tpu.memory_space<semaphore_mem>>
    %dma_start3A_88 = tpu.memref_squeeze %dma_start3A_87 : memref<1x!tpu.dma_semaphore, #tpu.memory_space<semaphore_mem>> -> memref<!tpu.dma_semaphore, #tpu.memory_space<semaphore_mem>>
    %dma_start3A_89 = arith.constant 0 : i32
    %dma_start3A_90 = tpu.memref_slice %arg21[%dma_start3A_80, %dma_start3A_81, %dma_start3A_89] : memref<2x14x2000xf32, #tpu.memory_space<vmem>> -> memref<1x1x2000xf32, #tpu.memory_space<vmem>>
    %dma_start3A_91 = tpu.memref_squeeze %dma_start3A_90 : memref<1x1x2000xf32, #tpu.memory_space<vmem>> -> memref<2000xf32, #tpu.memory_space<vmem>>
    %dma_start3A_92 = tpu.memref_slice %arg4[%mul3A_2] : memref<3200000xf32, #tpu.memory_space<hbm>> -> memref<2000xf32, #tpu.memory_space<hbm>>
    tpu.enqueue_dma source(%dma_start3A_92 : memref<2000xf32, #tpu.memory_space<hbm>>) target(%dma_start3A_91 : memref<2000xf32, #tpu.memory_space<vmem>>) target_semaphore(%dma_start3A_88 : memref<!tpu.dma_semaphore, #tpu.memory_space<semaphore_mem>>)
    %dma_start3A_93 = arith.constant 0 : i32
    %dma_start3A_94 = arith.constant 2 : i32
    %dma_start3A_95 = arith.constant 0 : i32
    %dma_start3A_96 = arith.constant 0 : i32
    %dma_start3A_97 = tpu.memref_slice %arg21[%dma_start3A_93, %dma_start3A_94, %dma_start3A_96] : memref<2x14x2000xf32, #tpu.memory_space<vmem>> -> memref<1x1x2000xf32, #tpu.memory_space<vmem>>
    %dma_start3A_98 = tpu.memref_squeeze %dma_start3A_97 : memref<1x1x2000xf32, #tpu.memory_space<vmem>> -> memref<2000xf32, #tpu.memory_space<vmem>>
    %dma_start3A_99 = tpu.memref_slice %arg5[%mul3A_2] : memref<3200000xf32, #tpu.memory_space<hbm>> -> memref<2000xf32, #tpu.memory_space<hbm>>
    %dma_start3A_100 = tpu.memref_slice %arg23[%dma_start3A_95] : memref<2x!tpu.dma_semaphore, #tpu.memory_space<semaphore_mem>> -> memref<1x!tpu.dma_semaphore, #tpu.memory_space<semaphore_mem>>
    %dma_start3A_101 = tpu.memref_squeeze %dma_start3A_100 : memref<1x!tpu.dma_semaphore, #tpu.memory_space<semaphore_mem>> -> memref<!tpu.dma_semaphore, #tpu.memory_space<semaphore_mem>>
    %dma_start3A_102 = arith.constant 0 : i32
    %dma_start3A_103 = tpu.memref_slice %arg21[%dma_start3A_93, %dma_start3A_94, %dma_start3A_102] : memref<2x14x2000xf32, #tpu.memory_space<vmem>> -> memref<1x1x2000xf32, #tpu.memory_space<vmem>>
    %dma_start3A_104 = tpu.memref_squeeze %dma_start3A_103 : memref<1x1x2000xf32, #tpu.memory_space<vmem>> -> memref<2000xf32, #tpu.memory_space<vmem>>
    %dma_start3A_105 = tpu.memref_slice %arg5[%mul3A_2] : memref<3200000xf32, #tpu.memory_space<hbm>> -> memref<2000xf32, #tpu.memory_space<hbm>>
    tpu.enqueue_dma source(%dma_start3A_105 : memref<2000xf32, #tpu.memory_space<hbm>>) target(%dma_start3A_104 : memref<2000xf32, #tpu.memory_space<vmem>>) target_semaphore(%dma_start3A_101 : memref<!tpu.dma_semaphore, #tpu.memory_space<semaphore_mem>>)
    %dma_start3A_106 = arith.constant 0 : i32
    %dma_start3A_107 = arith.constant 3 : i32
    %dma_start3A_108 = arith.constant 0 : i32
    %dma_start3A_109 = arith.constant 0 : i32
    %dma_start3A_110 = tpu.memref_slice %arg21[%dma_start3A_106, %dma_start3A_107, %dma_start3A_109] : memref<2x14x2000xf32, #tpu.memory_space<vmem>> -> memref<1x1x2000xf32, #tpu.memory_space<vmem>>
    %dma_start3A_111 = tpu.memref_squeeze %dma_start3A_110 : memref<1x1x2000xf32, #tpu.memory_space<vmem>> -> memref<2000xf32, #tpu.memory_space<vmem>>
    %dma_start3A_112 = tpu.memref_slice %arg6[%mul3A_2] : memref<3200000xf32, #tpu.memory_space<hbm>> -> memref<2000xf32, #tpu.memory_space<hbm>>
    %dma_start3A_113 = tpu.memref_slice %arg23[%dma_start3A_108] : memref<2x!tpu.dma_semaphore, #tpu.memory_space<semaphore_mem>> -> memref<1x!tpu.dma_semaphore, #tpu.memory_space<semaphore_mem>>
    %dma_start3A_114 = tpu.memref_squeeze %dma_start3A_113 : memref<1x!tpu.dma_semaphore, #tpu.memory_space<semaphore_mem>> -> memref<!tpu.dma_semaphore, #tpu.memory_space<semaphore_mem>>
    %dma_start3A_115 = arith.constant 0 : i32
    %dma_start3A_116 = tpu.memref_slice %arg21[%dma_start3A_106, %dma_start3A_107, %dma_start3A_115] : memref<2x14x2000xf32, #tpu.memory_space<vmem>> -> memref<1x1x2000xf32, #tpu.memory_space<vmem>>
    %dma_start3A_117 = tpu.memref_squeeze %dma_start3A_116 : memref<1x1x2000xf32, #tpu.memory_space<vmem>> -> memref<2000xf32, #tpu.memory_space<vmem>>
    %dma_start3A_118 = tpu.memref_slice %arg6[%mul3A_2] : memref<3200000xf32, #tpu.memory_space<hbm>> -> memref<2000xf32, #tpu.memory_space<hbm>>
    tpu.enqueue_dma source(%dma_start3A_118 : memref<2000xf32, #tpu.memory_space<hbm>>) target(%dma_start3A_117 : memref<2000xf32, #tpu.memory_space<vmem>>) target_semaphore(%dma_start3A_114 : memref<!tpu.dma_semaphore, #tpu.memory_space<semaphore_mem>>)
    %dma_start3A_119 = arith.constant 0 : i32
    %dma_start3A_120 = arith.constant 4 : i32
    %dma_start3A_121 = arith.constant 0 : i32
    %dma_start3A_122 = arith.constant 0 : i32
    %dma_start3A_123 = tpu.memref_slice %arg21[%dma_start3A_119, %dma_start3A_120, %dma_start3A_122] : memref<2x14x2000xf32, #tpu.memory_space<vmem>> -> memref<1x1x2000xf32, #tpu.memory_space<vmem>>
    %dma_start3A_124 = tpu.memref_squeeze %dma_start3A_123 : memref<1x1x2000xf32, #tpu.memory_space<vmem>> -> memref<2000xf32, #tpu.memory_space<vmem>>
    %dma_start3A_125 = tpu.memref_slice %arg7[%mul3A_2] : memref<3200000xf32, #tpu.memory_space<hbm>> -> memref<2000xf32, #tpu.memory_space<hbm>>
    %dma_start3A_126 = tpu.memref_slice %arg23[%dma_start3A_121] : memref<2x!tpu.dma_semaphore, #tpu.memory_space<semaphore_mem>> -> memref<1x!tpu.dma_semaphore, #tpu.memory_space<semaphore_mem>>
    %dma_start3A_127 = tpu.memref_squeeze %dma_start3A_126 : memref<1x!tpu.dma_semaphore, #tpu.memory_space<semaphore_mem>> -> memref<!tpu.dma_semaphore, #tpu.memory_space<semaphore_mem>>
    %dma_start3A_128 = arith.constant 0 : i32
    %dma_start3A_129 = tpu.memref_slice %arg21[%dma_start3A_119, %dma_start3A_120, %dma_start3A_128] : memref<2x14x2000xf32, #tpu.memory_space<vmem>> -> memref<1x1x2000xf32, #tpu.memory_space<vmem>>
    %dma_start3A_130 = tpu.memref_squeeze %dma_start3A_129 : memref<1x1x2000xf32, #tpu.memory_space<vmem>> -> memref<2000xf32, #tpu.memory_space<vmem>>
    %dma_start3A_131 = tpu.memref_slice %arg7[%mul3A_2] : memref<3200000xf32, #tpu.memory_space<hbm>> -> memref<2000xf32, #tpu.memory_space<hbm>>
    tpu.enqueue_dma source(%dma_start3A_131 : memref<2000xf32, #tpu.memory_space<hbm>>) target(%dma_start3A_130 : memref<2000xf32, #tpu.memory_space<vmem>>) target_semaphore(%dma_start3A_127 : memref<!tpu.dma_semaphore, #tpu.memory_space<semaphore_mem>>)
    %dma_start3A_132 = arith.constant 0 : i32
    %dma_start3A_133 = arith.constant 5 : i32
    %dma_start3A_134 = arith.constant 0 : i32
    %dma_start3A_135 = arith.constant 0 : i32
    %dma_start3A_136 = tpu.memref_slice %arg21[%dma_start3A_132, %dma_start3A_133, %dma_start3A_135] : memref<2x14x2000xf32, #tpu.memory_space<vmem>> -> memref<1x1x2000xf32, #tpu.memory_space<vmem>>
    %dma_start3A_137 = tpu.memref_squeeze %dma_start3A_136 : memref<1x1x2000xf32, #tpu.memory_space<vmem>> -> memref<2000xf32, #tpu.memory_space<vmem>>
    %dma_start3A_138 = tpu.memref_slice %arg8[%mul3A_2] : memref<3200000xf32, #tpu.memory_space<hbm>> -> memref<2000xf32, #tpu.memory_space<hbm>>
    %dma_start3A_139 = tpu.memref_slice %arg23[%dma_start3A_134] : memref<2x!tpu.dma_semaphore, #tpu.memory_space<semaphore_mem>> -> memref<1x!tpu.dma_semaphore, #tpu.memory_space<semaphore_mem>>
    %dma_start3A_140 = tpu.memref_squeeze %dma_start3A_139 : memref<1x!tpu.dma_semaphore, #tpu.memory_space<semaphore_mem>> -> memref<!tpu.dma_semaphore, #tpu.memory_space<semaphore_mem>>
    %dma_start3A_141 = arith.constant 0 : i32
    %dma_start3A_142 = tpu.memref_slice %arg21[%dma_start3A_132, %dma_start3A_133, %dma_start3A_141] : memref<2x14x2000xf32, #tpu.memory_space<vmem>> -> memref<1x1x2000xf32, #tpu.memory_space<vmem>>
    %dma_start3A_143 = tpu.memref_squeeze %dma_start3A_142 : memref<1x1x2000xf32, #tpu.memory_space<vmem>> -> memref<2000xf32, #tpu.memory_space<vmem>>
    %dma_start3A_144 = tpu.memref_slice %arg8[%mul3A_2] : memref<3200000xf32, #tpu.memory_space<hbm>> -> memref<2000xf32, #tpu.memory_space<hbm>>
    tpu.enqueue_dma source(%dma_start3A_144 : memref<2000xf32, #tpu.memory_space<hbm>>) target(%dma_start3A_143 : memref<2000xf32, #tpu.memory_space<vmem>>) target_semaphore(%dma_start3A_140 : memref<!tpu.dma_semaphore, #tpu.memory_space<semaphore_mem>>)
    %dma_start3A_145 = arith.constant 0 : i32
    %dma_start3A_146 = arith.constant 6 : i32
    %dma_start3A_147 = arith.constant 0 : i32
    %dma_start3A_148 = arith.constant 0 : i32
    %dma_start3A_149 = tpu.memref_slice %arg21[%dma_start3A_145, %dma_start3A_146, %dma_start3A_148] : memref<2x14x2000xf32, #tpu.memory_space<vmem>> -> memref<1x1x2000xf32, #tpu.memory_space<vmem>>
    %dma_start3A_150 = tpu.memref_squeeze %dma_start3A_149 : memref<1x1x2000xf32, #tpu.memory_space<vmem>> -> memref<2000xf32, #tpu.memory_space<vmem>>
    %dma_start3A_151 = tpu.memref_slice %arg9[%mul3A_2] : memref<3200000xf32, #tpu.memory_space<hbm>> -> memref<2000xf32, #tpu.memory_space<hbm>>
    %dma_start3A_152 = tpu.memref_slice %arg23[%dma_start3A_147] : memref<2x!tpu.dma_semaphore, #tpu.memory_space<semaphore_mem>> -> memref<1x!tpu.dma_semaphore, #tpu.memory_space<semaphore_mem>>
    %dma_start3A_153 = tpu.memref_squeeze %dma_start3A_152 : memref<1x!tpu.dma_semaphore, #tpu.memory_space<semaphore_mem>> -> memref<!tpu.dma_semaphore, #tpu.memory_space<semaphore_mem>>
    %dma_start3A_154 = arith.constant 0 : i32
    %dma_start3A_155 = tpu.memref_slice %arg21[%dma_start3A_145, %dma_start3A_146, %dma_start3A_154] : memref<2x14x2000xf32, #tpu.memory_space<vmem>> -> memref<1x1x2000xf32, #tpu.memory_space<vmem>>
    %dma_start3A_156 = tpu.memref_squeeze %dma_start3A_155 : memref<1x1x2000xf32, #tpu.memory_space<vmem>> -> memref<2000xf32, #tpu.memory_space<vmem>>
    %dma_start3A_157 = tpu.memref_slice %arg9[%mul3A_2] : memref<3200000xf32, #tpu.memory_space<hbm>> -> memref<2000xf32, #tpu.memory_space<hbm>>
    tpu.enqueue_dma source(%dma_start3A_157 : memref<2000xf32, #tpu.memory_space<hbm>>) target(%dma_start3A_156 : memref<2000xf32, #tpu.memory_space<vmem>>) target_semaphore(%dma_start3A_153 : memref<!tpu.dma_semaphore, #tpu.memory_space<semaphore_mem>>)
    %dma_start3A_158 = arith.constant 0 : i32
    %dma_start3A_159 = arith.constant 7 : i32
    %dma_start3A_160 = arith.constant 0 : i32
    %dma_start3A_161 = arith.constant 0 : i32
    %dma_start3A_162 = tpu.memref_slice %arg21[%dma_start3A_158, %dma_start3A_159, %dma_start3A_161] : memref<2x14x2000xf32, #tpu.memory_space<vmem>> -> memref<1x1x2000xf32, #tpu.memory_space<vmem>>
    %dma_start3A_163 = tpu.memref_squeeze %dma_start3A_162 : memref<1x1x2000xf32, #tpu.memory_space<vmem>> -> memref<2000xf32, #tpu.memory_space<vmem>>
    %dma_start3A_164 = tpu.memref_slice %arg10[%mul3A_2] : memref<3200000xf32, #tpu.memory_space<hbm>> -> memref<2000xf32, #tpu.memory_space<hbm>>
    %dma_start3A_165 = tpu.memref_slice %arg23[%dma_start3A_160] : memref<2x!tpu.dma_semaphore, #tpu.memory_space<semaphore_mem>> -> memref<1x!tpu.dma_semaphore, #tpu.memory_space<semaphore_mem>>
    %dma_start3A_166 = tpu.memref_squeeze %dma_start3A_165 : memref<1x!tpu.dma_semaphore, #tpu.memory_space<semaphore_mem>> -> memref<!tpu.dma_semaphore, #tpu.memory_space<semaphore_mem>>
    %dma_start3A_167 = arith.constant 0 : i32
    %dma_start3A_168 = tpu.memref_slice %arg21[%dma_start3A_158, %dma_start3A_159, %dma_start3A_167] : memref<2x14x2000xf32, #tpu.memory_space<vmem>> -> memref<1x1x2000xf32, #tpu.memory_space<vmem>>
    %dma_start3A_169 = tpu.memref_squeeze %dma_start3A_168 : memref<1x1x2000xf32, #tpu.memory_space<vmem>> -> memref<2000xf32, #tpu.memory_space<vmem>>
    %dma_start3A_170 = tpu.memref_slice %arg10[%mul3A_2] : memref<3200000xf32, #tpu.memory_space<hbm>> -> memref<2000xf32, #tpu.memory_space<hbm>>
    tpu.enqueue_dma source(%dma_start3A_170 : memref<2000xf32, #tpu.memory_space<hbm>>) target(%dma_start3A_169 : memref<2000xf32, #tpu.memory_space<vmem>>) target_semaphore(%dma_start3A_166 : memref<!tpu.dma_semaphore, #tpu.memory_space<semaphore_mem>>)
    %dma_start3A_171 = arith.constant 0 : i32
    %dma_start3A_172 = arith.constant 8 : i32
    %dma_start3A_173 = arith.constant 0 : i32
    %dma_start3A_174 = arith.constant 0 : i32
    %dma_start3A_175 = tpu.memref_slice %arg21[%dma_start3A_171, %dma_start3A_172, %dma_start3A_174] : memref<2x14x2000xf32, #tpu.memory_space<vmem>> -> memref<1x1x2000xf32, #tpu.memory_space<vmem>>
    %dma_start3A_176 = tpu.memref_squeeze %dma_start3A_175 : memref<1x1x2000xf32, #tpu.memory_space<vmem>> -> memref<2000xf32, #tpu.memory_space<vmem>>
    %dma_start3A_177 = tpu.memref_slice %arg11[%mul3A_2] : memref<3200000xf32, #tpu.memory_space<hbm>> -> memref<2000xf32, #tpu.memory_space<hbm>>
    %dma_start3A_178 = tpu.memref_slice %arg23[%dma_start3A_173] : memref<2x!tpu.dma_semaphore, #tpu.memory_space<semaphore_mem>> -> memref<1x!tpu.dma_semaphore, #tpu.memory_space<semaphore_mem>>
    %dma_start3A_179 = tpu.memref_squeeze %dma_start3A_178 : memref<1x!tpu.dma_semaphore, #tpu.memory_space<semaphore_mem>> -> memref<!tpu.dma_semaphore, #tpu.memory_space<semaphore_mem>>
    %dma_start3A_180 = arith.constant 0 : i32
    %dma_start3A_181 = tpu.memref_slice %arg21[%dma_start3A_171, %dma_start3A_172, %dma_start3A_180] : memref<2x14x2000xf32, #tpu.memory_space<vmem>> -> memref<1x1x2000xf32, #tpu.memory_space<vmem>>
    %dma_start3A_182 = tpu.memref_squeeze %dma_start3A_181 : memref<1x1x2000xf32, #tpu.memory_space<vmem>> -> memref<2000xf32, #tpu.memory_space<vmem>>
    %dma_start3A_183 = tpu.memref_slice %arg11[%mul3A_2] : memref<3200000xf32, #tpu.memory_space<hbm>> -> memref<2000xf32, #tpu.memory_space<hbm>>
    tpu.enqueue_dma source(%dma_start3A_183 : memref<2000xf32, #tpu.memory_space<hbm>>) target(%dma_start3A_182 : memref<2000xf32, #tpu.memory_space<vmem>>) target_semaphore(%dma_start3A_179 : memref<!tpu.dma_semaphore, #tpu.memory_space<semaphore_mem>>)
    %dma_start3A_184 = arith.constant 0 : i32
    %dma_start3A_185 = arith.constant 9 : i32
    %dma_start3A_186 = arith.constant 0 : i32
    %dma_start3A_187 = arith.constant 0 : i32
    %dma_start3A_188 = tpu.memref_slice %arg21[%dma_start3A_184, %dma_start3A_185, %dma_start3A_187] : memref<2x14x2000xf32, #tpu.memory_space<vmem>> -> memref<1x1x2000xf32, #tpu.memory_space<vmem>>
    %dma_start3A_189 = tpu.memref_squeeze %dma_start3A_188 : memref<1x1x2000xf32, #tpu.memory_space<vmem>> -> memref<2000xf32, #tpu.memory_space<vmem>>
    %dma_start3A_190 = tpu.memref_slice %arg12[%mul3A_2] : memref<3200000xf32, #tpu.memory_space<hbm>> -> memref<2000xf32, #tpu.memory_space<hbm>>
    %dma_start3A_191 = tpu.memref_slice %arg23[%dma_start3A_186] : memref<2x!tpu.dma_semaphore, #tpu.memory_space<semaphore_mem>> -> memref<1x!tpu.dma_semaphore, #tpu.memory_space<semaphore_mem>>
    %dma_start3A_192 = tpu.memref_squeeze %dma_start3A_191 : memref<1x!tpu.dma_semaphore, #tpu.memory_space<semaphore_mem>> -> memref<!tpu.dma_semaphore, #tpu.memory_space<semaphore_mem>>
    %dma_start3A_193 = arith.constant 0 : i32
    %dma_start3A_194 = tpu.memref_slice %arg21[%dma_start3A_184, %dma_start3A_185, %dma_start3A_193] : memref<2x14x2000xf32, #tpu.memory_space<vmem>> -> memref<1x1x2000xf32, #tpu.memory_space<vmem>>
    %dma_start3A_195 = tpu.memref_squeeze %dma_start3A_194 : memref<1x1x2000xf32, #tpu.memory_space<vmem>> -> memref<2000xf32, #tpu.memory_space<vmem>>
    %dma_start3A_196 = tpu.memref_slice %arg12[%mul3A_2] : memref<3200000xf32, #tpu.memory_space<hbm>> -> memref<2000xf32, #tpu.memory_space<hbm>>
    tpu.enqueue_dma source(%dma_start3A_196 : memref<2000xf32, #tpu.memory_space<hbm>>) target(%dma_start3A_195 : memref<2000xf32, #tpu.memory_space<vmem>>) target_semaphore(%dma_start3A_192 : memref<!tpu.dma_semaphore, #tpu.memory_space<semaphore_mem>>)
    %dma_start3A_197 = arith.constant 0 : i32
    %dma_start3A_198 = arith.constant 10 : i32
    %dma_start3A_199 = arith.constant 0 : i32
    %dma_start3A_200 = arith.constant 0 : i32
    %dma_start3A_201 = tpu.memref_slice %arg21[%dma_start3A_197, %dma_start3A_198, %dma_start3A_200] : memref<2x14x2000xf32, #tpu.memory_space<vmem>> -> memref<1x1x2000xf32, #tpu.memory_space<vmem>>
    %dma_start3A_202 = tpu.memref_squeeze %dma_start3A_201 : memref<1x1x2000xf32, #tpu.memory_space<vmem>> -> memref<2000xf32, #tpu.memory_space<vmem>>
    %dma_start3A_203 = tpu.memref_slice %arg13[%mul3A_2] : memref<3200000xf32, #tpu.memory_space<hbm>> -> memref<2000xf32, #tpu.memory_space<hbm>>
    %dma_start3A_204 = tpu.memref_slice %arg23[%dma_start3A_199] : memref<2x!tpu.dma_semaphore, #tpu.memory_space<semaphore_mem>> -> memref<1x!tpu.dma_semaphore, #tpu.memory_space<semaphore_mem>>
    %dma_start3A_205 = tpu.memref_squeeze %dma_start3A_204 : memref<1x!tpu.dma_semaphore, #tpu.memory_space<semaphore_mem>> -> memref<!tpu.dma_semaphore, #tpu.memory_space<semaphore_mem>>
    %dma_start3A_206 = arith.constant 0 : i32
    %dma_start3A_207 = tpu.memref_slice %arg21[%dma_start3A_197, %dma_start3A_198, %dma_start3A_206] : memref<2x14x2000xf32, #tpu.memory_space<vmem>> -> memref<1x1x2000xf32, #tpu.memory_space<vmem>>
    %dma_start3A_208 = tpu.memref_squeeze %dma_start3A_207 : memref<1x1x2000xf32, #tpu.memory_space<vmem>> -> memref<2000xf32, #tpu.memory_space<vmem>>
    %dma_start3A_209 = tpu.memref_slice %arg13[%mul3A_2] : memref<3200000xf32, #tpu.memory_space<hbm>> -> memref<2000xf32, #tpu.memory_space<hbm>>
    tpu.enqueue_dma source(%dma_start3A_209 : memref<2000xf32, #tpu.memory_space<hbm>>) target(%dma_start3A_208 : memref<2000xf32, #tpu.memory_space<vmem>>) target_semaphore(%dma_start3A_205 : memref<!tpu.dma_semaphore, #tpu.memory_space<semaphore_mem>>)
    %dma_start3A_210 = arith.constant 0 : i32
    %dma_start3A_211 = arith.constant 11 : i32
    %dma_start3A_212 = arith.constant 0 : i32
    %dma_start3A_213 = arith.constant 0 : i32
    %dma_start3A_214 = tpu.memref_slice %arg21[%dma_start3A_210, %dma_start3A_211, %dma_start3A_213] : memref<2x14x2000xf32, #tpu.memory_space<vmem>> -> memref<1x1x2000xf32, #tpu.memory_space<vmem>>
    %dma_start3A_215 = tpu.memref_squeeze %dma_start3A_214 : memref<1x1x2000xf32, #tpu.memory_space<vmem>> -> memref<2000xf32, #tpu.memory_space<vmem>>
    %dma_start3A_216 = tpu.memref_slice %arg14[%mul3A_2] : memref<3200000xf32, #tpu.memory_space<hbm>> -> memref<2000xf32, #tpu.memory_space<hbm>>
    %dma_start3A_217 = tpu.memref_slice %arg23[%dma_start3A_212] : memref<2x!tpu.dma_semaphore, #tpu.memory_space<semaphore_mem>> -> memref<1x!tpu.dma_semaphore, #tpu.memory_space<semaphore_mem>>
    %dma_start3A_218 = tpu.memref_squeeze %dma_start3A_217 : memref<1x!tpu.dma_semaphore, #tpu.memory_space<semaphore_mem>> -> memref<!tpu.dma_semaphore, #tpu.memory_space<semaphore_mem>>
    %dma_start3A_219 = arith.constant 0 : i32
    %dma_start3A_220 = tpu.memref_slice %arg21[%dma_start3A_210, %dma_start3A_211, %dma_start3A_219] : memref<2x14x2000xf32, #tpu.memory_space<vmem>> -> memref<1x1x2000xf32, #tpu.memory_space<vmem>>
    %dma_start3A_221 = tpu.memref_squeeze %dma_start3A_220 : memref<1x1x2000xf32, #tpu.memory_space<vmem>> -> memref<2000xf32, #tpu.memory_space<vmem>>
    %dma_start3A_222 = tpu.memref_slice %arg14[%mul3A_2] : memref<3200000xf32, #tpu.memory_space<hbm>> -> memref<2000xf32, #tpu.memory_space<hbm>>
    tpu.enqueue_dma source(%dma_start3A_222 : memref<2000xf32, #tpu.memory_space<hbm>>) target(%dma_start3A_221 : memref<2000xf32, #tpu.memory_space<vmem>>) target_semaphore(%dma_start3A_218 : memref<!tpu.dma_semaphore, #tpu.memory_space<semaphore_mem>>)
    %dma_start3A_223 = arith.constant 0 : i32
    %dma_start3A_224 = arith.constant 12 : i32
    %dma_start3A_225 = arith.constant 0 : i32
    %dma_start3A_226 = arith.constant 0 : i32
    %dma_start3A_227 = tpu.memref_slice %arg21[%dma_start3A_223, %dma_start3A_224, %dma_start3A_226] : memref<2x14x2000xf32, #tpu.memory_space<vmem>> -> memref<1x1x2000xf32, #tpu.memory_space<vmem>>
    %dma_start3A_228 = tpu.memref_squeeze %dma_start3A_227 : memref<1x1x2000xf32, #tpu.memory_space<vmem>> -> memref<2000xf32, #tpu.memory_space<vmem>>
    %dma_start3A_229 = tpu.memref_slice %arg15[%mul3A_2] : memref<3200000xf32, #tpu.memory_space<hbm>> -> memref<2000xf32, #tpu.memory_space<hbm>>
    %dma_start3A_230 = tpu.memref_slice %arg23[%dma_start3A_225] : memref<2x!tpu.dma_semaphore, #tpu.memory_space<semaphore_mem>> -> memref<1x!tpu.dma_semaphore, #tpu.memory_space<semaphore_mem>>
    %dma_start3A_231 = tpu.memref_squeeze %dma_start3A_230 : memref<1x!tpu.dma_semaphore, #tpu.memory_space<semaphore_mem>> -> memref<!tpu.dma_semaphore, #tpu.memory_space<semaphore_mem>>
    %dma_start3A_232 = arith.constant 0 : i32
    %dma_start3A_233 = tpu.memref_slice %arg21[%dma_start3A_223, %dma_start3A_224, %dma_start3A_232] : memref<2x14x2000xf32, #tpu.memory_space<vmem>> -> memref<1x1x2000xf32, #tpu.memory_space<vmem>>
    %dma_start3A_234 = tpu.memref_squeeze %dma_start3A_233 : memref<1x1x2000xf32, #tpu.memory_space<vmem>> -> memref<2000xf32, #tpu.memory_space<vmem>>
    %dma_start3A_235 = tpu.memref_slice %arg15[%mul3A_2] : memref<3200000xf32, #tpu.memory_space<hbm>> -> memref<2000xf32, #tpu.memory_space<hbm>>
    tpu.enqueue_dma source(%dma_start3A_235 : memref<2000xf32, #tpu.memory_space<hbm>>) target(%dma_start3A_234 : memref<2000xf32, #tpu.memory_space<vmem>>) target_semaphore(%dma_start3A_231 : memref<!tpu.dma_semaphore, #tpu.memory_space<semaphore_mem>>)
    %dma_start3A_236 = arith.constant 0 : i32
    %dma_start3A_237 = arith.constant 13 : i32
    %dma_start3A_238 = arith.constant 0 : i32
    %dma_start3A_239 = arith.constant 0 : i32
    %dma_start3A_240 = tpu.memref_slice %arg21[%dma_start3A_236, %dma_start3A_237, %dma_start3A_239] : memref<2x14x2000xf32, #tpu.memory_space<vmem>> -> memref<1x1x2000xf32, #tpu.memory_space<vmem>>
    %dma_start3A_241 = tpu.memref_squeeze %dma_start3A_240 : memref<1x1x2000xf32, #tpu.memory_space<vmem>> -> memref<2000xf32, #tpu.memory_space<vmem>>
    %dma_start3A_242 = tpu.memref_slice %arg16[%mul3A_2] : memref<3200000xf32, #tpu.memory_space<hbm>> -> memref<2000xf32, #tpu.memory_space<hbm>>
    %dma_start3A_243 = tpu.memref_slice %arg23[%dma_start3A_238] : memref<2x!tpu.dma_semaphore, #tpu.memory_space<semaphore_mem>> -> memref<1x!tpu.dma_semaphore, #tpu.memory_space<semaphore_mem>>
    %dma_start3A_244 = tpu.memref_squeeze %dma_start3A_243 : memref<1x!tpu.dma_semaphore, #tpu.memory_space<semaphore_mem>> -> memref<!tpu.dma_semaphore, #tpu.memory_space<semaphore_mem>>
    %dma_start3A_245 = arith.constant 0 : i32
    %dma_start3A_246 = tpu.memref_slice %arg21[%dma_start3A_236, %dma_start3A_237, %dma_start3A_245] : memref<2x14x2000xf32, #tpu.memory_space<vmem>> -> memref<1x1x2000xf32, #tpu.memory_space<vmem>>
    %dma_start3A_247 = tpu.memref_squeeze %dma_start3A_246 : memref<1x1x2000xf32, #tpu.memory_space<vmem>> -> memref<2000xf32, #tpu.memory_space<vmem>>
    %dma_start3A_248 = tpu.memref_slice %arg16[%mul3A_2] : memref<3200000xf32, #tpu.memory_space<hbm>> -> memref<2000xf32, #tpu.memory_space<hbm>>
    tpu.enqueue_dma source(%dma_start3A_248 : memref<2000xf32, #tpu.memory_space<hbm>>) target(%dma_start3A_247 : memref<2000xf32, #tpu.memory_space<vmem>>) target_semaphore(%dma_start3A_244 : memref<!tpu.dma_semaphore, #tpu.memory_space<semaphore_mem>>)
    %add3A_249 = arith.constant 2000 : i32
    %add3A_250 = arith.addi %mul3A_2, %add3A_249 : i32
    %dma_start3A_251 = arith.constant 1 : i32
    %dma_start3A_252 = arith.constant 1 : i32
    %dma_start3A_253 = arith.constant 0 : i32
    %dma_start3A_254 = tpu.memref_slice %arg19[%dma_start3A_251, %dma_start3A_253] : memref<2x2000xi32, #tpu.memory_space<vmem>> -> memref<1x2000xi32, #tpu.memory_space<vmem>>
    %dma_start3A_255 = tpu.memref_squeeze %dma_start3A_254 : memref<1x2000xi32, #tpu.memory_space<vmem>> -> memref<2000xi32, #tpu.memory_space<vmem>>
    %dma_start3A_256 = tpu.memref_slice %arg17[%add3A_250] : memref<3200000xi32, #tpu.memory_space<hbm>> -> memref<2000xi32, #tpu.memory_space<hbm>>
    %dma_start3A_257 = tpu.memref_slice %arg24[%dma_start3A_252] : memref<2x!tpu.dma_semaphore, #tpu.memory_space<semaphore_mem>> -> memref<1x!tpu.dma_semaphore, #tpu.memory_space<semaphore_mem>>
    %dma_start3A_258 = tpu.memref_squeeze %dma_start3A_257 : memref<1x!tpu.dma_semaphore, #tpu.memory_space<semaphore_mem>> -> memref<!tpu.dma_semaphore, #tpu.memory_space<semaphore_mem>>
    %dma_start3A_259 = arith.constant 0 : i32
    %dma_start3A_260 = tpu.memref_slice %arg19[%dma_start3A_251, %dma_start3A_259] : memref<2x2000xi32, #tpu.memory_space<vmem>> -> memref<1x2000xi32, #tpu.memory_space<vmem>>
    %dma_start3A_261 = tpu.memref_squeeze %dma_start3A_260 : memref<1x2000xi32, #tpu.memory_space<vmem>> -> memref<2000xi32, #tpu.memory_space<vmem>>
    %dma_start3A_262 = tpu.memref_slice %arg17[%add3A_250] : memref<3200000xi32, #tpu.memory_space<hbm>> -> memref<2000xi32, #tpu.memory_space<hbm>>
    tpu.enqueue_dma source(%dma_start3A_262 : memref<2000xi32, #tpu.memory_space<hbm>>) target(%dma_start3A_261 : memref<2000xi32, #tpu.memory_space<vmem>>) target_semaphore(%dma_start3A_258 : memref<!tpu.dma_semaphore, #tpu.memory_space<semaphore_mem>>)
    %broadcast_in_dim3A_263 = arith.constant 0.000000e+00 : f32
    %broadcast_in_dim3A_264 = vector.broadcast %broadcast_in_dim3A_263 : f32 to vector<16xf32>
    %scan3A = arith.constant 0 : i32
    %scan3A_265 = arith.constant 25 : i32
    %scan3A_266 = arith.addi %scan3A, %scan3A_265 : i32
    %scan3A_267 = arith.constant 1 : i32
    %scan3A_268 = scf.for %scan3A_276 = %scan3A to %scan3A_266 step %scan3A_267 iter_args(%scan3A_277 = %broadcast_in_dim3A_264) -> (vector<16xf32>)  : i32 {
      %mul3A_278 = arith.constant 2 : i32
      %mul3A_279 = arith.muli %mul3A_278, %scan3A_276 : i32
      %mul3A_280 = arith.constant 2000 : i32
      %mul3A_281 = arith.muli %mul3A_279, %mul3A_280 : i32
      %add3A_282 = arith.addi %mul3A_2, %mul3A_281 : i32
      %dma_wait3A_283 = arith.constant 1 : i32
      %dma_wait3A_284 = arith.constant 1 : i32
      %dma_wait3A_285 = arith.constant 0 : i32
      %dma_wait3A_286 = tpu.memref_slice %arg19[%dma_wait3A_283, %dma_wait3A_285] : memref<2x2000xi32, #tpu.memory_space<vmem>> -> memref<1x2000xi32, #tpu.memory_space<vmem>>
      %dma_wait3A_287 = tpu.memref_squeeze %dma_wait3A_286 : memref<1x2000xi32, #tpu.memory_space<vmem>> -> memref<2000xi32, #tpu.memory_space<vmem>>
      %dma_wait3A_288 = arith.constant 0 : i32
      %dma_wait3A_289 = tpu.memref_slice %arg17[%dma_wait3A_288] : memref<3200000xi32, #tpu.memory_space<hbm>> -> memref<2000xi32, #tpu.memory_space<hbm>>
      %dma_wait3A_290 = tpu.memref_slice %arg24[%dma_wait3A_284] : memref<2x!tpu.dma_semaphore, #tpu.memory_space<semaphore_mem>> -> memref<1x!tpu.dma_semaphore, #tpu.memory_space<semaphore_mem>>
      %dma_wait3A_291 = tpu.memref_squeeze %dma_wait3A_290 : memref<1x!tpu.dma_semaphore, #tpu.memory_space<semaphore_mem>> -> memref<!tpu.dma_semaphore, #tpu.memory_space<semaphore_mem>>
      %dma_wait3A_292 = arith.constant 0 : i32
      %dma_wait3A_293 = tpu.memref_slice %arg19[%dma_wait3A_283, %dma_wait3A_292] : memref<2x2000xi32, #tpu.memory_space<vmem>> -> memref<1x2000xi32, #tpu.memory_space<vmem>>
      %dma_wait3A_294 = tpu.memref_squeeze %dma_wait3A_293 : memref<1x2000xi32, #tpu.memory_space<vmem>> -> memref<2000xi32, #tpu.memory_space<vmem>>
      %dma_wait3A_295 = arith.constant 0 : i32
      %dma_wait3A_296 = tpu.memref_slice %arg17[%dma_wait3A_295] : memref<3200000xi32, #tpu.memory_space<hbm>> -> memref<2000xi32, #tpu.memory_space<hbm>>
      tpu.wait_dma2 semaphore(%dma_wait3A_291 : memref<!tpu.dma_semaphore, #tpu.memory_space<semaphore_mem>>) src(%dma_wait3A_296 : memref<2000xi32, #tpu.memory_space<hbm>>) dst(%dma_wait3A_294 : memref<2000xi32, #tpu.memory_space<vmem>>)
      %add3A_297 = arith.constant 2000 : i32
      %add3A_298 = arith.addi %add3A_282, %add3A_297 : i32
      %dma_start3A_299 = arith.constant 1 : i32
      %dma_start3A_300 = arith.constant 1 : i32
      %dma_start3A_301 = arith.constant 1 : i32
      %dma_start3A_302 = arith.constant 0 : i32
      %dma_start3A_303 = arith.constant 0 : i32
      %dma_start3A_304 = tpu.memref_slice %arg20[%dma_start3A_300, %dma_start3A_302, %dma_start3A_303] : memref<2x2000x16xf32, #tpu.memory_space<vmem>> -> memref<1x2000x16xf32, #tpu.memory_space<vmem>>
      %dma_start3A_305 = tpu.memref_squeeze %dma_start3A_304 : memref<1x2000x16xf32, #tpu.memory_space<vmem>> -> memref<2000x16xf32, #tpu.memory_space<vmem>>
      %dma_start3A_306 = arith.constant 0 : i32
      %dma_start3A_307 = tpu.memref_slice %arg19[%dma_start3A_299, %dma_start3A_306] : memref<2x2000xi32, #tpu.memory_space<vmem>> -> memref<1x2000xi32, #tpu.memory_space<vmem>>
      %dma_start3A_308 = tpu.memref_squeeze %dma_start3A_307 : memref<1x2000xi32, #tpu.memory_space<vmem>> -> memref<2000xi32, #tpu.memory_space<vmem>>
      %dma_start3A_309 = arith.constant 0 : i32
      %dma_start3A_310 = arith.constant 0 : i32
      %dma_start3A_311 = tpu.memref_slice %arg2[%dma_start3A_309, %dma_start3A_310] : memref<50000x16xf32, #tpu.memory_space<hbm>> -> memref<50000x16xf32, #tpu.memory_space<hbm>>
      %dma_start3A_312 = tpu.memref_slice %arg23[%dma_start3A_301] : memref<2x!tpu.dma_semaphore, #tpu.memory_space<semaphore_mem>> -> memref<1x!tpu.dma_semaphore, #tpu.memory_space<semaphore_mem>>
      %dma_start3A_313 = tpu.memref_squeeze %dma_start3A_312 : memref<1x!tpu.dma_semaphore, #tpu.memory_space<semaphore_mem>> -> memref<!tpu.dma_semaphore, #tpu.memory_space<semaphore_mem>>
      tpu.enqueue_indirect_dma source(%dma_start3A_311 : memref<50000x16xf32, #tpu.memory_space<hbm>>) target(%dma_start3A_305 : memref<2000x16xf32, #tpu.memory_space<vmem>>) offsets(%dma_start3A_308 : memref<2000xi32, #tpu.memory_space<vmem>>) semaphore(%dma_start3A_313 : memref<!tpu.dma_semaphore, #tpu.memory_space<semaphore_mem>>)
      %dma_start3A_314 = arith.constant 1 : i32
      %dma_start3A_315 = arith.constant 0 : i32
      %dma_start3A_316 = arith.constant 1 : i32
      %dma_start3A_317 = arith.constant 0 : i32
      %dma_start3A_318 = tpu.memref_slice %arg21[%dma_start3A_314, %dma_start3A_315, %dma_start3A_317] : memref<2x14x2000xf32, #tpu.memory_space<vmem>> -> memref<1x1x2000xf32, #tpu.memory_space<vmem>>
      %dma_start3A_319 = tpu.memref_squeeze %dma_start3A_318 : memref<1x1x2000xf32, #tpu.memory_space<vmem>> -> memref<2000xf32, #tpu.memory_space<vmem>>
      %dma_start3A_320 = tpu.memref_slice %arg3[%add3A_298] : memref<3200000xf32, #tpu.memory_space<hbm>> -> memref<2000xf32, #tpu.memory_space<hbm>>
      %dma_start3A_321 = tpu.memref_slice %arg23[%dma_start3A_316] : memref<2x!tpu.dma_semaphore, #tpu.memory_space<semaphore_mem>> -> memref<1x!tpu.dma_semaphore, #tpu.memory_space<semaphore_mem>>
      %dma_start3A_322 = tpu.memref_squeeze %dma_start3A_321 : memref<1x!tpu.dma_semaphore, #tpu.memory_space<semaphore_mem>> -> memref<!tpu.dma_semaphore, #tpu.memory_space<semaphore_mem>>
      %dma_start3A_323 = arith.constant 0 : i32
      %dma_start3A_324 = tpu.memref_slice %arg21[%dma_start3A_314, %dma_start3A_315, %dma_start3A_323] : memref<2x14x2000xf32, #tpu.memory_space<vmem>> -> memref<1x1x2000xf32, #tpu.memory_space<vmem>>
      %dma_start3A_325 = tpu.memref_squeeze %dma_start3A_324 : memref<1x1x2000xf32, #tpu.memory_space<vmem>> -> memref<2000xf32, #tpu.memory_space<vmem>>
      %dma_start3A_326 = tpu.memref_slice %arg3[%add3A_298] : memref<3200000xf32, #tpu.memory_space<hbm>> -> memref<2000xf32, #tpu.memory_space<hbm>>
      tpu.enqueue_dma source(%dma_start3A_326 : memref<2000xf32, #tpu.memory_space<hbm>>) target(%dma_start3A_325 : memref<2000xf32, #tpu.memory_space<vmem>>) target_semaphore(%dma_start3A_322 : memref<!tpu.dma_semaphore, #tpu.memory_space<semaphore_mem>>)
      %dma_start3A_327 = arith.constant 1 : i32
      %dma_start3A_328 = arith.constant 1 : i32
      %dma_start3A_329 = arith.constant 1 : i32
      %dma_start3A_330 = arith.constant 0 : i32
      %dma_start3A_331 = tpu.memref_slice %arg21[%dma_start3A_327, %dma_start3A_328, %dma_start3A_330] : memref<2x14x2000xf32, #tpu.memory_space<vmem>> -> memref<1x1x2000xf32, #tpu.memory_space<vmem>>
      %dma_start3A_332 = tpu.memref_squeeze %dma_start3A_331 : memref<1x1x2000xf32, #tpu.memory_space<vmem>> -> memref<2000xf32, #tpu.memory_space<vmem>>
      %dma_start3A_333 = tpu.memref_slice %arg4[%add3A_298] : memref<3200000xf32, #tpu.memory_space<hbm>> -> memref<2000xf32, #tpu.memory_space<hbm>>
      %dma_start3A_334 = tpu.memref_slice %arg23[%dma_start3A_329] : memref<2x!tpu.dma_semaphore, #tpu.memory_space<semaphore_mem>> -> memref<1x!tpu.dma_semaphore, #tpu.memory_space<semaphore_mem>>
      %dma_start3A_335 = tpu.memref_squeeze %dma_start3A_334 : memref<1x!tpu.dma_semaphore, #tpu.memory_space<semaphore_mem>> -> memref<!tpu.dma_semaphore, #tpu.memory_space<semaphore_mem>>
      %dma_start3A_336 = arith.constant 0 : i32
      %dma_start3A_337 = tpu.memref_slice %arg21[%dma_start3A_327, %dma_start3A_328, %dma_start3A_336] : memref<2x14x2000xf32, #tpu.memory_space<vmem>> -> memref<1x1x2000xf32, #tpu.memory_space<vmem>>
      %dma_start3A_338 = tpu.memref_squeeze %dma_start3A_337 : memref<1x1x2000xf32, #tpu.memory_space<vmem>> -> memref<2000xf32, #tpu.memory_space<vmem>>
      %dma_start3A_339 = tpu.memref_slice %arg4[%add3A_298] : memref<3200000xf32, #tpu.memory_space<hbm>> -> memref<2000xf32, #tpu.memory_space<hbm>>
      tpu.enqueue_dma source(%dma_start3A_339 : memref<2000xf32, #tpu.memory_space<hbm>>) target(%dma_start3A_338 : memref<2000xf32, #tpu.memory_space<vmem>>) target_semaphore(%dma_start3A_335 : memref<!tpu.dma_semaphore, #tpu.memory_space<semaphore_mem>>)
      %dma_start3A_340 = arith.constant 1 : i32
      %dma_start3A_341 = arith.constant 2 : i32
      %dma_start3A_342 = arith.constant 1 : i32
      %dma_start3A_343 = arith.constant 0 : i32
      %dma_start3A_344 = tpu.memref_slice %arg21[%dma_start3A_340, %dma_start3A_341, %dma_start3A_343] : memref<2x14x2000xf32, #tpu.memory_space<vmem>> -> memref<1x1x2000xf32, #tpu.memory_space<vmem>>
      %dma_start3A_345 = tpu.memref_squeeze %dma_start3A_344 : memref<1x1x2000xf32, #tpu.memory_space<vmem>> -> memref<2000xf32, #tpu.memory_space<vmem>>
      %dma_start3A_346 = tpu.memref_slice %arg5[%add3A_298] : memref<3200000xf32, #tpu.memory_space<hbm>> -> memref<2000xf32, #tpu.memory_space<hbm>>
      %dma_start3A_347 = tpu.memref_slice %arg23[%dma_start3A_342] : memref<2x!tpu.dma_semaphore, #tpu.memory_space<semaphore_mem>> -> memref<1x!tpu.dma_semaphore, #tpu.memory_space<semaphore_mem>>
      %dma_start3A_348 = tpu.memref_squeeze %dma_start3A_347 : memref<1x!tpu.dma_semaphore, #tpu.memory_space<semaphore_mem>> -> memref<!tpu.dma_semaphore, #tpu.memory_space<semaphore_mem>>
      %dma_start3A_349 = arith.constant 0 : i32
      %dma_start3A_350 = tpu.memref_slice %arg21[%dma_start3A_340, %dma_start3A_341, %dma_start3A_349] : memref<2x14x2000xf32, #tpu.memory_space<vmem>> -> memref<1x1x2000xf32, #tpu.memory_space<vmem>>
      %dma_start3A_351 = tpu.memref_squeeze %dma_start3A_350 : memref<1x1x2000xf32, #tpu.memory_space<vmem>> -> memref<2000xf32, #tpu.memory_space<vmem>>
      %dma_start3A_352 = tpu.memref_slice %arg5[%add3A_298] : memref<3200000xf32, #tpu.memory_space<hbm>> -> memref<2000xf32, #tpu.memory_space<hbm>>
      tpu.enqueue_dma source(%dma_start3A_352 : memref<2000xf32, #tpu.memory_space<hbm>>) target(%dma_start3A_351 : memref<2000xf32, #tpu.memory_space<vmem>>) target_semaphore(%dma_start3A_348 : memref<!tpu.dma_semaphore, #tpu.memory_space<semaphore_mem>>)
      %dma_start3A_353 = arith.constant 1 : i32
      %dma_start3A_354 = arith.constant 3 : i32
      %dma_start3A_355 = arith.constant 1 : i32
      %dma_start3A_356 = arith.constant 0 : i32
      %dma_start3A_357 = tpu.memref_slice %arg21[%dma_start3A_353, %dma_start3A_354, %dma_start3A_356] : memref<2x14x2000xf32, #tpu.memory_space<vmem>> -> memref<1x1x2000xf32, #tpu.memory_space<vmem>>
      %dma_start3A_358 = tpu.memref_squeeze %dma_start3A_357 : memref<1x1x2000xf32, #tpu.memory_space<vmem>> -> memref<2000xf32, #tpu.memory_space<vmem>>
      %dma_start3A_359 = tpu.memref_slice %arg6[%add3A_298] : memref<3200000xf32, #tpu.memory_space<hbm>> -> memref<2000xf32, #tpu.memory_space<hbm>>
      %dma_start3A_360 = tpu.memref_slice %arg23[%dma_start3A_355] : memref<2x!tpu.dma_semaphore, #tpu.memory_space<semaphore_mem>> -> memref<1x!tpu.dma_semaphore, #tpu.memory_space<semaphore_mem>>
      %dma_start3A_361 = tpu.memref_squeeze %dma_start3A_360 : memref<1x!tpu.dma_semaphore, #tpu.memory_space<semaphore_mem>> -> memref<!tpu.dma_semaphore, #tpu.memory_space<semaphore_mem>>
      %dma_start3A_362 = arith.constant 0 : i32
      %dma_start3A_363 = tpu.memref_slice %arg21[%dma_start3A_353, %dma_start3A_354, %dma_start3A_362] : memref<2x14x2000xf32, #tpu.memory_space<vmem>> -> memref<1x1x2000xf32, #tpu.memory_space<vmem>>
      %dma_start3A_364 = tpu.memref_squeeze %dma_start3A_363 : memref<1x1x2000xf32, #tpu.memory_space<vmem>> -> memref<2000xf32, #tpu.memory_space<vmem>>
      %dma_start3A_365 = tpu.memref_slice %arg6[%add3A_298] : memref<3200000xf32, #tpu.memory_space<hbm>> -> memref<2000xf32, #tpu.memory_space<hbm>>
      tpu.enqueue_dma source(%dma_start3A_365 : memref<2000xf32, #tpu.memory_space<hbm>>) target(%dma_start3A_364 : memref<2000xf32, #tpu.memory_space<vmem>>) target_semaphore(%dma_start3A_361 : memref<!tpu.dma_semaphore, #tpu.memory_space<semaphore_mem>>)
      %dma_start3A_366 = arith.constant 1 : i32
      %dma_start3A_367 = arith.constant 4 : i32
      %dma_start3A_368 = arith.constant 1 : i32
      %dma_start3A_369 = arith.constant 0 : i32
      %dma_start3A_370 = tpu.memref_slice %arg21[%dma_start3A_366, %dma_start3A_367, %dma_start3A_369] : memref<2x14x2000xf32, #tpu.memory_space<vmem>> -> memref<1x1x2000xf32, #tpu.memory_space<vmem>>
      %dma_start3A_371 = tpu.memref_squeeze %dma_start3A_370 : memref<1x1x2000xf32, #tpu.memory_space<vmem>> -> memref<2000xf32, #tpu.memory_space<vmem>>
      %dma_start3A_372 = tpu.memref_slice %arg7[%add3A_298] : memref<3200000xf32, #tpu.memory_space<hbm>> -> memref<2000xf32, #tpu.memory_space<hbm>>
      %dma_start3A_373 = tpu.memref_slice %arg23[%dma_start3A_368] : memref<2x!tpu.dma_semaphore, #tpu.memory_space<semaphore_mem>> -> memref<1x!tpu.dma_semaphore, #tpu.memory_space<semaphore_mem>>
      %dma_start3A_374 = tpu.memref_squeeze %dma_start3A_373 : memref<1x!tpu.dma_semaphore, #tpu.memory_space<semaphore_mem>> -> memref<!tpu.dma_semaphore, #tpu.memory_space<semaphore_mem>>
      %dma_start3A_375 = arith.constant 0 : i32
      %dma_start3A_376 = tpu.memref_slice %arg21[%dma_start3A_366, %dma_start3A_367, %dma_start3A_375] : memref<2x14x2000xf32, #tpu.memory_space<vmem>> -> memref<1x1x2000xf32, #tpu.memory_space<vmem>>
      %dma_start3A_377 = tpu.memref_squeeze %dma_start3A_376 : memref<1x1x2000xf32, #tpu.memory_space<vmem>> -> memref<2000xf32, #tpu.memory_space<vmem>>
      %dma_start3A_378 = tpu.memref_slice %arg7[%add3A_298] : memref<3200000xf32, #tpu.memory_space<hbm>> -> memref<2000xf32, #tpu.memory_space<hbm>>
      tpu.enqueue_dma source(%dma_start3A_378 : memref<2000xf32, #tpu.memory_space<hbm>>) target(%dma_start3A_377 : memref<2000xf32, #tpu.memory_space<vmem>>) target_semaphore(%dma_start3A_374 : memref<!tpu.dma_semaphore, #tpu.memory_space<semaphore_mem>>)
      %dma_start3A_379 = arith.constant 1 : i32
      %dma_start3A_380 = arith.constant 5 : i32
      %dma_start3A_381 = arith.constant 1 : i32
      %dma_start3A_382 = arith.constant 0 : i32
      %dma_start3A_383 = tpu.memref_slice %arg21[%dma_start3A_379, %dma_start3A_380, %dma_start3A_382] : memref<2x14x2000xf32, #tpu.memory_space<vmem>> -> memref<1x1x2000xf32, #tpu.memory_space<vmem>>
      %dma_start3A_384 = tpu.memref_squeeze %dma_start3A_383 : memref<1x1x2000xf32, #tpu.memory_space<vmem>> -> memref<2000xf32, #tpu.memory_space<vmem>>
      %dma_start3A_385 = tpu.memref_slice %arg8[%add3A_298] : memref<3200000xf32, #tpu.memory_space<hbm>> -> memref<2000xf32, #tpu.memory_space<hbm>>
      %dma_start3A_386 = tpu.memref_slice %arg23[%dma_start3A_381] : memref<2x!tpu.dma_semaphore, #tpu.memory_space<semaphore_mem>> -> memref<1x!tpu.dma_semaphore, #tpu.memory_space<semaphore_mem>>
      %dma_start3A_387 = tpu.memref_squeeze %dma_start3A_386 : memref<1x!tpu.dma_semaphore, #tpu.memory_space<semaphore_mem>> -> memref<!tpu.dma_semaphore, #tpu.memory_space<semaphore_mem>>
      %dma_start3A_388 = arith.constant 0 : i32
      %dma_start3A_389 = tpu.memref_slice %arg21[%dma_start3A_379, %dma_start3A_380, %dma_start3A_388] : memref<2x14x2000xf32, #tpu.memory_space<vmem>> -> memref<1x1x2000xf32, #tpu.memory_space<vmem>>
      %dma_start3A_390 = tpu.memref_squeeze %dma_start3A_389 : memref<1x1x2000xf32, #tpu.memory_space<vmem>> -> memref<2000xf32, #tpu.memory_space<vmem>>
      %dma_start3A_391 = tpu.memref_slice %arg8[%add3A_298] : memref<3200000xf32, #tpu.memory_space<hbm>> -> memref<2000xf32, #tpu.memory_space<hbm>>
      tpu.enqueue_dma source(%dma_start3A_391 : memref<2000xf32, #tpu.memory_space<hbm>>) target(%dma_start3A_390 : memref<2000xf32, #tpu.memory_space<vmem>>) target_semaphore(%dma_start3A_387 : memref<!tpu.dma_semaphore, #tpu.memory_space<semaphore_mem>>)
      %dma_start3A_392 = arith.constant 1 : i32
      %dma_start3A_393 = arith.constant 6 : i32
      %dma_start3A_394 = arith.constant 1 : i32
      %dma_start3A_395 = arith.constant 0 : i32
      %dma_start3A_396 = tpu.memref_slice %arg21[%dma_start3A_392, %dma_start3A_393, %dma_start3A_395] : memref<2x14x2000xf32, #tpu.memory_space<vmem>> -> memref<1x1x2000xf32, #tpu.memory_space<vmem>>
      %dma_start3A_397 = tpu.memref_squeeze %dma_start3A_396 : memref<1x1x2000xf32, #tpu.memory_space<vmem>> -> memref<2000xf32, #tpu.memory_space<vmem>>
      %dma_start3A_398 = tpu.memref_slice %arg9[%add3A_298] : memref<3200000xf32, #tpu.memory_space<hbm>> -> memref<2000xf32, #tpu.memory_space<hbm>>
      %dma_start3A_399 = tpu.memref_slice %arg23[%dma_start3A_394] : memref<2x!tpu.dma_semaphore, #tpu.memory_space<semaphore_mem>> -> memref<1x!tpu.dma_semaphore, #tpu.memory_space<semaphore_mem>>
      %dma_start3A_400 = tpu.memref_squeeze %dma_start3A_399 : memref<1x!tpu.dma_semaphore, #tpu.memory_space<semaphore_mem>> -> memref<!tpu.dma_semaphore, #tpu.memory_space<semaphore_mem>>
      %dma_start3A_401 = arith.constant 0 : i32
      %dma_start3A_402 = tpu.memref_slice %arg21[%dma_start3A_392, %dma_start3A_393, %dma_start3A_401] : memref<2x14x2000xf32, #tpu.memory_space<vmem>> -> memref<1x1x2000xf32, #tpu.memory_space<vmem>>
      %dma_start3A_403 = tpu.memref_squeeze %dma_start3A_402 : memref<1x1x2000xf32, #tpu.memory_space<vmem>> -> memref<2000xf32, #tpu.memory_space<vmem>>
      %dma_start3A_404 = tpu.memref_slice %arg9[%add3A_298] : memref<3200000xf32, #tpu.memory_space<hbm>> -> memref<2000xf32, #tpu.memory_space<hbm>>
      tpu.enqueue_dma source(%dma_start3A_404 : memref<2000xf32, #tpu.memory_space<hbm>>) target(%dma_start3A_403 : memref<2000xf32, #tpu.memory_space<vmem>>) target_semaphore(%dma_start3A_400 : memref<!tpu.dma_semaphore, #tpu.memory_space<semaphore_mem>>)
      %dma_start3A_405 = arith.constant 1 : i32
      %dma_start3A_406 = arith.constant 7 : i32
      %dma_start3A_407 = arith.constant 1 : i32
      %dma_start3A_408 = arith.constant 0 : i32
      %dma_start3A_409 = tpu.memref_slice %arg21[%dma_start3A_405, %dma_start3A_406, %dma_start3A_408] : memref<2x14x2000xf32, #tpu.memory_space<vmem>> -> memref<1x1x2000xf32, #tpu.memory_space<vmem>>
      %dma_start3A_410 = tpu.memref_squeeze %dma_start3A_409 : memref<1x1x2000xf32, #tpu.memory_space<vmem>> -> memref<2000xf32, #tpu.memory_space<vmem>>
      %dma_start3A_411 = tpu.memref_slice %arg10[%add3A_298] : memref<3200000xf32, #tpu.memory_space<hbm>> -> memref<2000xf32, #tpu.memory_space<hbm>>
      %dma_start3A_412 = tpu.memref_slice %arg23[%dma_start3A_407] : memref<2x!tpu.dma_semaphore, #tpu.memory_space<semaphore_mem>> -> memref<1x!tpu.dma_semaphore, #tpu.memory_space<semaphore_mem>>
      %dma_start3A_413 = tpu.memref_squeeze %dma_start3A_412 : memref<1x!tpu.dma_semaphore, #tpu.memory_space<semaphore_mem>> -> memref<!tpu.dma_semaphore, #tpu.memory_space<semaphore_mem>>
      %dma_start3A_414 = arith.constant 0 : i32
      %dma_start3A_415 = tpu.memref_slice %arg21[%dma_start3A_405, %dma_start3A_406, %dma_start3A_414] : memref<2x14x2000xf32, #tpu.memory_space<vmem>> -> memref<1x1x2000xf32, #tpu.memory_space<vmem>>
      %dma_start3A_416 = tpu.memref_squeeze %dma_start3A_415 : memref<1x1x2000xf32, #tpu.memory_space<vmem>> -> memref<2000xf32, #tpu.memory_space<vmem>>
      %dma_start3A_417 = tpu.memref_slice %arg10[%add3A_298] : memref<3200000xf32, #tpu.memory_space<hbm>> -> memref<2000xf32, #tpu.memory_space<hbm>>
      tpu.enqueue_dma source(%dma_start3A_417 : memref<2000xf32, #tpu.memory_space<hbm>>) target(%dma_start3A_416 : memref<2000xf32, #tpu.memory_space<vmem>>) target_semaphore(%dma_start3A_413 : memref<!tpu.dma_semaphore, #tpu.memory_space<semaphore_mem>>)
      %dma_start3A_418 = arith.constant 1 : i32
      %dma_start3A_419 = arith.constant 8 : i32
      %dma_start3A_420 = arith.constant 1 : i32
      %dma_start3A_421 = arith.constant 0 : i32
      %dma_start3A_422 = tpu.memref_slice %arg21[%dma_start3A_418, %dma_start3A_419, %dma_start3A_421] : memref<2x14x2000xf32, #tpu.memory_space<vmem>> -> memref<1x1x2000xf32, #tpu.memory_space<vmem>>
      %dma_start3A_423 = tpu.memref_squeeze %dma_start3A_422 : memref<1x1x2000xf32, #tpu.memory_space<vmem>> -> memref<2000xf32, #tpu.memory_space<vmem>>
      %dma_start3A_424 = tpu.memref_slice %arg11[%add3A_298] : memref<3200000xf32, #tpu.memory_space<hbm>> -> memref<2000xf32, #tpu.memory_space<hbm>>
      %dma_start3A_425 = tpu.memref_slice %arg23[%dma_start3A_420] : memref<2x!tpu.dma_semaphore, #tpu.memory_space<semaphore_mem>> -> memref<1x!tpu.dma_semaphore, #tpu.memory_space<semaphore_mem>>
      %dma_start3A_426 = tpu.memref_squeeze %dma_start3A_425 : memref<1x!tpu.dma_semaphore, #tpu.memory_space<semaphore_mem>> -> memref<!tpu.dma_semaphore, #tpu.memory_space<semaphore_mem>>
      %dma_start3A_427 = arith.constant 0 : i32
      %dma_start3A_428 = tpu.memref_slice %arg21[%dma_start3A_418, %dma_start3A_419, %dma_start3A_427] : memref<2x14x2000xf32, #tpu.memory_space<vmem>> -> memref<1x1x2000xf32, #tpu.memory_space<vmem>>
      %dma_start3A_429 = tpu.memref_squeeze %dma_start3A_428 : memref<1x1x2000xf32, #tpu.memory_space<vmem>> -> memref<2000xf32, #tpu.memory_space<vmem>>
      %dma_start3A_430 = tpu.memref_slice %arg11[%add3A_298] : memref<3200000xf32, #tpu.memory_space<hbm>> -> memref<2000xf32, #tpu.memory_space<hbm>>
      tpu.enqueue_dma source(%dma_start3A_430 : memref<2000xf32, #tpu.memory_space<hbm>>) target(%dma_start3A_429 : memref<2000xf32, #tpu.memory_space<vmem>>) target_semaphore(%dma_start3A_426 : memref<!tpu.dma_semaphore, #tpu.memory_space<semaphore_mem>>)
      %dma_start3A_431 = arith.constant 1 : i32
      %dma_start3A_432 = arith.constant 9 : i32
      %dma_start3A_433 = arith.constant 1 : i32
      %dma_start3A_434 = arith.constant 0 : i32
      %dma_start3A_435 = tpu.memref_slice %arg21[%dma_start3A_431, %dma_start3A_432, %dma_start3A_434] : memref<2x14x2000xf32, #tpu.memory_space<vmem>> -> memref<1x1x2000xf32, #tpu.memory_space<vmem>>
      %dma_start3A_436 = tpu.memref_squeeze %dma_start3A_435 : memref<1x1x2000xf32, #tpu.memory_space<vmem>> -> memref<2000xf32, #tpu.memory_space<vmem>>
      %dma_start3A_437 = tpu.memref_slice %arg12[%add3A_298] : memref<3200000xf32, #tpu.memory_space<hbm>> -> memref<2000xf32, #tpu.memory_space<hbm>>
      %dma_start3A_438 = tpu.memref_slice %arg23[%dma_start3A_433] : memref<2x!tpu.dma_semaphore, #tpu.memory_space<semaphore_mem>> -> memref<1x!tpu.dma_semaphore, #tpu.memory_space<semaphore_mem>>
      %dma_start3A_439 = tpu.memref_squeeze %dma_start3A_438 : memref<1x!tpu.dma_semaphore, #tpu.memory_space<semaphore_mem>> -> memref<!tpu.dma_semaphore, #tpu.memory_space<semaphore_mem>>
      %dma_start3A_440 = arith.constant 0 : i32
      %dma_start3A_441 = tpu.memref_slice %arg21[%dma_start3A_431, %dma_start3A_432, %dma_start3A_440] : memref<2x14x2000xf32, #tpu.memory_space<vmem>> -> memref<1x1x2000xf32, #tpu.memory_space<vmem>>
      %dma_start3A_442 = tpu.memref_squeeze %dma_start3A_441 : memref<1x1x2000xf32, #tpu.memory_space<vmem>> -> memref<2000xf32, #tpu.memory_space<vmem>>
      %dma_start3A_443 = tpu.memref_slice %arg12[%add3A_298] : memref<3200000xf32, #tpu.memory_space<hbm>> -> memref<2000xf32, #tpu.memory_space<hbm>>
      tpu.enqueue_dma source(%dma_start3A_443 : memref<2000xf32, #tpu.memory_space<hbm>>) target(%dma_start3A_442 : memref<2000xf32, #tpu.memory_space<vmem>>) target_semaphore(%dma_start3A_439 : memref<!tpu.dma_semaphore, #tpu.memory_space<semaphore_mem>>)
      %dma_start3A_444 = arith.constant 1 : i32
      %dma_start3A_445 = arith.constant 10 : i32
      %dma_start3A_446 = arith.constant 1 : i32
      %dma_start3A_447 = arith.constant 0 : i32
      %dma_start3A_448 = tpu.memref_slice %arg21[%dma_start3A_444, %dma_start3A_445, %dma_start3A_447] : memref<2x14x2000xf32, #tpu.memory_space<vmem>> -> memref<1x1x2000xf32, #tpu.memory_space<vmem>>
      %dma_start3A_449 = tpu.memref_squeeze %dma_start3A_448 : memref<1x1x2000xf32, #tpu.memory_space<vmem>> -> memref<2000xf32, #tpu.memory_space<vmem>>
      %dma_start3A_450 = tpu.memref_slice %arg13[%add3A_298] : memref<3200000xf32, #tpu.memory_space<hbm>> -> memref<2000xf32, #tpu.memory_space<hbm>>
      %dma_start3A_451 = tpu.memref_slice %arg23[%dma_start3A_446] : memref<2x!tpu.dma_semaphore, #tpu.memory_space<semaphore_mem>> -> memref<1x!tpu.dma_semaphore, #tpu.memory_space<semaphore_mem>>
      %dma_start3A_452 = tpu.memref_squeeze %dma_start3A_451 : memref<1x!tpu.dma_semaphore, #tpu.memory_space<semaphore_mem>> -> memref<!tpu.dma_semaphore, #tpu.memory_space<semaphore_mem>>
      %dma_start3A_453 = arith.constant 0 : i32
      %dma_start3A_454 = tpu.memref_slice %arg21[%dma_start3A_444, %dma_start3A_445, %dma_start3A_453] : memref<2x14x2000xf32, #tpu.memory_space<vmem>> -> memref<1x1x2000xf32, #tpu.memory_space<vmem>>
      %dma_start3A_455 = tpu.memref_squeeze %dma_start3A_454 : memref<1x1x2000xf32, #tpu.memory_space<vmem>> -> memref<2000xf32, #tpu.memory_space<vmem>>
      %dma_start3A_456 = tpu.memref_slice %arg13[%add3A_298] : memref<3200000xf32, #tpu.memory_space<hbm>> -> memref<2000xf32, #tpu.memory_space<hbm>>
      tpu.enqueue_dma source(%dma_start3A_456 : memref<2000xf32, #tpu.memory_space<hbm>>) target(%dma_start3A_455 : memref<2000xf32, #tpu.memory_space<vmem>>) target_semaphore(%dma_start3A_452 : memref<!tpu.dma_semaphore, #tpu.memory_space<semaphore_mem>>)
      %dma_start3A_457 = arith.constant 1 : i32
      %dma_start3A_458 = arith.constant 11 : i32
      %dma_start3A_459 = arith.constant 1 : i32
      %dma_start3A_460 = arith.constant 0 : i32
      %dma_start3A_461 = tpu.memref_slice %arg21[%dma_start3A_457, %dma_start3A_458, %dma_start3A_460] : memref<2x14x2000xf32, #tpu.memory_space<vmem>> -> memref<1x1x2000xf32, #tpu.memory_space<vmem>>
      %dma_start3A_462 = tpu.memref_squeeze %dma_start3A_461 : memref<1x1x2000xf32, #tpu.memory_space<vmem>> -> memref<2000xf32, #tpu.memory_space<vmem>>
      %dma_start3A_463 = tpu.memref_slice %arg14[%add3A_298] : memref<3200000xf32, #tpu.memory_space<hbm>> -> memref<2000xf32, #tpu.memory_space<hbm>>
      %dma_start3A_464 = tpu.memref_slice %arg23[%dma_start3A_459] : memref<2x!tpu.dma_semaphore, #tpu.memory_space<semaphore_mem>> -> memref<1x!tpu.dma_semaphore, #tpu.memory_space<semaphore_mem>>
      %dma_start3A_465 = tpu.memref_squeeze %dma_start3A_464 : memref<1x!tpu.dma_semaphore, #tpu.memory_space<semaphore_mem>> -> memref<!tpu.dma_semaphore, #tpu.memory_space<semaphore_mem>>
      %dma_start3A_466 = arith.constant 0 : i32
      %dma_start3A_467 = tpu.memref_slice %arg21[%dma_start3A_457, %dma_start3A_458, %dma_start3A_466] : memref<2x14x2000xf32, #tpu.memory_space<vmem>> -> memref<1x1x2000xf32, #tpu.memory_space<vmem>>
      %dma_start3A_468 = tpu.memref_squeeze %dma_start3A_467 : memref<1x1x2000xf32, #tpu.memory_space<vmem>> -> memref<2000xf32, #tpu.memory_space<vmem>>
      %dma_start3A_469 = tpu.memref_slice %arg14[%add3A_298] : memref<3200000xf32, #tpu.memory_space<hbm>> -> memref<2000xf32, #tpu.memory_space<hbm>>
      tpu.enqueue_dma source(%dma_start3A_469 : memref<2000xf32, #tpu.memory_space<hbm>>) target(%dma_start3A_468 : memref<2000xf32, #tpu.memory_space<vmem>>) target_semaphore(%dma_start3A_465 : memref<!tpu.dma_semaphore, #tpu.memory_space<semaphore_mem>>)
      %dma_start3A_470 = arith.constant 1 : i32
      %dma_start3A_471 = arith.constant 12 : i32
      %dma_start3A_472 = arith.constant 1 : i32
      %dma_start3A_473 = arith.constant 0 : i32
      %dma_start3A_474 = tpu.memref_slice %arg21[%dma_start3A_470, %dma_start3A_471, %dma_start3A_473] : memref<2x14x2000xf32, #tpu.memory_space<vmem>> -> memref<1x1x2000xf32, #tpu.memory_space<vmem>>
      %dma_start3A_475 = tpu.memref_squeeze %dma_start3A_474 : memref<1x1x2000xf32, #tpu.memory_space<vmem>> -> memref<2000xf32, #tpu.memory_space<vmem>>
      %dma_start3A_476 = tpu.memref_slice %arg15[%add3A_298] : memref<3200000xf32, #tpu.memory_space<hbm>> -> memref<2000xf32, #tpu.memory_space<hbm>>
      %dma_start3A_477 = tpu.memref_slice %arg23[%dma_start3A_472] : memref<2x!tpu.dma_semaphore, #tpu.memory_space<semaphore_mem>> -> memref<1x!tpu.dma_semaphore, #tpu.memory_space<semaphore_mem>>
      %dma_start3A_478 = tpu.memref_squeeze %dma_start3A_477 : memref<1x!tpu.dma_semaphore, #tpu.memory_space<semaphore_mem>> -> memref<!tpu.dma_semaphore, #tpu.memory_space<semaphore_mem>>
      %dma_start3A_479 = arith.constant 0 : i32
      %dma_start3A_480 = tpu.memref_slice %arg21[%dma_start3A_470, %dma_start3A_471, %dma_start3A_479] : memref<2x14x2000xf32, #tpu.memory_space<vmem>> -> memref<1x1x2000xf32, #tpu.memory_space<vmem>>
      %dma_start3A_481 = tpu.memref_squeeze %dma_start3A_480 : memref<1x1x2000xf32, #tpu.memory_space<vmem>> -> memref<2000xf32, #tpu.memory_space<vmem>>
      %dma_start3A_482 = tpu.memref_slice %arg15[%add3A_298] : memref<3200000xf32, #tpu.memory_space<hbm>> -> memref<2000xf32, #tpu.memory_space<hbm>>
      tpu.enqueue_dma source(%dma_start3A_482 : memref<2000xf32, #tpu.memory_space<hbm>>) target(%dma_start3A_481 : memref<2000xf32, #tpu.memory_space<vmem>>) target_semaphore(%dma_start3A_478 : memref<!tpu.dma_semaphore, #tpu.memory_space<semaphore_mem>>)
      %dma_start3A_483 = arith.constant 1 : i32
      %dma_start3A_484 = arith.constant 13 : i32
      %dma_start3A_485 = arith.constant 1 : i32
      %dma_start3A_486 = arith.constant 0 : i32
      %dma_start3A_487 = tpu.memref_slice %arg21[%dma_start3A_483, %dma_start3A_484, %dma_start3A_486] : memref<2x14x2000xf32, #tpu.memory_space<vmem>> -> memref<1x1x2000xf32, #tpu.memory_space<vmem>>
      %dma_start3A_488 = tpu.memref_squeeze %dma_start3A_487 : memref<1x1x2000xf32, #tpu.memory_space<vmem>> -> memref<2000xf32, #tpu.memory_space<vmem>>
      %dma_start3A_489 = tpu.memref_slice %arg16[%add3A_298] : memref<3200000xf32, #tpu.memory_space<hbm>> -> memref<2000xf32, #tpu.memory_space<hbm>>
      %dma_start3A_490 = tpu.memref_slice %arg23[%dma_start3A_485] : memref<2x!tpu.dma_semaphore, #tpu.memory_space<semaphore_mem>> -> memref<1x!tpu.dma_semaphore, #tpu.memory_space<semaphore_mem>>
      %dma_start3A_491 = tpu.memref_squeeze %dma_start3A_490 : memref<1x!tpu.dma_semaphore, #tpu.memory_space<semaphore_mem>> -> memref<!tpu.dma_semaphore, #tpu.memory_space<semaphore_mem>>
      %dma_start3A_492 = arith.constant 0 : i32
      %dma_start3A_493 = tpu.memref_slice %arg21[%dma_start3A_483, %dma_start3A_484, %dma_start3A_492] : memref<2x14x2000xf32, #tpu.memory_space<vmem>> -> memref<1x1x2000xf32, #tpu.memory_space<vmem>>
      %dma_start3A_494 = tpu.memref_squeeze %dma_start3A_493 : memref<1x1x2000xf32, #tpu.memory_space<vmem>> -> memref<2000xf32, #tpu.memory_space<vmem>>
      %dma_start3A_495 = tpu.memref_slice %arg16[%add3A_298] : memref<3200000xf32, #tpu.memory_space<hbm>> -> memref<2000xf32, #tpu.memory_space<hbm>>
      tpu.enqueue_dma source(%dma_start3A_495 : memref<2000xf32, #tpu.memory_space<hbm>>) target(%dma_start3A_494 : memref<2000xf32, #tpu.memory_space<vmem>>) target_semaphore(%dma_start3A_491 : memref<!tpu.dma_semaphore, #tpu.memory_space<semaphore_mem>>)
      %dma_wait3A_496 = arith.constant 0 : i32
      %dma_wait3A_497 = arith.constant 0 : i32
      %dma_wait3A_498 = arith.constant 0 : i32
      %dma_wait3A_499 = arith.constant 0 : i32
      %dma_wait3A_500 = arith.constant 0 : i32
      %dma_wait3A_501 = tpu.memref_slice %arg20[%dma_wait3A_497, %dma_wait3A_499, %dma_wait3A_500] : memref<2x2000x16xf32, #tpu.memory_space<vmem>> -> memref<1x2000x16xf32, #tpu.memory_space<vmem>>
      %dma_wait3A_502 = tpu.memref_squeeze %dma_wait3A_501 : memref<1x2000x16xf32, #tpu.memory_space<vmem>> -> memref<2000x16xf32, #tpu.memory_space<vmem>>
      %dma_wait3A_503 = arith.constant 0 : i32
      %dma_wait3A_504 = tpu.memref_slice %arg19[%dma_wait3A_496, %dma_wait3A_503] : memref<2x2000xi32, #tpu.memory_space<vmem>> -> memref<1x2000xi32, #tpu.memory_space<vmem>>
      %dma_wait3A_505 = tpu.memref_squeeze %dma_wait3A_504 : memref<1x2000xi32, #tpu.memory_space<vmem>> -> memref<2000xi32, #tpu.memory_space<vmem>>
      %dma_wait3A_506 = arith.constant 0 : i32
      %dma_wait3A_507 = arith.constant 0 : i32
      %dma_wait3A_508 = tpu.memref_slice %arg2[%dma_wait3A_506, %dma_wait3A_507] : memref<50000x16xf32, #tpu.memory_space<hbm>> -> memref<50000x16xf32, #tpu.memory_space<hbm>>
      %dma_wait3A_509 = tpu.memref_slice %arg23[%dma_wait3A_498] : memref<2x!tpu.dma_semaphore, #tpu.memory_space<semaphore_mem>> -> memref<1x!tpu.dma_semaphore, #tpu.memory_space<semaphore_mem>>
      %dma_wait3A_510 = tpu.memref_squeeze %dma_wait3A_509 : memref<1x!tpu.dma_semaphore, #tpu.memory_space<semaphore_mem>> -> memref<!tpu.dma_semaphore, #tpu.memory_space<semaphore_mem>>
      tpu.wait_indirect_dma semaphore(%dma_wait3A_510 : memref<!tpu.dma_semaphore, #tpu.memory_space<semaphore_mem>>) src(%dma_wait3A_508 : memref<50000x16xf32, #tpu.memory_space<hbm>>) dst(%dma_wait3A_502 : memref<2000x16xf32, #tpu.memory_space<vmem>>)
      %dma_wait3A_511 = arith.constant 0 : i32
      %dma_wait3A_512 = arith.constant 0 : i32
      %dma_wait3A_513 = arith.constant 0 : i32
      %dma_wait3A_514 = arith.constant 0 : i32
      %dma_wait3A_515 = tpu.memref_slice %arg21[%dma_wait3A_511, %dma_wait3A_512, %dma_wait3A_514] : memref<2x14x2000xf32, #tpu.memory_space<vmem>> -> memref<1x1x2000xf32, #tpu.memory_space<vmem>>
      %dma_wait3A_516 = tpu.memref_squeeze %dma_wait3A_515 : memref<1x1x2000xf32, #tpu.memory_space<vmem>> -> memref<2000xf32, #tpu.memory_space<vmem>>
      %dma_wait3A_517 = arith.constant 0 : i32
      %dma_wait3A_518 = tpu.memref_slice %arg3[%dma_wait3A_517] : memref<3200000xf32, #tpu.memory_space<hbm>> -> memref<2000xf32, #tpu.memory_space<hbm>>
      %dma_wait3A_519 = tpu.memref_slice %arg23[%dma_wait3A_513] : memref<2x!tpu.dma_semaphore, #tpu.memory_space<semaphore_mem>> -> memref<1x!tpu.dma_semaphore, #tpu.memory_space<semaphore_mem>>
      %dma_wait3A_520 = tpu.memref_squeeze %dma_wait3A_519 : memref<1x!tpu.dma_semaphore, #tpu.memory_space<semaphore_mem>> -> memref<!tpu.dma_semaphore, #tpu.memory_space<semaphore_mem>>
      %dma_wait3A_521 = arith.constant 0 : i32
      %dma_wait3A_522 = tpu.memref_slice %arg21[%dma_wait3A_511, %dma_wait3A_512, %dma_wait3A_521] : memref<2x14x2000xf32, #tpu.memory_space<vmem>> -> memref<1x1x2000xf32, #tpu.memory_space<vmem>>
      %dma_wait3A_523 = tpu.memref_squeeze %dma_wait3A_522 : memref<1x1x2000xf32, #tpu.memory_space<vmem>> -> memref<2000xf32, #tpu.memory_space<vmem>>
      %dma_wait3A_524 = arith.constant 0 : i32
      %dma_wait3A_525 = tpu.memref_slice %arg3[%dma_wait3A_524] : memref<3200000xf32, #tpu.memory_space<hbm>> -> memref<2000xf32, #tpu.memory_space<hbm>>
      tpu.wait_dma2 semaphore(%dma_wait3A_520 : memref<!tpu.dma_semaphore, #tpu.memory_space<semaphore_mem>>) src(%dma_wait3A_525 : memref<2000xf32, #tpu.memory_space<hbm>>) dst(%dma_wait3A_523 : memref<2000xf32, #tpu.memory_space<vmem>>)
      %dma_wait3A_526 = arith.constant 0 : i32
      %dma_wait3A_527 = arith.constant 1 : i32
      %dma_wait3A_528 = arith.constant 0 : i32
      %dma_wait3A_529 = arith.constant 0 : i32
      %dma_wait3A_530 = tpu.memref_slice %arg21[%dma_wait3A_526, %dma_wait3A_527, %dma_wait3A_529] : memref<2x14x2000xf32, #tpu.memory_space<vmem>> -> memref<1x1x2000xf32, #tpu.memory_space<vmem>>
      %dma_wait3A_531 = tpu.memref_squeeze %dma_wait3A_530 : memref<1x1x2000xf32, #tpu.memory_space<vmem>> -> memref<2000xf32, #tpu.memory_space<vmem>>
      %dma_wait3A_532 = arith.constant 0 : i32
      %dma_wait3A_533 = tpu.memref_slice %arg4[%dma_wait3A_532] : memref<3200000xf32, #tpu.memory_space<hbm>> -> memref<2000xf32, #tpu.memory_space<hbm>>
      %dma_wait3A_534 = tpu.memref_slice %arg23[%dma_wait3A_528] : memref<2x!tpu.dma_semaphore, #tpu.memory_space<semaphore_mem>> -> memref<1x!tpu.dma_semaphore, #tpu.memory_space<semaphore_mem>>
      %dma_wait3A_535 = tpu.memref_squeeze %dma_wait3A_534 : memref<1x!tpu.dma_semaphore, #tpu.memory_space<semaphore_mem>> -> memref<!tpu.dma_semaphore, #tpu.memory_space<semaphore_mem>>
      %dma_wait3A_536 = arith.constant 0 : i32
      %dma_wait3A_537 = tpu.memref_slice %arg21[%dma_wait3A_526, %dma_wait3A_527, %dma_wait3A_536] : memref<2x14x2000xf32, #tpu.memory_space<vmem>> -> memref<1x1x2000xf32, #tpu.memory_space<vmem>>
      %dma_wait3A_538 = tpu.memref_squeeze %dma_wait3A_537 : memref<1x1x2000xf32, #tpu.memory_space<vmem>> -> memref<2000xf32, #tpu.memory_space<vmem>>
      %dma_wait3A_539 = arith.constant 0 : i32
      %dma_wait3A_540 = tpu.memref_slice %arg4[%dma_wait3A_539] : memref<3200000xf32, #tpu.memory_space<hbm>> -> memref<2000xf32, #tpu.memory_space<hbm>>
      tpu.wait_dma2 semaphore(%dma_wait3A_535 : memref<!tpu.dma_semaphore, #tpu.memory_space<semaphore_mem>>) src(%dma_wait3A_540 : memref<2000xf32, #tpu.memory_space<hbm>>) dst(%dma_wait3A_538 : memref<2000xf32, #tpu.memory_space<vmem>>)
      %dma_wait3A_541 = arith.constant 0 : i32
      %dma_wait3A_542 = arith.constant 2 : i32
      %dma_wait3A_543 = arith.constant 0 : i32
      %dma_wait3A_544 = arith.constant 0 : i32
      %dma_wait3A_545 = tpu.memref_slice %arg21[%dma_wait3A_541, %dma_wait3A_542, %dma_wait3A_544] : memref<2x14x2000xf32, #tpu.memory_space<vmem>> -> memref<1x1x2000xf32, #tpu.memory_space<vmem>>
      %dma_wait3A_546 = tpu.memref_squeeze %dma_wait3A_545 : memref<1x1x2000xf32, #tpu.memory_space<vmem>> -> memref<2000xf32, #tpu.memory_space<vmem>>
      %dma_wait3A_547 = arith.constant 0 : i32
      %dma_wait3A_548 = tpu.memref_slice %arg5[%dma_wait3A_547] : memref<3200000xf32, #tpu.memory_space<hbm>> -> memref<2000xf32, #tpu.memory_space<hbm>>
      %dma_wait3A_549 = tpu.memref_slice %arg23[%dma_wait3A_543] : memref<2x!tpu.dma_semaphore, #tpu.memory_space<semaphore_mem>> -> memref<1x!tpu.dma_semaphore, #tpu.memory_space<semaphore_mem>>
      %dma_wait3A_550 = tpu.memref_squeeze %dma_wait3A_549 : memref<1x!tpu.dma_semaphore, #tpu.memory_space<semaphore_mem>> -> memref<!tpu.dma_semaphore, #tpu.memory_space<semaphore_mem>>
      %dma_wait3A_551 = arith.constant 0 : i32
      %dma_wait3A_552 = tpu.memref_slice %arg21[%dma_wait3A_541, %dma_wait3A_542, %dma_wait3A_551] : memref<2x14x2000xf32, #tpu.memory_space<vmem>> -> memref<1x1x2000xf32, #tpu.memory_space<vmem>>
      %dma_wait3A_553 = tpu.memref_squeeze %dma_wait3A_552 : memref<1x1x2000xf32, #tpu.memory_space<vmem>> -> memref<2000xf32, #tpu.memory_space<vmem>>
      %dma_wait3A_554 = arith.constant 0 : i32
      %dma_wait3A_555 = tpu.memref_slice %arg5[%dma_wait3A_554] : memref<3200000xf32, #tpu.memory_space<hbm>> -> memref<2000xf32, #tpu.memory_space<hbm>>
      tpu.wait_dma2 semaphore(%dma_wait3A_550 : memref<!tpu.dma_semaphore, #tpu.memory_space<semaphore_mem>>) src(%dma_wait3A_555 : memref<2000xf32, #tpu.memory_space<hbm>>) dst(%dma_wait3A_553 : memref<2000xf32, #tpu.memory_space<vmem>>)
      %dma_wait3A_556 = arith.constant 0 : i32
      %dma_wait3A_557 = arith.constant 3 : i32
      %dma_wait3A_558 = arith.constant 0 : i32
      %dma_wait3A_559 = arith.constant 0 : i32
      %dma_wait3A_560 = tpu.memref_slice %arg21[%dma_wait3A_556, %dma_wait3A_557, %dma_wait3A_559] : memref<2x14x2000xf32, #tpu.memory_space<vmem>> -> memref<1x1x2000xf32, #tpu.memory_space<vmem>>
      %dma_wait3A_561 = tpu.memref_squeeze %dma_wait3A_560 : memref<1x1x2000xf32, #tpu.memory_space<vmem>> -> memref<2000xf32, #tpu.memory_space<vmem>>
      %dma_wait3A_562 = arith.constant 0 : i32
      %dma_wait3A_563 = tpu.memref_slice %arg6[%dma_wait3A_562] : memref<3200000xf32, #tpu.memory_space<hbm>> -> memref<2000xf32, #tpu.memory_space<hbm>>
      %dma_wait3A_564 = tpu.memref_slice %arg23[%dma_wait3A_558] : memref<2x!tpu.dma_semaphore, #tpu.memory_space<semaphore_mem>> -> memref<1x!tpu.dma_semaphore, #tpu.memory_space<semaphore_mem>>
      %dma_wait3A_565 = tpu.memref_squeeze %dma_wait3A_564 : memref<1x!tpu.dma_semaphore, #tpu.memory_space<semaphore_mem>> -> memref<!tpu.dma_semaphore, #tpu.memory_space<semaphore_mem>>
      %dma_wait3A_566 = arith.constant 0 : i32
      %dma_wait3A_567 = tpu.memref_slice %arg21[%dma_wait3A_556, %dma_wait3A_557, %dma_wait3A_566] : memref<2x14x2000xf32, #tpu.memory_space<vmem>> -> memref<1x1x2000xf32, #tpu.memory_space<vmem>>
      %dma_wait3A_568 = tpu.memref_squeeze %dma_wait3A_567 : memref<1x1x2000xf32, #tpu.memory_space<vmem>> -> memref<2000xf32, #tpu.memory_space<vmem>>
      %dma_wait3A_569 = arith.constant 0 : i32
      %dma_wait3A_570 = tpu.memref_slice %arg6[%dma_wait3A_569] : memref<3200000xf32, #tpu.memory_space<hbm>> -> memref<2000xf32, #tpu.memory_space<hbm>>
      tpu.wait_dma2 semaphore(%dma_wait3A_565 : memref<!tpu.dma_semaphore, #tpu.memory_space<semaphore_mem>>) src(%dma_wait3A_570 : memref<2000xf32, #tpu.memory_space<hbm>>) dst(%dma_wait3A_568 : memref<2000xf32, #tpu.memory_space<vmem>>)
      %dma_wait3A_571 = arith.constant 0 : i32
      %dma_wait3A_572 = arith.constant 4 : i32
      %dma_wait3A_573 = arith.constant 0 : i32
      %dma_wait3A_574 = arith.constant 0 : i32
      %dma_wait3A_575 = tpu.memref_slice %arg21[%dma_wait3A_571, %dma_wait3A_572, %dma_wait3A_574] : memref<2x14x2000xf32, #tpu.memory_space<vmem>> -> memref<1x1x2000xf32, #tpu.memory_space<vmem>>
      %dma_wait3A_576 = tpu.memref_squeeze %dma_wait3A_575 : memref<1x1x2000xf32, #tpu.memory_space<vmem>> -> memref<2000xf32, #tpu.memory_space<vmem>>
      %dma_wait3A_577 = arith.constant 0 : i32
      %dma_wait3A_578 = tpu.memref_slice %arg7[%dma_wait3A_577] : memref<3200000xf32, #tpu.memory_space<hbm>> -> memref<2000xf32, #tpu.memory_space<hbm>>
      %dma_wait3A_579 = tpu.memref_slice %arg23[%dma_wait3A_573] : memref<2x!tpu.dma_semaphore, #tpu.memory_space<semaphore_mem>> -> memref<1x!tpu.dma_semaphore, #tpu.memory_space<semaphore_mem>>
      %dma_wait3A_580 = tpu.memref_squeeze %dma_wait3A_579 : memref<1x!tpu.dma_semaphore, #tpu.memory_space<semaphore_mem>> -> memref<!tpu.dma_semaphore, #tpu.memory_space<semaphore_mem>>
      %dma_wait3A_581 = arith.constant 0 : i32
      %dma_wait3A_582 = tpu.memref_slice %arg21[%dma_wait3A_571, %dma_wait3A_572, %dma_wait3A_581] : memref<2x14x2000xf32, #tpu.memory_space<vmem>> -> memref<1x1x2000xf32, #tpu.memory_space<vmem>>
      %dma_wait3A_583 = tpu.memref_squeeze %dma_wait3A_582 : memref<1x1x2000xf32, #tpu.memory_space<vmem>> -> memref<2000xf32, #tpu.memory_space<vmem>>
      %dma_wait3A_584 = arith.constant 0 : i32
      %dma_wait3A_585 = tpu.memref_slice %arg7[%dma_wait3A_584] : memref<3200000xf32, #tpu.memory_space<hbm>> -> memref<2000xf32, #tpu.memory_space<hbm>>
      tpu.wait_dma2 semaphore(%dma_wait3A_580 : memref<!tpu.dma_semaphore, #tpu.memory_space<semaphore_mem>>) src(%dma_wait3A_585 : memref<2000xf32, #tpu.memory_space<hbm>>) dst(%dma_wait3A_583 : memref<2000xf32, #tpu.memory_space<vmem>>)
      %dma_wait3A_586 = arith.constant 0 : i32
      %dma_wait3A_587 = arith.constant 5 : i32
      %dma_wait3A_588 = arith.constant 0 : i32
      %dma_wait3A_589 = arith.constant 0 : i32
      %dma_wait3A_590 = tpu.memref_slice %arg21[%dma_wait3A_586, %dma_wait3A_587, %dma_wait3A_589] : memref<2x14x2000xf32, #tpu.memory_space<vmem>> -> memref<1x1x2000xf32, #tpu.memory_space<vmem>>
      %dma_wait3A_591 = tpu.memref_squeeze %dma_wait3A_590 : memref<1x1x2000xf32, #tpu.memory_space<vmem>> -> memref<2000xf32, #tpu.memory_space<vmem>>
      %dma_wait3A_592 = arith.constant 0 : i32
      %dma_wait3A_593 = tpu.memref_slice %arg8[%dma_wait3A_592] : memref<3200000xf32, #tpu.memory_space<hbm>> -> memref<2000xf32, #tpu.memory_space<hbm>>
      %dma_wait3A_594 = tpu.memref_slice %arg23[%dma_wait3A_588] : memref<2x!tpu.dma_semaphore, #tpu.memory_space<semaphore_mem>> -> memref<1x!tpu.dma_semaphore, #tpu.memory_space<semaphore_mem>>
      %dma_wait3A_595 = tpu.memref_squeeze %dma_wait3A_594 : memref<1x!tpu.dma_semaphore, #tpu.memory_space<semaphore_mem>> -> memref<!tpu.dma_semaphore, #tpu.memory_space<semaphore_mem>>
      %dma_wait3A_596 = arith.constant 0 : i32
      %dma_wait3A_597 = tpu.memref_slice %arg21[%dma_wait3A_586, %dma_wait3A_587, %dma_wait3A_596] : memref<2x14x2000xf32, #tpu.memory_space<vmem>> -> memref<1x1x2000xf32, #tpu.memory_space<vmem>>
      %dma_wait3A_598 = tpu.memref_squeeze %dma_wait3A_597 : memref<1x1x2000xf32, #tpu.memory_space<vmem>> -> memref<2000xf32, #tpu.memory_space<vmem>>
      %dma_wait3A_599 = arith.constant 0 : i32
      %dma_wait3A_600 = tpu.memref_slice %arg8[%dma_wait3A_599] : memref<3200000xf32, #tpu.memory_space<hbm>> -> memref<2000xf32, #tpu.memory_space<hbm>>
      tpu.wait_dma2 semaphore(%dma_wait3A_595 : memref<!tpu.dma_semaphore, #tpu.memory_space<semaphore_mem>>) src(%dma_wait3A_600 : memref<2000xf32, #tpu.memory_space<hbm>>) dst(%dma_wait3A_598 : memref<2000xf32, #tpu.memory_space<vmem>>)
      %dma_wait3A_601 = arith.constant 0 : i32
      %dma_wait3A_602 = arith.constant 6 : i32
      %dma_wait3A_603 = arith.constant 0 : i32
      %dma_wait3A_604 = arith.constant 0 : i32
      %dma_wait3A_605 = tpu.memref_slice %arg21[%dma_wait3A_601, %dma_wait3A_602, %dma_wait3A_604] : memref<2x14x2000xf32, #tpu.memory_space<vmem>> -> memref<1x1x2000xf32, #tpu.memory_space<vmem>>
      %dma_wait3A_606 = tpu.memref_squeeze %dma_wait3A_605 : memref<1x1x2000xf32, #tpu.memory_space<vmem>> -> memref<2000xf32, #tpu.memory_space<vmem>>
      %dma_wait3A_607 = arith.constant 0 : i32
      %dma_wait3A_608 = tpu.memref_slice %arg9[%dma_wait3A_607] : memref<3200000xf32, #tpu.memory_space<hbm>> -> memref<2000xf32, #tpu.memory_space<hbm>>
      %dma_wait3A_609 = tpu.memref_slice %arg23[%dma_wait3A_603] : memref<2x!tpu.dma_semaphore, #tpu.memory_space<semaphore_mem>> -> memref<1x!tpu.dma_semaphore, #tpu.memory_space<semaphore_mem>>
      %dma_wait3A_610 = tpu.memref_squeeze %dma_wait3A_609 : memref<1x!tpu.dma_semaphore, #tpu.memory_space<semaphore_mem>> -> memref<!tpu.dma_semaphore, #tpu.memory_space<semaphore_mem>>
      %dma_wait3A_611 = arith.constant 0 : i32
      %dma_wait3A_612 = tpu.memref_slice %arg21[%dma_wait3A_601, %dma_wait3A_602, %dma_wait3A_611] : memref<2x14x2000xf32, #tpu.memory_space<vmem>> -> memref<1x1x2000xf32, #tpu.memory_space<vmem>>
      %dma_wait3A_613 = tpu.memref_squeeze %dma_wait3A_612 : memref<1x1x2000xf32, #tpu.memory_space<vmem>> -> memref<2000xf32, #tpu.memory_space<vmem>>
      %dma_wait3A_614 = arith.constant 0 : i32
      %dma_wait3A_615 = tpu.memref_slice %arg9[%dma_wait3A_614] : memref<3200000xf32, #tpu.memory_space<hbm>> -> memref<2000xf32, #tpu.memory_space<hbm>>
      tpu.wait_dma2 semaphore(%dma_wait3A_610 : memref<!tpu.dma_semaphore, #tpu.memory_space<semaphore_mem>>) src(%dma_wait3A_615 : memref<2000xf32, #tpu.memory_space<hbm>>) dst(%dma_wait3A_613 : memref<2000xf32, #tpu.memory_space<vmem>>)
      %dma_wait3A_616 = arith.constant 0 : i32
      %dma_wait3A_617 = arith.constant 7 : i32
      %dma_wait3A_618 = arith.constant 0 : i32
      %dma_wait3A_619 = arith.constant 0 : i32
      %dma_wait3A_620 = tpu.memref_slice %arg21[%dma_wait3A_616, %dma_wait3A_617, %dma_wait3A_619] : memref<2x14x2000xf32, #tpu.memory_space<vmem>> -> memref<1x1x2000xf32, #tpu.memory_space<vmem>>
      %dma_wait3A_621 = tpu.memref_squeeze %dma_wait3A_620 : memref<1x1x2000xf32, #tpu.memory_space<vmem>> -> memref<2000xf32, #tpu.memory_space<vmem>>
      %dma_wait3A_622 = arith.constant 0 : i32
      %dma_wait3A_623 = tpu.memref_slice %arg10[%dma_wait3A_622] : memref<3200000xf32, #tpu.memory_space<hbm>> -> memref<2000xf32, #tpu.memory_space<hbm>>
      %dma_wait3A_624 = tpu.memref_slice %arg23[%dma_wait3A_618] : memref<2x!tpu.dma_semaphore, #tpu.memory_space<semaphore_mem>> -> memref<1x!tpu.dma_semaphore, #tpu.memory_space<semaphore_mem>>
      %dma_wait3A_625 = tpu.memref_squeeze %dma_wait3A_624 : memref<1x!tpu.dma_semaphore, #tpu.memory_space<semaphore_mem>> -> memref<!tpu.dma_semaphore, #tpu.memory_space<semaphore_mem>>
      %dma_wait3A_626 = arith.constant 0 : i32
      %dma_wait3A_627 = tpu.memref_slice %arg21[%dma_wait3A_616, %dma_wait3A_617, %dma_wait3A_626] : memref<2x14x2000xf32, #tpu.memory_space<vmem>> -> memref<1x1x2000xf32, #tpu.memory_space<vmem>>
      %dma_wait3A_628 = tpu.memref_squeeze %dma_wait3A_627 : memref<1x1x2000xf32, #tpu.memory_space<vmem>> -> memref<2000xf32, #tpu.memory_space<vmem>>
      %dma_wait3A_629 = arith.constant 0 : i32
      %dma_wait3A_630 = tpu.memref_slice %arg10[%dma_wait3A_629] : memref<3200000xf32, #tpu.memory_space<hbm>> -> memref<2000xf32, #tpu.memory_space<hbm>>
      tpu.wait_dma2 semaphore(%dma_wait3A_625 : memref<!tpu.dma_semaphore, #tpu.memory_space<semaphore_mem>>) src(%dma_wait3A_630 : memref<2000xf32, #tpu.memory_space<hbm>>) dst(%dma_wait3A_628 : memref<2000xf32, #tpu.memory_space<vmem>>)
      %dma_wait3A_631 = arith.constant 0 : i32
      %dma_wait3A_632 = arith.constant 8 : i32
      %dma_wait3A_633 = arith.constant 0 : i32
      %dma_wait3A_634 = arith.constant 0 : i32
      %dma_wait3A_635 = tpu.memref_slice %arg21[%dma_wait3A_631, %dma_wait3A_632, %dma_wait3A_634] : memref<2x14x2000xf32, #tpu.memory_space<vmem>> -> memref<1x1x2000xf32, #tpu.memory_space<vmem>>
      %dma_wait3A_636 = tpu.memref_squeeze %dma_wait3A_635 : memref<1x1x2000xf32, #tpu.memory_space<vmem>> -> memref<2000xf32, #tpu.memory_space<vmem>>
      %dma_wait3A_637 = arith.constant 0 : i32
      %dma_wait3A_638 = tpu.memref_slice %arg11[%dma_wait3A_637] : memref<3200000xf32, #tpu.memory_space<hbm>> -> memref<2000xf32, #tpu.memory_space<hbm>>
      %dma_wait3A_639 = tpu.memref_slice %arg23[%dma_wait3A_633] : memref<2x!tpu.dma_semaphore, #tpu.memory_space<semaphore_mem>> -> memref<1x!tpu.dma_semaphore, #tpu.memory_space<semaphore_mem>>
      %dma_wait3A_640 = tpu.memref_squeeze %dma_wait3A_639 : memref<1x!tpu.dma_semaphore, #tpu.memory_space<semaphore_mem>> -> memref<!tpu.dma_semaphore, #tpu.memory_space<semaphore_mem>>
      %dma_wait3A_641 = arith.constant 0 : i32
      %dma_wait3A_642 = tpu.memref_slice %arg21[%dma_wait3A_631, %dma_wait3A_632, %dma_wait3A_641] : memref<2x14x2000xf32, #tpu.memory_space<vmem>> -> memref<1x1x2000xf32, #tpu.memory_space<vmem>>
      %dma_wait3A_643 = tpu.memref_squeeze %dma_wait3A_642 : memref<1x1x2000xf32, #tpu.memory_space<vmem>> -> memref<2000xf32, #tpu.memory_space<vmem>>
      %dma_wait3A_644 = arith.constant 0 : i32
      %dma_wait3A_645 = tpu.memref_slice %arg11[%dma_wait3A_644] : memref<3200000xf32, #tpu.memory_space<hbm>> -> memref<2000xf32, #tpu.memory_space<hbm>>
      tpu.wait_dma2 semaphore(%dma_wait3A_640 : memref<!tpu.dma_semaphore, #tpu.memory_space<semaphore_mem>>) src(%dma_wait3A_645 : memref<2000xf32, #tpu.memory_space<hbm>>) dst(%dma_wait3A_643 : memref<2000xf32, #tpu.memory_space<vmem>>)
      %dma_wait3A_646 = arith.constant 0 : i32
      %dma_wait3A_647 = arith.constant 9 : i32
      %dma_wait3A_648 = arith.constant 0 : i32
      %dma_wait3A_649 = arith.constant 0 : i32
      %dma_wait3A_650 = tpu.memref_slice %arg21[%dma_wait3A_646, %dma_wait3A_647, %dma_wait3A_649] : memref<2x14x2000xf32, #tpu.memory_space<vmem>> -> memref<1x1x2000xf32, #tpu.memory_space<vmem>>
      %dma_wait3A_651 = tpu.memref_squeeze %dma_wait3A_650 : memref<1x1x2000xf32, #tpu.memory_space<vmem>> -> memref<2000xf32, #tpu.memory_space<vmem>>
      %dma_wait3A_652 = arith.constant 0 : i32
      %dma_wait3A_653 = tpu.memref_slice %arg12[%dma_wait3A_652] : memref<3200000xf32, #tpu.memory_space<hbm>> -> memref<2000xf32, #tpu.memory_space<hbm>>
      %dma_wait3A_654 = tpu.memref_slice %arg23[%dma_wait3A_648] : memref<2x!tpu.dma_semaphore, #tpu.memory_space<semaphore_mem>> -> memref<1x!tpu.dma_semaphore, #tpu.memory_space<semaphore_mem>>
      %dma_wait3A_655 = tpu.memref_squeeze %dma_wait3A_654 : memref<1x!tpu.dma_semaphore, #tpu.memory_space<semaphore_mem>> -> memref<!tpu.dma_semaphore, #tpu.memory_space<semaphore_mem>>
      %dma_wait3A_656 = arith.constant 0 : i32
      %dma_wait3A_657 = tpu.memref_slice %arg21[%dma_wait3A_646, %dma_wait3A_647, %dma_wait3A_656] : memref<2x14x2000xf32, #tpu.memory_space<vmem>> -> memref<1x1x2000xf32, #tpu.memory_space<vmem>>
      %dma_wait3A_658 = tpu.memref_squeeze %dma_wait3A_657 : memref<1x1x2000xf32, #tpu.memory_space<vmem>> -> memref<2000xf32, #tpu.memory_space<vmem>>
      %dma_wait3A_659 = arith.constant 0 : i32
      %dma_wait3A_660 = tpu.memref_slice %arg12[%dma_wait3A_659] : memref<3200000xf32, #tpu.memory_space<hbm>> -> memref<2000xf32, #tpu.memory_space<hbm>>
      tpu.wait_dma2 semaphore(%dma_wait3A_655 : memref<!tpu.dma_semaphore, #tpu.memory_space<semaphore_mem>>) src(%dma_wait3A_660 : memref<2000xf32, #tpu.memory_space<hbm>>) dst(%dma_wait3A_658 : memref<2000xf32, #tpu.memory_space<vmem>>)
      %dma_wait3A_661 = arith.constant 0 : i32
      %dma_wait3A_662 = arith.constant 10 : i32
      %dma_wait3A_663 = arith.constant 0 : i32
      %dma_wait3A_664 = arith.constant 0 : i32
      %dma_wait3A_665 = tpu.memref_slice %arg21[%dma_wait3A_661, %dma_wait3A_662, %dma_wait3A_664] : memref<2x14x2000xf32, #tpu.memory_space<vmem>> -> memref<1x1x2000xf32, #tpu.memory_space<vmem>>
      %dma_wait3A_666 = tpu.memref_squeeze %dma_wait3A_665 : memref<1x1x2000xf32, #tpu.memory_space<vmem>> -> memref<2000xf32, #tpu.memory_space<vmem>>
      %dma_wait3A_667 = arith.constant 0 : i32
      %dma_wait3A_668 = tpu.memref_slice %arg13[%dma_wait3A_667] : memref<3200000xf32, #tpu.memory_space<hbm>> -> memref<2000xf32, #tpu.memory_space<hbm>>
      %dma_wait3A_669 = tpu.memref_slice %arg23[%dma_wait3A_663] : memref<2x!tpu.dma_semaphore, #tpu.memory_space<semaphore_mem>> -> memref<1x!tpu.dma_semaphore, #tpu.memory_space<semaphore_mem>>
      %dma_wait3A_670 = tpu.memref_squeeze %dma_wait3A_669 : memref<1x!tpu.dma_semaphore, #tpu.memory_space<semaphore_mem>> -> memref<!tpu.dma_semaphore, #tpu.memory_space<semaphore_mem>>
      %dma_wait3A_671 = arith.constant 0 : i32
      %dma_wait3A_672 = tpu.memref_slice %arg21[%dma_wait3A_661, %dma_wait3A_662, %dma_wait3A_671] : memref<2x14x2000xf32, #tpu.memory_space<vmem>> -> memref<1x1x2000xf32, #tpu.memory_space<vmem>>
      %dma_wait3A_673 = tpu.memref_squeeze %dma_wait3A_672 : memref<1x1x2000xf32, #tpu.memory_space<vmem>> -> memref<2000xf32, #tpu.memory_space<vmem>>
      %dma_wait3A_674 = arith.constant 0 : i32
      %dma_wait3A_675 = tpu.memref_slice %arg13[%dma_wait3A_674] : memref<3200000xf32, #tpu.memory_space<hbm>> -> memref<2000xf32, #tpu.memory_space<hbm>>
      tpu.wait_dma2 semaphore(%dma_wait3A_670 : memref<!tpu.dma_semaphore, #tpu.memory_space<semaphore_mem>>) src(%dma_wait3A_675 : memref<2000xf32, #tpu.memory_space<hbm>>) dst(%dma_wait3A_673 : memref<2000xf32, #tpu.memory_space<vmem>>)
      %dma_wait3A_676 = arith.constant 0 : i32
      %dma_wait3A_677 = arith.constant 11 : i32
      %dma_wait3A_678 = arith.constant 0 : i32
      %dma_wait3A_679 = arith.constant 0 : i32
      %dma_wait3A_680 = tpu.memref_slice %arg21[%dma_wait3A_676, %dma_wait3A_677, %dma_wait3A_679] : memref<2x14x2000xf32, #tpu.memory_space<vmem>> -> memref<1x1x2000xf32, #tpu.memory_space<vmem>>
      %dma_wait3A_681 = tpu.memref_squeeze %dma_wait3A_680 : memref<1x1x2000xf32, #tpu.memory_space<vmem>> -> memref<2000xf32, #tpu.memory_space<vmem>>
      %dma_wait3A_682 = arith.constant 0 : i32
      %dma_wait3A_683 = tpu.memref_slice %arg14[%dma_wait3A_682] : memref<3200000xf32, #tpu.memory_space<hbm>> -> memref<2000xf32, #tpu.memory_space<hbm>>
      %dma_wait3A_684 = tpu.memref_slice %arg23[%dma_wait3A_678] : memref<2x!tpu.dma_semaphore, #tpu.memory_space<semaphore_mem>> -> memref<1x!tpu.dma_semaphore, #tpu.memory_space<semaphore_mem>>
      %dma_wait3A_685 = tpu.memref_squeeze %dma_wait3A_684 : memref<1x!tpu.dma_semaphore, #tpu.memory_space<semaphore_mem>> -> memref<!tpu.dma_semaphore, #tpu.memory_space<semaphore_mem>>
      %dma_wait3A_686 = arith.constant 0 : i32
      %dma_wait3A_687 = tpu.memref_slice %arg21[%dma_wait3A_676, %dma_wait3A_677, %dma_wait3A_686] : memref<2x14x2000xf32, #tpu.memory_space<vmem>> -> memref<1x1x2000xf32, #tpu.memory_space<vmem>>
      %dma_wait3A_688 = tpu.memref_squeeze %dma_wait3A_687 : memref<1x1x2000xf32, #tpu.memory_space<vmem>> -> memref<2000xf32, #tpu.memory_space<vmem>>
      %dma_wait3A_689 = arith.constant 0 : i32
      %dma_wait3A_690 = tpu.memref_slice %arg14[%dma_wait3A_689] : memref<3200000xf32, #tpu.memory_space<hbm>> -> memref<2000xf32, #tpu.memory_space<hbm>>
      tpu.wait_dma2 semaphore(%dma_wait3A_685 : memref<!tpu.dma_semaphore, #tpu.memory_space<semaphore_mem>>) src(%dma_wait3A_690 : memref<2000xf32, #tpu.memory_space<hbm>>) dst(%dma_wait3A_688 : memref<2000xf32, #tpu.memory_space<vmem>>)
      %dma_wait3A_691 = arith.constant 0 : i32
      %dma_wait3A_692 = arith.constant 12 : i32
      %dma_wait3A_693 = arith.constant 0 : i32
      %dma_wait3A_694 = arith.constant 0 : i32
      %dma_wait3A_695 = tpu.memref_slice %arg21[%dma_wait3A_691, %dma_wait3A_692, %dma_wait3A_694] : memref<2x14x2000xf32, #tpu.memory_space<vmem>> -> memref<1x1x2000xf32, #tpu.memory_space<vmem>>
      %dma_wait3A_696 = tpu.memref_squeeze %dma_wait3A_695 : memref<1x1x2000xf32, #tpu.memory_space<vmem>> -> memref<2000xf32, #tpu.memory_space<vmem>>
      %dma_wait3A_697 = arith.constant 0 : i32
      %dma_wait3A_698 = tpu.memref_slice %arg15[%dma_wait3A_697] : memref<3200000xf32, #tpu.memory_space<hbm>> -> memref<2000xf32, #tpu.memory_space<hbm>>
      %dma_wait3A_699 = tpu.memref_slice %arg23[%dma_wait3A_693] : memref<2x!tpu.dma_semaphore, #tpu.memory_space<semaphore_mem>> -> memref<1x!tpu.dma_semaphore, #tpu.memory_space<semaphore_mem>>
      %dma_wait3A_700 = tpu.memref_squeeze %dma_wait3A_699 : memref<1x!tpu.dma_semaphore, #tpu.memory_space<semaphore_mem>> -> memref<!tpu.dma_semaphore, #tpu.memory_space<semaphore_mem>>
      %dma_wait3A_701 = arith.constant 0 : i32
      %dma_wait3A_702 = tpu.memref_slice %arg21[%dma_wait3A_691, %dma_wait3A_692, %dma_wait3A_701] : memref<2x14x2000xf32, #tpu.memory_space<vmem>> -> memref<1x1x2000xf32, #tpu.memory_space<vmem>>
      %dma_wait3A_703 = tpu.memref_squeeze %dma_wait3A_702 : memref<1x1x2000xf32, #tpu.memory_space<vmem>> -> memref<2000xf32, #tpu.memory_space<vmem>>
      %dma_wait3A_704 = arith.constant 0 : i32
      %dma_wait3A_705 = tpu.memref_slice %arg15[%dma_wait3A_704] : memref<3200000xf32, #tpu.memory_space<hbm>> -> memref<2000xf32, #tpu.memory_space<hbm>>
      tpu.wait_dma2 semaphore(%dma_wait3A_700 : memref<!tpu.dma_semaphore, #tpu.memory_space<semaphore_mem>>) src(%dma_wait3A_705 : memref<2000xf32, #tpu.memory_space<hbm>>) dst(%dma_wait3A_703 : memref<2000xf32, #tpu.memory_space<vmem>>)
      %dma_wait3A_706 = arith.constant 0 : i32
      %dma_wait3A_707 = arith.constant 13 : i32
      %dma_wait3A_708 = arith.constant 0 : i32
      %dma_wait3A_709 = arith.constant 0 : i32
      %dma_wait3A_710 = tpu.memref_slice %arg21[%dma_wait3A_706, %dma_wait3A_707, %dma_wait3A_709] : memref<2x14x2000xf32, #tpu.memory_space<vmem>> -> memref<1x1x2000xf32, #tpu.memory_space<vmem>>
      %dma_wait3A_711 = tpu.memref_squeeze %dma_wait3A_710 : memref<1x1x2000xf32, #tpu.memory_space<vmem>> -> memref<2000xf32, #tpu.memory_space<vmem>>
      %dma_wait3A_712 = arith.constant 0 : i32
      %dma_wait3A_713 = tpu.memref_slice %arg16[%dma_wait3A_712] : memref<3200000xf32, #tpu.memory_space<hbm>> -> memref<2000xf32, #tpu.memory_space<hbm>>
      %dma_wait3A_714 = tpu.memref_slice %arg23[%dma_wait3A_708] : memref<2x!tpu.dma_semaphore, #tpu.memory_space<semaphore_mem>> -> memref<1x!tpu.dma_semaphore, #tpu.memory_space<semaphore_mem>>
      %dma_wait3A_715 = tpu.memref_squeeze %dma_wait3A_714 : memref<1x!tpu.dma_semaphore, #tpu.memory_space<semaphore_mem>> -> memref<!tpu.dma_semaphore, #tpu.memory_space<semaphore_mem>>
      %dma_wait3A_716 = arith.constant 0 : i32
      %dma_wait3A_717 = tpu.memref_slice %arg21[%dma_wait3A_706, %dma_wait3A_707, %dma_wait3A_716] : memref<2x14x2000xf32, #tpu.memory_space<vmem>> -> memref<1x1x2000xf32, #tpu.memory_space<vmem>>
      %dma_wait3A_718 = tpu.memref_squeeze %dma_wait3A_717 : memref<1x1x2000xf32, #tpu.memory_space<vmem>> -> memref<2000xf32, #tpu.memory_space<vmem>>
      %dma_wait3A_719 = arith.constant 0 : i32
      %dma_wait3A_720 = tpu.memref_slice %arg16[%dma_wait3A_719] : memref<3200000xf32, #tpu.memory_space<hbm>> -> memref<2000xf32, #tpu.memory_space<hbm>>
      tpu.wait_dma2 semaphore(%dma_wait3A_715 : memref<!tpu.dma_semaphore, #tpu.memory_space<semaphore_mem>>) src(%dma_wait3A_720 : memref<2000xf32, #tpu.memory_space<hbm>>) dst(%dma_wait3A_718 : memref<2000xf32, #tpu.memory_space<vmem>>)
      %mul3A_721 = arith.constant 2 : i32
      %mul3A_722 = arith.muli %mul3A_721, %scan3A_276 : i32
      %add3A_723 = arith.constant 2 : i32
      %add3A_724 = arith.addi %mul3A_722, %add3A_723 : i32
      %lt3A = arith.constant 50 : i32
      %lt3A_725 = arith.cmpi slt, %add3A_724, %lt3A : i32
      %convert_element_type3A = arith.extui %lt3A_725 : i1 to i32
      %cond3A = arith.constant 0 : i32
      %cond3A_726 = arith.cmpi ne, %convert_element_type3A, %cond3A : i32
      scf.if %cond3A_726 {
        %add3A_984 = arith.constant 4000 : i32
        %add3A_985 = arith.addi %add3A_282, %add3A_984 : i32
        %dma_start3A_986 = arith.constant 0 : i32
        %dma_start3A_987 = arith.constant 0 : i32
        %dma_start3A_988 = arith.constant 0 : i32
        %dma_start3A_989 = tpu.memref_slice %arg19[%dma_start3A_986, %dma_start3A_988] : memref<2x2000xi32, #tpu.memory_space<vmem>> -> memref<1x2000xi32, #tpu.memory_space<vmem>>
        %dma_start3A_990 = tpu.memref_squeeze %dma_start3A_989 : memref<1x2000xi32, #tpu.memory_space<vmem>> -> memref<2000xi32, #tpu.memory_space<vmem>>
        %dma_start3A_991 = tpu.memref_slice %arg17[%add3A_985] : memref<3200000xi32, #tpu.memory_space<hbm>> -> memref<2000xi32, #tpu.memory_space<hbm>>
        %dma_start3A_992 = tpu.memref_slice %arg24[%dma_start3A_987] : memref<2x!tpu.dma_semaphore, #tpu.memory_space<semaphore_mem>> -> memref<1x!tpu.dma_semaphore, #tpu.memory_space<semaphore_mem>>
        %dma_start3A_993 = tpu.memref_squeeze %dma_start3A_992 : memref<1x!tpu.dma_semaphore, #tpu.memory_space<semaphore_mem>> -> memref<!tpu.dma_semaphore, #tpu.memory_space<semaphore_mem>>
        %dma_start3A_994 = arith.constant 0 : i32
        %dma_start3A_995 = tpu.memref_slice %arg19[%dma_start3A_986, %dma_start3A_994] : memref<2x2000xi32, #tpu.memory_space<vmem>> -> memref<1x2000xi32, #tpu.memory_space<vmem>>
        %dma_start3A_996 = tpu.memref_squeeze %dma_start3A_995 : memref<1x2000xi32, #tpu.memory_space<vmem>> -> memref<2000xi32, #tpu.memory_space<vmem>>
        %dma_start3A_997 = tpu.memref_slice %arg17[%add3A_985] : memref<3200000xi32, #tpu.memory_space<hbm>> -> memref<2000xi32, #tpu.memory_space<hbm>>
        tpu.enqueue_dma source(%dma_start3A_997 : memref<2000xi32, #tpu.memory_space<hbm>>) target(%dma_start3A_996 : memref<2000xi32, #tpu.memory_space<vmem>>) target_semaphore(%dma_start3A_993 : memref<!tpu.dma_semaphore, #tpu.memory_space<semaphore_mem>>)
      } else {
      }
      %scan3A_727 = arith.constant 0 : i32
      %scan3A_728 = arith.constant 0 : i32
      %scan3A_729 = arith.constant 125 : i32
      %scan3A_730 = arith.addi %scan3A_728, %scan3A_729 : i32
      %scan3A_731 = arith.constant 1 : i32
      %scan3A_732 = scf.for %scan3A_984 = %scan3A_728 to %scan3A_730 step %scan3A_731 iter_args(%scan3A_985 = %scan3A_277) -> (vector<16xf32>)  : i32 {
        %mul3A_986 = arith.constant 16 : i32
        %mul3A_987 = arith.muli %scan3A_984, %mul3A_986 : i32
        %add3A_988 = vector.broadcast %mul3A_987 : i32 to vector<16xi32>
        %add3A_989 = arith.addi %iota3A, %add3A_988 : vector<16xi32>
        %get3A = arith.constant 0 : i32
        %get3A_990 = arith.constant 12 : i32
        %get3A_991 = arith.index_cast %get3A : i32 to index
        %get3A_992 = arith.index_cast %get3A_990 : i32 to index
        %get3A_993 = arith.index_cast %mul3A_987 : i32 to index
        %get3A_994 = tpu.vector_load %arg21[%get3A_991, %get3A_992, %get3A_993] {strides = array<i32>} : memref<2x14x2000xf32, #tpu.memory_space<vmem>>, vector<16xf32>,
        %get3A_995 = arith.constant 0 : i32
        %get3A_996 = arith.constant 13 : i32
        %get3A_997 = arith.index_cast %get3A_995 : i32 to index
        %get3A_998 = arith.index_cast %get3A_996 : i32 to index
        %get3A_999 = arith.index_cast %mul3A_987 : i32 to index
        %get3A_1000 = tpu.vector_load %arg21[%get3A_997, %get3A_998, %get3A_999] {strides = array<i32>} : memref<2x14x2000xf32, #tpu.memory_space<vmem>>, vector<16xf32>,
        %mul3A_1001 = arith.mulf %get3A_994, %get3A_994 : vector<16xf32>
        %div3A = arith.constant 1.000000e+00 : f32
        %div3A_1002 = vector.broadcast %div3A : f32 to vector<16xf32>
        %div3A_1003 = arith.divf %div3A_1002, %get3A_994 : vector<16xf32>
        %mul3A_1004 = arith.constant -2.40167108E-9 : f32
        %mul3A_1005 = vector.broadcast %mul3A_1004 : f32 to vector<16xf32>
        %mul3A_1006 = arith.mulf %mul3A_1005, %mul3A_1001 : vector<16xf32>
        %add3A_1007 = arith.constant 7.1492849E-7 : f32
        %add3A_1008 = vector.broadcast %add3A_1007 : f32 to vector<16xf32>
        %add3A_1009 = arith.addf %mul3A_1006, %add3A_1008 : vector<16xf32>
        %mul3A_1010 = arith.mulf %add3A_1009, %mul3A_1001 : vector<16xf32>
        %add3A_1011 = arith.constant 1.78751565E-4 : f32
        %add3A_1012 = vector.broadcast %add3A_1011 : f32 to vector<16xf32>
        %add3A_1013 = arith.addf %mul3A_1010, %add3A_1012 : vector<16xf32>
        %mul3A_1014 = arith.mulf %add3A_1013, %mul3A_1001 : vector<16xf32>
        %add3A_1015 = arith.addf %div3A_1003, %mul3A_1014 : vector<16xf32>
        %sub3A = arith.constant 0.115845099 : f32
        %sub3A_1016 = vector.broadcast %sub3A : f32 to vector<16xf32>
        %sub3A_1017 = arith.subf %add3A_1015, %sub3A_1016 : vector<16xf32>
        %div3A_1018 = arith.constant 1.000000e+00 : f32
        %div3A_1019 = vector.broadcast %div3A_1018 : f32 to vector<16xf32>
        %div3A_1020 = arith.divf %div3A_1019, %mul3A_1001 : vector<16xf32>
        %mul3A_1021 = arith.mulf %sub3A_1017, %div3A_1020 : vector<16xf32>
        %mul3A_1022 = arith.constant 3.000000e+00 : f32
        %mul3A_1023 = vector.broadcast %mul3A_1022 : f32 to vector<16xf32>
        %mul3A_1024 = arith.mulf %mul3A_1023, %mul3A_1021 : vector<16xf32>
        %mul3A_1025 = arith.mulf %mul3A_1024, %div3A_1020 : vector<16xf32>
        %gather3A = arith.constant 0 : i32
        %gather3A_1026 = arith.constant 0 : i32
        %gather3A_1027 = tpu.memref_slice %arg20[%scan3A_727, %gather3A, %gather3A_1026] : memref<2x2000x16xf32, #tpu.memory_space<vmem>> -> memref<1x2000x16xf32, #tpu.memory_space<vmem>>
        %gather3A_1028 = tpu.memref_squeeze %gather3A_1027 : memref<1x2000x16xf32, #tpu.memory_space<vmem>> -> memref<2000x16xf32, #tpu.memory_space<vmem>>
        %gather3A_1029 = tpu.vector_load_idx %gather3A_1028[%add3A_989, %broadcast_in_dim3A_3] : memref<2000x16xf32, #tpu.memory_space<vmem>>[vector<16xi32>, vector<16xi32>], vector<16xf32>,
        %get3A_1030 = arith.constant 0 : i32
        %get3A_1031 = arith.constant 0 : i32
        %get3A_1032 = arith.index_cast %get3A_1030 : i32 to index
        %get3A_1033 = arith.index_cast %get3A_1031 : i32 to index
        %get3A_1034 = arith.index_cast %mul3A_987 : i32 to index
        %get3A_1035 = tpu.vector_load %arg21[%get3A_1032, %get3A_1033, %get3A_1034] {strides = array<i32>} : memref<2x14x2000xf32, #tpu.memory_space<vmem>>, vector<16xf32>,
        %gather3A_1036 = arith.constant 0 : i32
        %gather3A_1037 = arith.constant 0 : i32
        %gather3A_1038 = tpu.memref_slice %arg20[%scan3A_727, %gather3A_1036, %gather3A_1037] : memref<2x2000x16xf32, #tpu.memory_space<vmem>> -> memref<1x2000x16xf32, #tpu.memory_space<vmem>>
        %gather3A_1039 = tpu.memref_squeeze %gather3A_1038 : memref<1x2000x16xf32, #tpu.memory_space<vmem>> -> memref<2000x16xf32, #tpu.memory_space<vmem>>
        %gather3A_1040 = tpu.vector_load_idx %gather3A_1039[%add3A_989, %broadcast_in_dim3A_5] : memref<2000x16xf32, #tpu.memory_space<vmem>>[vector<16xi32>, vector<16xi32>], vector<16xf32>,
        %mul3A_1041 = arith.mulf %get3A_1035, %gather3A_1040 : vector<16xf32>
        %get3A_1042 = arith.constant 0 : i32
        %get3A_1043 = arith.constant 1 : i32
        %get3A_1044 = arith.index_cast %get3A_1042 : i32 to index
        %get3A_1045 = arith.index_cast %get3A_1043 : i32 to index
        %get3A_1046 = arith.index_cast %mul3A_987 : i32 to index
        %get3A_1047 = tpu.vector_load %arg21[%get3A_1044, %get3A_1045, %get3A_1046] {strides = array<i32>} : memref<2x14x2000xf32, #tpu.memory_space<vmem>>, vector<16xf32>,
        %gather3A_1048 = arith.constant 0 : i32
        %gather3A_1049 = arith.constant 0 : i32
        %gather3A_1050 = tpu.memref_slice %arg20[%scan3A_727, %gather3A_1048, %gather3A_1049] : memref<2x2000x16xf32, #tpu.memory_space<vmem>> -> memref<1x2000x16xf32, #tpu.memory_space<vmem>>
        %gather3A_1051 = tpu.memref_squeeze %gather3A_1050 : memref<1x2000x16xf32, #tpu.memory_space<vmem>> -> memref<2000x16xf32, #tpu.memory_space<vmem>>
        %gather3A_1052 = tpu.vector_load_idx %gather3A_1051[%add3A_989, %broadcast_in_dim3A_7] : memref<2000x16xf32, #tpu.memory_space<vmem>>[vector<16xi32>, vector<16xi32>], vector<16xf32>,
        %mul3A_1053 = arith.mulf %get3A_1047, %gather3A_1052 : vector<16xf32>
        %add3A_1054 = arith.addf %mul3A_1041, %mul3A_1053 : vector<16xf32>
        %get3A_1055 = arith.constant 0 : i32
        %get3A_1056 = arith.constant 2 : i32
        %get3A_1057 = arith.index_cast %get3A_1055 : i32 to index
        %get3A_1058 = arith.index_cast %get3A_1056 : i32 to index
        %get3A_1059 = arith.index_cast %mul3A_987 : i32 to index
        %get3A_1060 = tpu.vector_load %arg21[%get3A_1057, %get3A_1058, %get3A_1059] {strides = array<i32>} : memref<2x14x2000xf32, #tpu.memory_space<vmem>>, vector<16xf32>,
        %gather3A_1061 = arith.constant 0 : i32
        %gather3A_1062 = arith.constant 0 : i32
        %gather3A_1063 = tpu.memref_slice %arg20[%scan3A_727, %gather3A_1061, %gather3A_1062] : memref<2x2000x16xf32, #tpu.memory_space<vmem>> -> memref<1x2000x16xf32, #tpu.memory_space<vmem>>
        %gather3A_1064 = tpu.memref_squeeze %gather3A_1063 : memref<1x2000x16xf32, #tpu.memory_space<vmem>> -> memref<2000x16xf32, #tpu.memory_space<vmem>>
        %gather3A_1065 = tpu.vector_load_idx %gather3A_1064[%add3A_989, %broadcast_in_dim3A_9] : memref<2000x16xf32, #tpu.memory_space<vmem>>[vector<16xi32>, vector<16xi32>], vector<16xf32>,
        %mul3A_1066 = arith.mulf %get3A_1060, %gather3A_1065 : vector<16xf32>
        %add3A_1067 = arith.addf %add3A_1054, %mul3A_1066 : vector<16xf32>
        %get3A_1068 = arith.constant 0 : i32
        %get3A_1069 = arith.constant 3 : i32
        %get3A_1070 = arith.index_cast %get3A_1068 : i32 to index
        %get3A_1071 = arith.index_cast %get3A_1069 : i32 to index
        %get3A_1072 = arith.index_cast %mul3A_987 : i32 to index
        %get3A_1073 = tpu.vector_load %arg21[%get3A_1070, %get3A_1071, %get3A_1072] {strides = array<i32>} : memref<2x14x2000xf32, #tpu.memory_space<vmem>>, vector<16xf32>,
        %gather3A_1074 = arith.constant 0 : i32
        %gather3A_1075 = arith.constant 0 : i32
        %gather3A_1076 = tpu.memref_slice %arg20[%scan3A_727, %gather3A_1074, %gather3A_1075] : memref<2x2000x16xf32, #tpu.memory_space<vmem>> -> memref<1x2000x16xf32, #tpu.memory_space<vmem>>
        %gather3A_1077 = tpu.memref_squeeze %gather3A_1076 : memref<1x2000x16xf32, #tpu.memory_space<vmem>> -> memref<2000x16xf32, #tpu.memory_space<vmem>>
        %gather3A_1078 = tpu.vector_load_idx %gather3A_1077[%add3A_989, %broadcast_in_dim3A_11] : memref<2000x16xf32, #tpu.memory_space<vmem>>[vector<16xi32>, vector<16xi32>], vector<16xf32>,
        %mul3A_1079 = arith.mulf %get3A_1073, %gather3A_1078 : vector<16xf32>
        %get3A_1080 = arith.constant 0 : i32
        %get3A_1081 = arith.constant 4 : i32
        %get3A_1082 = arith.index_cast %get3A_1080 : i32 to index
        %get3A_1083 = arith.index_cast %get3A_1081 : i32 to index
        %get3A_1084 = arith.index_cast %mul3A_987 : i32 to index
        %get3A_1085 = tpu.vector_load %arg21[%get3A_1082, %get3A_1083, %get3A_1084] {strides = array<i32>} : memref<2x14x2000xf32, #tpu.memory_space<vmem>>, vector<16xf32>,
        %gather3A_1086 = arith.constant 0 : i32
        %gather3A_1087 = arith.constant 0 : i32
        %gather3A_1088 = tpu.memref_slice %arg20[%scan3A_727, %gather3A_1086, %gather3A_1087] : memref<2x2000x16xf32, #tpu.memory_space<vmem>> -> memref<1x2000x16xf32, #tpu.memory_space<vmem>>
        %gather3A_1089 = tpu.memref_squeeze %gather3A_1088 : memref<1x2000x16xf32, #tpu.memory_space<vmem>> -> memref<2000x16xf32, #tpu.memory_space<vmem>>
        %gather3A_1090 = tpu.vector_load_idx %gather3A_1089[%add3A_989, %broadcast_in_dim3A_13] : memref<2000x16xf32, #tpu.memory_space<vmem>>[vector<16xi32>, vector<16xi32>], vector<16xf32>,
        %mul3A_1091 = arith.mulf %get3A_1085, %gather3A_1090 : vector<16xf32>
        %add3A_1092 = arith.addf %mul3A_1079, %mul3A_1091 : vector<16xf32>
        %get3A_1093 = arith.constant 0 : i32
        %get3A_1094 = arith.constant 5 : i32
        %get3A_1095 = arith.index_cast %get3A_1093 : i32 to index
        %get3A_1096 = arith.index_cast %get3A_1094 : i32 to index
        %get3A_1097 = arith.index_cast %mul3A_987 : i32 to index
        %get3A_1098 = tpu.vector_load %arg21[%get3A_1095, %get3A_1096, %get3A_1097] {strides = array<i32>} : memref<2x14x2000xf32, #tpu.memory_space<vmem>>, vector<16xf32>,
        %gather3A_1099 = arith.constant 0 : i32
        %gather3A_1100 = arith.constant 0 : i32
        %gather3A_1101 = tpu.memref_slice %arg20[%scan3A_727, %gather3A_1099, %gather3A_1100] : memref<2x2000x16xf32, #tpu.memory_space<vmem>> -> memref<1x2000x16xf32, #tpu.memory_space<vmem>>
        %gather3A_1102 = tpu.memref_squeeze %gather3A_1101 : memref<1x2000x16xf32, #tpu.memory_space<vmem>> -> memref<2000x16xf32, #tpu.memory_space<vmem>>
        %gather3A_1103 = tpu.vector_load_idx %gather3A_1102[%add3A_989, %broadcast_in_dim3A_15] : memref<2000x16xf32, #tpu.memory_space<vmem>>[vector<16xi32>, vector<16xi32>], vector<16xf32>,
        %mul3A_1104 = arith.mulf %get3A_1098, %gather3A_1103 : vector<16xf32>
        %add3A_1105 = arith.addf %add3A_1092, %mul3A_1104 : vector<16xf32>
        %get3A_1106 = arith.constant 0 : i32
        %get3A_1107 = arith.constant 6 : i32
        %get3A_1108 = arith.index_cast %get3A_1106 : i32 to index
        %get3A_1109 = arith.index_cast %get3A_1107 : i32 to index
        %get3A_1110 = arith.index_cast %mul3A_987 : i32 to index
        %get3A_1111 = tpu.vector_load %arg21[%get3A_1108, %get3A_1109, %get3A_1110] {strides = array<i32>} : memref<2x14x2000xf32, #tpu.memory_space<vmem>>, vector<16xf32>,
        %gather3A_1112 = arith.constant 0 : i32
        %gather3A_1113 = arith.constant 0 : i32
        %gather3A_1114 = tpu.memref_slice %arg20[%scan3A_727, %gather3A_1112, %gather3A_1113] : memref<2x2000x16xf32, #tpu.memory_space<vmem>> -> memref<1x2000x16xf32, #tpu.memory_space<vmem>>
        %gather3A_1115 = tpu.memref_squeeze %gather3A_1114 : memref<1x2000x16xf32, #tpu.memory_space<vmem>> -> memref<2000x16xf32, #tpu.memory_space<vmem>>
        %gather3A_1116 = tpu.vector_load_idx %gather3A_1115[%add3A_989, %broadcast_in_dim3A_17] : memref<2000x16xf32, #tpu.memory_space<vmem>>[vector<16xi32>, vector<16xi32>], vector<16xf32>,
        %mul3A_1117 = arith.mulf %get3A_1111, %gather3A_1116 : vector<16xf32>
        %add3A_1118 = arith.addf %add3A_1105, %mul3A_1117 : vector<16xf32>
        %get3A_1119 = arith.constant 0 : i32
        %get3A_1120 = arith.constant 7 : i32
        %get3A_1121 = arith.index_cast %get3A_1119 : i32 to index
        %get3A_1122 = arith.index_cast %get3A_1120 : i32 to index
        %get3A_1123 = arith.index_cast %mul3A_987 : i32 to index
        %get3A_1124 = tpu.vector_load %arg21[%get3A_1121, %get3A_1122, %get3A_1123] {strides = array<i32>} : memref<2x14x2000xf32, #tpu.memory_space<vmem>>, vector<16xf32>,
        %gather3A_1125 = arith.constant 0 : i32
        %gather3A_1126 = arith.constant 0 : i32
        %gather3A_1127 = tpu.memref_slice %arg20[%scan3A_727, %gather3A_1125, %gather3A_1126] : memref<2x2000x16xf32, #tpu.memory_space<vmem>> -> memref<1x2000x16xf32, #tpu.memory_space<vmem>>
        %gather3A_1128 = tpu.memref_squeeze %gather3A_1127 : memref<1x2000x16xf32, #tpu.memory_space<vmem>> -> memref<2000x16xf32, #tpu.memory_space<vmem>>
        %gather3A_1129 = tpu.vector_load_idx %gather3A_1128[%add3A_989, %broadcast_in_dim3A_19] : memref<2000x16xf32, #tpu.memory_space<vmem>>[vector<16xi32>, vector<16xi32>], vector<16xf32>,
        %mul3A_1130 = arith.mulf %get3A_1124, %gather3A_1129 : vector<16xf32>
        %add3A_1131 = arith.addf %add3A_1118, %mul3A_1130 : vector<16xf32>
        %get3A_1132 = arith.constant 0 : i32
        %get3A_1133 = arith.constant 8 : i32
        %get3A_1134 = arith.index_cast %get3A_1132 : i32 to index
        %get3A_1135 = arith.index_cast %get3A_1133 : i32 to index
        %get3A_1136 = arith.index_cast %mul3A_987 : i32 to index
        %get3A_1137 = tpu.vector_load %arg21[%get3A_1134, %get3A_1135, %get3A_1136] {strides = array<i32>} : memref<2x14x2000xf32, #tpu.memory_space<vmem>>, vector<16xf32>,
        %gather3A_1138 = arith.constant 0 : i32
        %gather3A_1139 = arith.constant 0 : i32
        %gather3A_1140 = tpu.memref_slice %arg20[%scan3A_727, %gather3A_1138, %gather3A_1139] : memref<2x2000x16xf32, #tpu.memory_space<vmem>> -> memref<1x2000x16xf32, #tpu.memory_space<vmem>>
        %gather3A_1141 = tpu.memref_squeeze %gather3A_1140 : memref<1x2000x16xf32, #tpu.memory_space<vmem>> -> memref<2000x16xf32, #tpu.memory_space<vmem>>
        %gather3A_1142 = tpu.vector_load_idx %gather3A_1141[%add3A_989, %broadcast_in_dim3A_21] : memref<2000x16xf32, #tpu.memory_space<vmem>>[vector<16xi32>, vector<16xi32>], vector<16xf32>,
        %mul3A_1143 = arith.mulf %get3A_1137, %gather3A_1142 : vector<16xf32>
        %add3A_1144 = arith.addf %add3A_1131, %mul3A_1143 : vector<16xf32>
        %get3A_1145 = arith.constant 0 : i32
        %get3A_1146 = arith.constant 9 : i32
        %get3A_1147 = arith.index_cast %get3A_1145 : i32 to index
        %get3A_1148 = arith.index_cast %get3A_1146 : i32 to index
        %get3A_1149 = arith.index_cast %mul3A_987 : i32 to index
        %get3A_1150 = tpu.vector_load %arg21[%get3A_1147, %get3A_1148, %get3A_1149] {strides = array<i32>} : memref<2x14x2000xf32, #tpu.memory_space<vmem>>, vector<16xf32>,
        %gather3A_1151 = arith.constant 0 : i32
        %gather3A_1152 = arith.constant 0 : i32
        %gather3A_1153 = tpu.memref_slice %arg20[%scan3A_727, %gather3A_1151, %gather3A_1152] : memref<2x2000x16xf32, #tpu.memory_space<vmem>> -> memref<1x2000x16xf32, #tpu.memory_space<vmem>>
        %gather3A_1154 = tpu.memref_squeeze %gather3A_1153 : memref<1x2000x16xf32, #tpu.memory_space<vmem>> -> memref<2000x16xf32, #tpu.memory_space<vmem>>
        %gather3A_1155 = tpu.vector_load_idx %gather3A_1154[%add3A_989, %broadcast_in_dim3A_23] : memref<2000x16xf32, #tpu.memory_space<vmem>>[vector<16xi32>, vector<16xi32>], vector<16xf32>,
        %mul3A_1156 = arith.mulf %get3A_1150, %gather3A_1155 : vector<16xf32>
        %add3A_1157 = arith.addf %add3A_1144, %mul3A_1156 : vector<16xf32>
        %get3A_1158 = arith.constant 0 : i32
        %get3A_1159 = arith.constant 10 : i32
        %get3A_1160 = arith.index_cast %get3A_1158 : i32 to index
        %get3A_1161 = arith.index_cast %get3A_1159 : i32 to index
        %get3A_1162 = arith.index_cast %mul3A_987 : i32 to index
        %get3A_1163 = tpu.vector_load %arg21[%get3A_1160, %get3A_1161, %get3A_1162] {strides = array<i32>} : memref<2x14x2000xf32, #tpu.memory_space<vmem>>, vector<16xf32>,
        %gather3A_1164 = arith.constant 0 : i32
        %gather3A_1165 = arith.constant 0 : i32
        %gather3A_1166 = tpu.memref_slice %arg20[%scan3A_727, %gather3A_1164, %gather3A_1165] : memref<2x2000x16xf32, #tpu.memory_space<vmem>> -> memref<1x2000x16xf32, #tpu.memory_space<vmem>>
        %gather3A_1167 = tpu.memref_squeeze %gather3A_1166 : memref<1x2000x16xf32, #tpu.memory_space<vmem>> -> memref<2000x16xf32, #tpu.memory_space<vmem>>
        %gather3A_1168 = tpu.vector_load_idx %gather3A_1167[%add3A_989, %broadcast_in_dim3A_25] : memref<2000x16xf32, #tpu.memory_space<vmem>>[vector<16xi32>, vector<16xi32>], vector<16xf32>,
        %mul3A_1169 = arith.mulf %get3A_1163, %gather3A_1168 : vector<16xf32>
        %add3A_1170 = arith.addf %add3A_1157, %mul3A_1169 : vector<16xf32>
        %get3A_1171 = arith.constant 0 : i32
        %get3A_1172 = arith.constant 11 : i32
        %get3A_1173 = arith.index_cast %get3A_1171 : i32 to index
        %get3A_1174 = arith.index_cast %get3A_1172 : i32 to index
        %get3A_1175 = arith.index_cast %mul3A_987 : i32 to index
        %get3A_1176 = tpu.vector_load %arg21[%get3A_1173, %get3A_1174, %get3A_1175] {strides = array<i32>} : memref<2x14x2000xf32, #tpu.memory_space<vmem>>, vector<16xf32>,
        %gather3A_1177 = arith.constant 0 : i32
        %gather3A_1178 = arith.constant 0 : i32
        %gather3A_1179 = tpu.memref_slice %arg20[%scan3A_727, %gather3A_1177, %gather3A_1178] : memref<2x2000x16xf32, #tpu.memory_space<vmem>> -> memref<1x2000x16xf32, #tpu.memory_space<vmem>>
        %gather3A_1180 = tpu.memref_squeeze %gather3A_1179 : memref<1x2000x16xf32, #tpu.memory_space<vmem>> -> memref<2000x16xf32, #tpu.memory_space<vmem>>
        %gather3A_1181 = tpu.vector_load_idx %gather3A_1180[%add3A_989, %broadcast_in_dim3A_27] : memref<2000x16xf32, #tpu.memory_space<vmem>>[vector<16xi32>, vector<16xi32>], vector<16xf32>,
        %mul3A_1182 = arith.mulf %get3A_1176, %gather3A_1181 : vector<16xf32>
        %add3A_1183 = arith.addf %add3A_1170, %mul3A_1182 : vector<16xf32>
        %mul3A_1184 = arith.mulf %gather3A_1029, %sub3A_1017 : vector<16xf32>
        %mul3A_1185 = arith.mulf %add3A_1067, %mul3A_1021 : vector<16xf32>
        %add3A_1186 = arith.addf %mul3A_1184, %mul3A_1185 : vector<16xf32>
        %mul3A_1187 = arith.mulf %add3A_1183, %mul3A_1025 : vector<16xf32>
        %add3A_1188 = arith.addf %add3A_1186, %mul3A_1187 : vector<16xf32>
        %mul3A_1189 = arith.mulf %get3A_1000, %add3A_1188 : vector<16xf32>
        %add3A_1190 = arith.addf %scan3A_985, %mul3A_1189 : vector<16xf32>
        scf.yield %add3A_1190 : vector<16xf32>
      }
      %scan3A_733 = arith.constant 125 : i32
      %mul3A_734 = arith.constant 2 : i32
      %mul3A_735 = arith.muli %mul3A_734, %scan3A_276 : i32
      %add3A_736 = arith.constant 2 : i32
      %add3A_737 = arith.addi %mul3A_735, %add3A_736 : i32
      %lt3A_738 = arith.constant 50 : i32
      %lt3A_739 = arith.cmpi slt, %add3A_737, %lt3A_738 : i32
      %convert_element_type3A_740 = arith.extui %lt3A_739 : i1 to i32
      %cond3A_741 = arith.constant 0 : i32
      %cond3A_742 = arith.cmpi ne, %convert_element_type3A_740, %cond3A_741 : i32
      scf.if %cond3A_742 {
        %dma_wait3A_984 = arith.constant 0 : i32
        %dma_wait3A_985 = arith.constant 0 : i32
        %dma_wait3A_986 = arith.constant 0 : i32
        %dma_wait3A_987 = tpu.memref_slice %arg19[%dma_wait3A_984, %dma_wait3A_986] : memref<2x2000xi32, #tpu.memory_space<vmem>> -> memref<1x2000xi32, #tpu.memory_space<vmem>>
        %dma_wait3A_988 = tpu.memref_squeeze %dma_wait3A_987 : memref<1x2000xi32, #tpu.memory_space<vmem>> -> memref<2000xi32, #tpu.memory_space<vmem>>
        %dma_wait3A_989 = arith.constant 0 : i32
        %dma_wait3A_990 = tpu.memref_slice %arg17[%dma_wait3A_989] : memref<3200000xi32, #tpu.memory_space<hbm>> -> memref<2000xi32, #tpu.memory_space<hbm>>
        %dma_wait3A_991 = tpu.memref_slice %arg24[%dma_wait3A_985] : memref<2x!tpu.dma_semaphore, #tpu.memory_space<semaphore_mem>> -> memref<1x!tpu.dma_semaphore, #tpu.memory_space<semaphore_mem>>
        %dma_wait3A_992 = tpu.memref_squeeze %dma_wait3A_991 : memref<1x!tpu.dma_semaphore, #tpu.memory_space<semaphore_mem>> -> memref<!tpu.dma_semaphore, #tpu.memory_space<semaphore_mem>>
        %dma_wait3A_993 = arith.constant 0 : i32
        %dma_wait3A_994 = tpu.memref_slice %arg19[%dma_wait3A_984, %dma_wait3A_993] : memref<2x2000xi32, #tpu.memory_space<vmem>> -> memref<1x2000xi32, #tpu.memory_space<vmem>>
        %dma_wait3A_995 = tpu.memref_squeeze %dma_wait3A_994 : memref<1x2000xi32, #tpu.memory_space<vmem>> -> memref<2000xi32, #tpu.memory_space<vmem>>
        %dma_wait3A_996 = arith.constant 0 : i32
        %dma_wait3A_997 = tpu.memref_slice %arg17[%dma_wait3A_996] : memref<3200000xi32, #tpu.memory_space<hbm>> -> memref<2000xi32, #tpu.memory_space<hbm>>
        tpu.wait_dma2 semaphore(%dma_wait3A_992 : memref<!tpu.dma_semaphore, #tpu.memory_space<semaphore_mem>>) src(%dma_wait3A_997 : memref<2000xi32, #tpu.memory_space<hbm>>) dst(%dma_wait3A_995 : memref<2000xi32, #tpu.memory_space<vmem>>)
        %add3A_998 = arith.constant 4000 : i32
        %add3A_999 = arith.addi %add3A_282, %add3A_998 : i32
        %dma_start3A_1000 = arith.constant 0 : i32
        %dma_start3A_1001 = arith.constant 0 : i32
        %dma_start3A_1002 = arith.constant 0 : i32
        %dma_start3A_1003 = arith.constant 0 : i32
        %dma_start3A_1004 = arith.constant 0 : i32
        %dma_start3A_1005 = tpu.memref_slice %arg20[%dma_start3A_1001, %dma_start3A_1003, %dma_start3A_1004] : memref<2x2000x16xf32, #tpu.memory_space<vmem>> -> memref<1x2000x16xf32, #tpu.memory_space<vmem>>
        %dma_start3A_1006 = tpu.memref_squeeze %dma_start3A_1005 : memref<1x2000x16xf32, #tpu.memory_space<vmem>> -> memref<2000x16xf32, #tpu.memory_space<vmem>>
        %dma_start3A_1007 = arith.constant 0 : i32
        %dma_start3A_1008 = tpu.memref_slice %arg19[%dma_start3A_1000, %dma_start3A_1007] : memref<2x2000xi32, #tpu.memory_space<vmem>> -> memref<1x2000xi32, #tpu.memory_space<vmem>>
        %dma_start3A_1009 = tpu.memref_squeeze %dma_start3A_1008 : memref<1x2000xi32, #tpu.memory_space<vmem>> -> memref<2000xi32, #tpu.memory_space<vmem>>
        %dma_start3A_1010 = arith.constant 0 : i32
        %dma_start3A_1011 = arith.constant 0 : i32
        %dma_start3A_1012 = tpu.memref_slice %arg2[%dma_start3A_1010, %dma_start3A_1011] : memref<50000x16xf32, #tpu.memory_space<hbm>> -> memref<50000x16xf32, #tpu.memory_space<hbm>>
        %dma_start3A_1013 = tpu.memref_slice %arg23[%dma_start3A_1002] : memref<2x!tpu.dma_semaphore, #tpu.memory_space<semaphore_mem>> -> memref<1x!tpu.dma_semaphore, #tpu.memory_space<semaphore_mem>>
        %dma_start3A_1014 = tpu.memref_squeeze %dma_start3A_1013 : memref<1x!tpu.dma_semaphore, #tpu.memory_space<semaphore_mem>> -> memref<!tpu.dma_semaphore, #tpu.memory_space<semaphore_mem>>
        tpu.enqueue_indirect_dma source(%dma_start3A_1012 : memref<50000x16xf32, #tpu.memory_space<hbm>>) target(%dma_start3A_1006 : memref<2000x16xf32, #tpu.memory_space<vmem>>) offsets(%dma_start3A_1009 : memref<2000xi32, #tpu.memory_space<vmem>>) semaphore(%dma_start3A_1014 : memref<!tpu.dma_semaphore, #tpu.memory_space<semaphore_mem>>)
        %dma_start3A_1015 = arith.constant 0 : i32
        %dma_start3A_1016 = arith.constant 0 : i32
        %dma_start3A_1017 = arith.constant 0 : i32
        %dma_start3A_1018 = arith.constant 0 : i32
        %dma_start3A_1019 = tpu.memref_slice %arg21[%dma_start3A_1015, %dma_start3A_1016, %dma_start3A_1018] : memref<2x14x2000xf32, #tpu.memory_space<vmem>> -> memref<1x1x2000xf32, #tpu.memory_space<vmem>>
        %dma_start3A_1020 = tpu.memref_squeeze %dma_start3A_1019 : memref<1x1x2000xf32, #tpu.memory_space<vmem>> -> memref<2000xf32, #tpu.memory_space<vmem>>
        %dma_start3A_1021 = tpu.memref_slice %arg3[%add3A_999] : memref<3200000xf32, #tpu.memory_space<hbm>> -> memref<2000xf32, #tpu.memory_space<hbm>>
        %dma_start3A_1022 = tpu.memref_slice %arg23[%dma_start3A_1017] : memref<2x!tpu.dma_semaphore, #tpu.memory_space<semaphore_mem>> -> memref<1x!tpu.dma_semaphore, #tpu.memory_space<semaphore_mem>>
        %dma_start3A_1023 = tpu.memref_squeeze %dma_start3A_1022 : memref<1x!tpu.dma_semaphore, #tpu.memory_space<semaphore_mem>> -> memref<!tpu.dma_semaphore, #tpu.memory_space<semaphore_mem>>
        %dma_start3A_1024 = arith.constant 0 : i32
        %dma_start3A_1025 = tpu.memref_slice %arg21[%dma_start3A_1015, %dma_start3A_1016, %dma_start3A_1024] : memref<2x14x2000xf32, #tpu.memory_space<vmem>> -> memref<1x1x2000xf32, #tpu.memory_space<vmem>>
        %dma_start3A_1026 = tpu.memref_squeeze %dma_start3A_1025 : memref<1x1x2000xf32, #tpu.memory_space<vmem>> -> memref<2000xf32, #tpu.memory_space<vmem>>
        %dma_start3A_1027 = tpu.memref_slice %arg3[%add3A_999] : memref<3200000xf32, #tpu.memory_space<hbm>> -> memref<2000xf32, #tpu.memory_space<hbm>>
        tpu.enqueue_dma source(%dma_start3A_1027 : memref<2000xf32, #tpu.memory_space<hbm>>) target(%dma_start3A_1026 : memref<2000xf32, #tpu.memory_space<vmem>>) target_semaphore(%dma_start3A_1023 : memref<!tpu.dma_semaphore, #tpu.memory_space<semaphore_mem>>)
        %dma_start3A_1028 = arith.constant 0 : i32
        %dma_start3A_1029 = arith.constant 1 : i32
        %dma_start3A_1030 = arith.constant 0 : i32
        %dma_start3A_1031 = arith.constant 0 : i32
        %dma_start3A_1032 = tpu.memref_slice %arg21[%dma_start3A_1028, %dma_start3A_1029, %dma_start3A_1031] : memref<2x14x2000xf32, #tpu.memory_space<vmem>> -> memref<1x1x2000xf32, #tpu.memory_space<vmem>>
        %dma_start3A_1033 = tpu.memref_squeeze %dma_start3A_1032 : memref<1x1x2000xf32, #tpu.memory_space<vmem>> -> memref<2000xf32, #tpu.memory_space<vmem>>
        %dma_start3A_1034 = tpu.memref_slice %arg4[%add3A_999] : memref<3200000xf32, #tpu.memory_space<hbm>> -> memref<2000xf32, #tpu.memory_space<hbm>>
        %dma_start3A_1035 = tpu.memref_slice %arg23[%dma_start3A_1030] : memref<2x!tpu.dma_semaphore, #tpu.memory_space<semaphore_mem>> -> memref<1x!tpu.dma_semaphore, #tpu.memory_space<semaphore_mem>>
        %dma_start3A_1036 = tpu.memref_squeeze %dma_start3A_1035 : memref<1x!tpu.dma_semaphore, #tpu.memory_space<semaphore_mem>> -> memref<!tpu.dma_semaphore, #tpu.memory_space<semaphore_mem>>
        %dma_start3A_1037 = arith.constant 0 : i32
        %dma_start3A_1038 = tpu.memref_slice %arg21[%dma_start3A_1028, %dma_start3A_1029, %dma_start3A_1037] : memref<2x14x2000xf32, #tpu.memory_space<vmem>> -> memref<1x1x2000xf32, #tpu.memory_space<vmem>>
        %dma_start3A_1039 = tpu.memref_squeeze %dma_start3A_1038 : memref<1x1x2000xf32, #tpu.memory_space<vmem>> -> memref<2000xf32, #tpu.memory_space<vmem>>
        %dma_start3A_1040 = tpu.memref_slice %arg4[%add3A_999] : memref<3200000xf32, #tpu.memory_space<hbm>> -> memref<2000xf32, #tpu.memory_space<hbm>>
        tpu.enqueue_dma source(%dma_start3A_1040 : memref<2000xf32, #tpu.memory_space<hbm>>) target(%dma_start3A_1039 : memref<2000xf32, #tpu.memory_space<vmem>>) target_semaphore(%dma_start3A_1036 : memref<!tpu.dma_semaphore, #tpu.memory_space<semaphore_mem>>)
        %dma_start3A_1041 = arith.constant 0 : i32
        %dma_start3A_1042 = arith.constant 2 : i32
        %dma_start3A_1043 = arith.constant 0 : i32
        %dma_start3A_1044 = arith.constant 0 : i32
        %dma_start3A_1045 = tpu.memref_slice %arg21[%dma_start3A_1041, %dma_start3A_1042, %dma_start3A_1044] : memref<2x14x2000xf32, #tpu.memory_space<vmem>> -> memref<1x1x2000xf32, #tpu.memory_space<vmem>>
        %dma_start3A_1046 = tpu.memref_squeeze %dma_start3A_1045 : memref<1x1x2000xf32, #tpu.memory_space<vmem>> -> memref<2000xf32, #tpu.memory_space<vmem>>
        %dma_start3A_1047 = tpu.memref_slice %arg5[%add3A_999] : memref<3200000xf32, #tpu.memory_space<hbm>> -> memref<2000xf32, #tpu.memory_space<hbm>>
        %dma_start3A_1048 = tpu.memref_slice %arg23[%dma_start3A_1043] : memref<2x!tpu.dma_semaphore, #tpu.memory_space<semaphore_mem>> -> memref<1x!tpu.dma_semaphore, #tpu.memory_space<semaphore_mem>>
        %dma_start3A_1049 = tpu.memref_squeeze %dma_start3A_1048 : memref<1x!tpu.dma_semaphore, #tpu.memory_space<semaphore_mem>> -> memref<!tpu.dma_semaphore, #tpu.memory_space<semaphore_mem>>
        %dma_start3A_1050 = arith.constant 0 : i32
        %dma_start3A_1051 = tpu.memref_slice %arg21[%dma_start3A_1041, %dma_start3A_1042, %dma_start3A_1050] : memref<2x14x2000xf32, #tpu.memory_space<vmem>> -> memref<1x1x2000xf32, #tpu.memory_space<vmem>>
        %dma_start3A_1052 = tpu.memref_squeeze %dma_start3A_1051 : memref<1x1x2000xf32, #tpu.memory_space<vmem>> -> memref<2000xf32, #tpu.memory_space<vmem>>
        %dma_start3A_1053 = tpu.memref_slice %arg5[%add3A_999] : memref<3200000xf32, #tpu.memory_space<hbm>> -> memref<2000xf32, #tpu.memory_space<hbm>>
        tpu.enqueue_dma source(%dma_start3A_1053 : memref<2000xf32, #tpu.memory_space<hbm>>) target(%dma_start3A_1052 : memref<2000xf32, #tpu.memory_space<vmem>>) target_semaphore(%dma_start3A_1049 : memref<!tpu.dma_semaphore, #tpu.memory_space<semaphore_mem>>)
        %dma_start3A_1054 = arith.constant 0 : i32
        %dma_start3A_1055 = arith.constant 3 : i32
        %dma_start3A_1056 = arith.constant 0 : i32
        %dma_start3A_1057 = arith.constant 0 : i32
        %dma_start3A_1058 = tpu.memref_slice %arg21[%dma_start3A_1054, %dma_start3A_1055, %dma_start3A_1057] : memref<2x14x2000xf32, #tpu.memory_space<vmem>> -> memref<1x1x2000xf32, #tpu.memory_space<vmem>>
        %dma_start3A_1059 = tpu.memref_squeeze %dma_start3A_1058 : memref<1x1x2000xf32, #tpu.memory_space<vmem>> -> memref<2000xf32, #tpu.memory_space<vmem>>
        %dma_start3A_1060 = tpu.memref_slice %arg6[%add3A_999] : memref<3200000xf32, #tpu.memory_space<hbm>> -> memref<2000xf32, #tpu.memory_space<hbm>>
        %dma_start3A_1061 = tpu.memref_slice %arg23[%dma_start3A_1056] : memref<2x!tpu.dma_semaphore, #tpu.memory_space<semaphore_mem>> -> memref<1x!tpu.dma_semaphore, #tpu.memory_space<semaphore_mem>>
        %dma_start3A_1062 = tpu.memref_squeeze %dma_start3A_1061 : memref<1x!tpu.dma_semaphore, #tpu.memory_space<semaphore_mem>> -> memref<!tpu.dma_semaphore, #tpu.memory_space<semaphore_mem>>
        %dma_start3A_1063 = arith.constant 0 : i32
        %dma_start3A_1064 = tpu.memref_slice %arg21[%dma_start3A_1054, %dma_start3A_1055, %dma_start3A_1063] : memref<2x14x2000xf32, #tpu.memory_space<vmem>> -> memref<1x1x2000xf32, #tpu.memory_space<vmem>>
        %dma_start3A_1065 = tpu.memref_squeeze %dma_start3A_1064 : memref<1x1x2000xf32, #tpu.memory_space<vmem>> -> memref<2000xf32, #tpu.memory_space<vmem>>
        %dma_start3A_1066 = tpu.memref_slice %arg6[%add3A_999] : memref<3200000xf32, #tpu.memory_space<hbm>> -> memref<2000xf32, #tpu.memory_space<hbm>>
        tpu.enqueue_dma source(%dma_start3A_1066 : memref<2000xf32, #tpu.memory_space<hbm>>) target(%dma_start3A_1065 : memref<2000xf32, #tpu.memory_space<vmem>>) target_semaphore(%dma_start3A_1062 : memref<!tpu.dma_semaphore, #tpu.memory_space<semaphore_mem>>)
        %dma_start3A_1067 = arith.constant 0 : i32
        %dma_start3A_1068 = arith.constant 4 : i32
        %dma_start3A_1069 = arith.constant 0 : i32
        %dma_start3A_1070 = arith.constant 0 : i32
        %dma_start3A_1071 = tpu.memref_slice %arg21[%dma_start3A_1067, %dma_start3A_1068, %dma_start3A_1070] : memref<2x14x2000xf32, #tpu.memory_space<vmem>> -> memref<1x1x2000xf32, #tpu.memory_space<vmem>>
        %dma_start3A_1072 = tpu.memref_squeeze %dma_start3A_1071 : memref<1x1x2000xf32, #tpu.memory_space<vmem>> -> memref<2000xf32, #tpu.memory_space<vmem>>
        %dma_start3A_1073 = tpu.memref_slice %arg7[%add3A_999] : memref<3200000xf32, #tpu.memory_space<hbm>> -> memref<2000xf32, #tpu.memory_space<hbm>>
        %dma_start3A_1074 = tpu.memref_slice %arg23[%dma_start3A_1069] : memref<2x!tpu.dma_semaphore, #tpu.memory_space<semaphore_mem>> -> memref<1x!tpu.dma_semaphore, #tpu.memory_space<semaphore_mem>>
        %dma_start3A_1075 = tpu.memref_squeeze %dma_start3A_1074 : memref<1x!tpu.dma_semaphore, #tpu.memory_space<semaphore_mem>> -> memref<!tpu.dma_semaphore, #tpu.memory_space<semaphore_mem>>
        %dma_start3A_1076 = arith.constant 0 : i32
        %dma_start3A_1077 = tpu.memref_slice %arg21[%dma_start3A_1067, %dma_start3A_1068, %dma_start3A_1076] : memref<2x14x2000xf32, #tpu.memory_space<vmem>> -> memref<1x1x2000xf32, #tpu.memory_space<vmem>>
        %dma_start3A_1078 = tpu.memref_squeeze %dma_start3A_1077 : memref<1x1x2000xf32, #tpu.memory_space<vmem>> -> memref<2000xf32, #tpu.memory_space<vmem>>
        %dma_start3A_1079 = tpu.memref_slice %arg7[%add3A_999] : memref<3200000xf32, #tpu.memory_space<hbm>> -> memref<2000xf32, #tpu.memory_space<hbm>>
        tpu.enqueue_dma source(%dma_start3A_1079 : memref<2000xf32, #tpu.memory_space<hbm>>) target(%dma_start3A_1078 : memref<2000xf32, #tpu.memory_space<vmem>>) target_semaphore(%dma_start3A_1075 : memref<!tpu.dma_semaphore, #tpu.memory_space<semaphore_mem>>)
        %dma_start3A_1080 = arith.constant 0 : i32
        %dma_start3A_1081 = arith.constant 5 : i32
        %dma_start3A_1082 = arith.constant 0 : i32
        %dma_start3A_1083 = arith.constant 0 : i32
        %dma_start3A_1084 = tpu.memref_slice %arg21[%dma_start3A_1080, %dma_start3A_1081, %dma_start3A_1083] : memref<2x14x2000xf32, #tpu.memory_space<vmem>> -> memref<1x1x2000xf32, #tpu.memory_space<vmem>>
        %dma_start3A_1085 = tpu.memref_squeeze %dma_start3A_1084 : memref<1x1x2000xf32, #tpu.memory_space<vmem>> -> memref<2000xf32, #tpu.memory_space<vmem>>
        %dma_start3A_1086 = tpu.memref_slice %arg8[%add3A_999] : memref<3200000xf32, #tpu.memory_space<hbm>> -> memref<2000xf32, #tpu.memory_space<hbm>>
        %dma_start3A_1087 = tpu.memref_slice %arg23[%dma_start3A_1082] : memref<2x!tpu.dma_semaphore, #tpu.memory_space<semaphore_mem>> -> memref<1x!tpu.dma_semaphore, #tpu.memory_space<semaphore_mem>>
        %dma_start3A_1088 = tpu.memref_squeeze %dma_start3A_1087 : memref<1x!tpu.dma_semaphore, #tpu.memory_space<semaphore_mem>> -> memref<!tpu.dma_semaphore, #tpu.memory_space<semaphore_mem>>
        %dma_start3A_1089 = arith.constant 0 : i32
        %dma_start3A_1090 = tpu.memref_slice %arg21[%dma_start3A_1080, %dma_start3A_1081, %dma_start3A_1089] : memref<2x14x2000xf32, #tpu.memory_space<vmem>> -> memref<1x1x2000xf32, #tpu.memory_space<vmem>>
        %dma_start3A_1091 = tpu.memref_squeeze %dma_start3A_1090 : memref<1x1x2000xf32, #tpu.memory_space<vmem>> -> memref<2000xf32, #tpu.memory_space<vmem>>
        %dma_start3A_1092 = tpu.memref_slice %arg8[%add3A_999] : memref<3200000xf32, #tpu.memory_space<hbm>> -> memref<2000xf32, #tpu.memory_space<hbm>>
        tpu.enqueue_dma source(%dma_start3A_1092 : memref<2000xf32, #tpu.memory_space<hbm>>) target(%dma_start3A_1091 : memref<2000xf32, #tpu.memory_space<vmem>>) target_semaphore(%dma_start3A_1088 : memref<!tpu.dma_semaphore, #tpu.memory_space<semaphore_mem>>)
        %dma_start3A_1093 = arith.constant 0 : i32
        %dma_start3A_1094 = arith.constant 6 : i32
        %dma_start3A_1095 = arith.constant 0 : i32
        %dma_start3A_1096 = arith.constant 0 : i32
        %dma_start3A_1097 = tpu.memref_slice %arg21[%dma_start3A_1093, %dma_start3A_1094, %dma_start3A_1096] : memref<2x14x2000xf32, #tpu.memory_space<vmem>> -> memref<1x1x2000xf32, #tpu.memory_space<vmem>>
        %dma_start3A_1098 = tpu.memref_squeeze %dma_start3A_1097 : memref<1x1x2000xf32, #tpu.memory_space<vmem>> -> memref<2000xf32, #tpu.memory_space<vmem>>
        %dma_start3A_1099 = tpu.memref_slice %arg9[%add3A_999] : memref<3200000xf32, #tpu.memory_space<hbm>> -> memref<2000xf32, #tpu.memory_space<hbm>>
        %dma_start3A_1100 = tpu.memref_slice %arg23[%dma_start3A_1095] : memref<2x!tpu.dma_semaphore, #tpu.memory_space<semaphore_mem>> -> memref<1x!tpu.dma_semaphore, #tpu.memory_space<semaphore_mem>>
        %dma_start3A_1101 = tpu.memref_squeeze %dma_start3A_1100 : memref<1x!tpu.dma_semaphore, #tpu.memory_space<semaphore_mem>> -> memref<!tpu.dma_semaphore, #tpu.memory_space<semaphore_mem>>
        %dma_start3A_1102 = arith.constant 0 : i32
        %dma_start3A_1103 = tpu.memref_slice %arg21[%dma_start3A_1093, %dma_start3A_1094, %dma_start3A_1102] : memref<2x14x2000xf32, #tpu.memory_space<vmem>> -> memref<1x1x2000xf32, #tpu.memory_space<vmem>>
        %dma_start3A_1104 = tpu.memref_squeeze %dma_start3A_1103 : memref<1x1x2000xf32, #tpu.memory_space<vmem>> -> memref<2000xf32, #tpu.memory_space<vmem>>
        %dma_start3A_1105 = tpu.memref_slice %arg9[%add3A_999] : memref<3200000xf32, #tpu.memory_space<hbm>> -> memref<2000xf32, #tpu.memory_space<hbm>>
        tpu.enqueue_dma source(%dma_start3A_1105 : memref<2000xf32, #tpu.memory_space<hbm>>) target(%dma_start3A_1104 : memref<2000xf32, #tpu.memory_space<vmem>>) target_semaphore(%dma_start3A_1101 : memref<!tpu.dma_semaphore, #tpu.memory_space<semaphore_mem>>)
        %dma_start3A_1106 = arith.constant 0 : i32
        %dma_start3A_1107 = arith.constant 7 : i32
        %dma_start3A_1108 = arith.constant 0 : i32
        %dma_start3A_1109 = arith.constant 0 : i32
        %dma_start3A_1110 = tpu.memref_slice %arg21[%dma_start3A_1106, %dma_start3A_1107, %dma_start3A_1109] : memref<2x14x2000xf32, #tpu.memory_space<vmem>> -> memref<1x1x2000xf32, #tpu.memory_space<vmem>>
        %dma_start3A_1111 = tpu.memref_squeeze %dma_start3A_1110 : memref<1x1x2000xf32, #tpu.memory_space<vmem>> -> memref<2000xf32, #tpu.memory_space<vmem>>
        %dma_start3A_1112 = tpu.memref_slice %arg10[%add3A_999] : memref<3200000xf32, #tpu.memory_space<hbm>> -> memref<2000xf32, #tpu.memory_space<hbm>>
        %dma_start3A_1113 = tpu.memref_slice %arg23[%dma_start3A_1108] : memref<2x!tpu.dma_semaphore, #tpu.memory_space<semaphore_mem>> -> memref<1x!tpu.dma_semaphore, #tpu.memory_space<semaphore_mem>>
        %dma_start3A_1114 = tpu.memref_squeeze %dma_start3A_1113 : memref<1x!tpu.dma_semaphore, #tpu.memory_space<semaphore_mem>> -> memref<!tpu.dma_semaphore, #tpu.memory_space<semaphore_mem>>
        %dma_start3A_1115 = arith.constant 0 : i32
        %dma_start3A_1116 = tpu.memref_slice %arg21[%dma_start3A_1106, %dma_start3A_1107, %dma_start3A_1115] : memref<2x14x2000xf32, #tpu.memory_space<vmem>> -> memref<1x1x2000xf32, #tpu.memory_space<vmem>>
        %dma_start3A_1117 = tpu.memref_squeeze %dma_start3A_1116 : memref<1x1x2000xf32, #tpu.memory_space<vmem>> -> memref<2000xf32, #tpu.memory_space<vmem>>
        %dma_start3A_1118 = tpu.memref_slice %arg10[%add3A_999] : memref<3200000xf32, #tpu.memory_space<hbm>> -> memref<2000xf32, #tpu.memory_space<hbm>>
        tpu.enqueue_dma source(%dma_start3A_1118 : memref<2000xf32, #tpu.memory_space<hbm>>) target(%dma_start3A_1117 : memref<2000xf32, #tpu.memory_space<vmem>>) target_semaphore(%dma_start3A_1114 : memref<!tpu.dma_semaphore, #tpu.memory_space<semaphore_mem>>)
        %dma_start3A_1119 = arith.constant 0 : i32
        %dma_start3A_1120 = arith.constant 8 : i32
        %dma_start3A_1121 = arith.constant 0 : i32
        %dma_start3A_1122 = arith.constant 0 : i32
        %dma_start3A_1123 = tpu.memref_slice %arg21[%dma_start3A_1119, %dma_start3A_1120, %dma_start3A_1122] : memref<2x14x2000xf32, #tpu.memory_space<vmem>> -> memref<1x1x2000xf32, #tpu.memory_space<vmem>>
        %dma_start3A_1124 = tpu.memref_squeeze %dma_start3A_1123 : memref<1x1x2000xf32, #tpu.memory_space<vmem>> -> memref<2000xf32, #tpu.memory_space<vmem>>
        %dma_start3A_1125 = tpu.memref_slice %arg11[%add3A_999] : memref<3200000xf32, #tpu.memory_space<hbm>> -> memref<2000xf32, #tpu.memory_space<hbm>>
        %dma_start3A_1126 = tpu.memref_slice %arg23[%dma_start3A_1121] : memref<2x!tpu.dma_semaphore, #tpu.memory_space<semaphore_mem>> -> memref<1x!tpu.dma_semaphore, #tpu.memory_space<semaphore_mem>>
        %dma_start3A_1127 = tpu.memref_squeeze %dma_start3A_1126 : memref<1x!tpu.dma_semaphore, #tpu.memory_space<semaphore_mem>> -> memref<!tpu.dma_semaphore, #tpu.memory_space<semaphore_mem>>
        %dma_start3A_1128 = arith.constant 0 : i32
        %dma_start3A_1129 = tpu.memref_slice %arg21[%dma_start3A_1119, %dma_start3A_1120, %dma_start3A_1128] : memref<2x14x2000xf32, #tpu.memory_space<vmem>> -> memref<1x1x2000xf32, #tpu.memory_space<vmem>>
        %dma_start3A_1130 = tpu.memref_squeeze %dma_start3A_1129 : memref<1x1x2000xf32, #tpu.memory_space<vmem>> -> memref<2000xf32, #tpu.memory_space<vmem>>
        %dma_start3A_1131 = tpu.memref_slice %arg11[%add3A_999] : memref<3200000xf32, #tpu.memory_space<hbm>> -> memref<2000xf32, #tpu.memory_space<hbm>>
        tpu.enqueue_dma source(%dma_start3A_1131 : memref<2000xf32, #tpu.memory_space<hbm>>) target(%dma_start3A_1130 : memref<2000xf32, #tpu.memory_space<vmem>>) target_semaphore(%dma_start3A_1127 : memref<!tpu.dma_semaphore, #tpu.memory_space<semaphore_mem>>)
        %dma_start3A_1132 = arith.constant 0 : i32
        %dma_start3A_1133 = arith.constant 9 : i32
        %dma_start3A_1134 = arith.constant 0 : i32
        %dma_start3A_1135 = arith.constant 0 : i32
        %dma_start3A_1136 = tpu.memref_slice %arg21[%dma_start3A_1132, %dma_start3A_1133, %dma_start3A_1135] : memref<2x14x2000xf32, #tpu.memory_space<vmem>> -> memref<1x1x2000xf32, #tpu.memory_space<vmem>>
        %dma_start3A_1137 = tpu.memref_squeeze %dma_start3A_1136 : memref<1x1x2000xf32, #tpu.memory_space<vmem>> -> memref<2000xf32, #tpu.memory_space<vmem>>
        %dma_start3A_1138 = tpu.memref_slice %arg12[%add3A_999] : memref<3200000xf32, #tpu.memory_space<hbm>> -> memref<2000xf32, #tpu.memory_space<hbm>>
        %dma_start3A_1139 = tpu.memref_slice %arg23[%dma_start3A_1134] : memref<2x!tpu.dma_semaphore, #tpu.memory_space<semaphore_mem>> -> memref<1x!tpu.dma_semaphore, #tpu.memory_space<semaphore_mem>>
        %dma_start3A_1140 = tpu.memref_squeeze %dma_start3A_1139 : memref<1x!tpu.dma_semaphore, #tpu.memory_space<semaphore_mem>> -> memref<!tpu.dma_semaphore, #tpu.memory_space<semaphore_mem>>
        %dma_start3A_1141 = arith.constant 0 : i32
        %dma_start3A_1142 = tpu.memref_slice %arg21[%dma_start3A_1132, %dma_start3A_1133, %dma_start3A_1141] : memref<2x14x2000xf32, #tpu.memory_space<vmem>> -> memref<1x1x2000xf32, #tpu.memory_space<vmem>>
        %dma_start3A_1143 = tpu.memref_squeeze %dma_start3A_1142 : memref<1x1x2000xf32, #tpu.memory_space<vmem>> -> memref<2000xf32, #tpu.memory_space<vmem>>
        %dma_start3A_1144 = tpu.memref_slice %arg12[%add3A_999] : memref<3200000xf32, #tpu.memory_space<hbm>> -> memref<2000xf32, #tpu.memory_space<hbm>>
        tpu.enqueue_dma source(%dma_start3A_1144 : memref<2000xf32, #tpu.memory_space<hbm>>) target(%dma_start3A_1143 : memref<2000xf32, #tpu.memory_space<vmem>>) target_semaphore(%dma_start3A_1140 : memref<!tpu.dma_semaphore, #tpu.memory_space<semaphore_mem>>)
        %dma_start3A_1145 = arith.constant 0 : i32
        %dma_start3A_1146 = arith.constant 10 : i32
        %dma_start3A_1147 = arith.constant 0 : i32
        %dma_start3A_1148 = arith.constant 0 : i32
        %dma_start3A_1149 = tpu.memref_slice %arg21[%dma_start3A_1145, %dma_start3A_1146, %dma_start3A_1148] : memref<2x14x2000xf32, #tpu.memory_space<vmem>> -> memref<1x1x2000xf32, #tpu.memory_space<vmem>>
        %dma_start3A_1150 = tpu.memref_squeeze %dma_start3A_1149 : memref<1x1x2000xf32, #tpu.memory_space<vmem>> -> memref<2000xf32, #tpu.memory_space<vmem>>
        %dma_start3A_1151 = tpu.memref_slice %arg13[%add3A_999] : memref<3200000xf32, #tpu.memory_space<hbm>> -> memref<2000xf32, #tpu.memory_space<hbm>>
        %dma_start3A_1152 = tpu.memref_slice %arg23[%dma_start3A_1147] : memref<2x!tpu.dma_semaphore, #tpu.memory_space<semaphore_mem>> -> memref<1x!tpu.dma_semaphore, #tpu.memory_space<semaphore_mem>>
        %dma_start3A_1153 = tpu.memref_squeeze %dma_start3A_1152 : memref<1x!tpu.dma_semaphore, #tpu.memory_space<semaphore_mem>> -> memref<!tpu.dma_semaphore, #tpu.memory_space<semaphore_mem>>
        %dma_start3A_1154 = arith.constant 0 : i32
        %dma_start3A_1155 = tpu.memref_slice %arg21[%dma_start3A_1145, %dma_start3A_1146, %dma_start3A_1154] : memref<2x14x2000xf32, #tpu.memory_space<vmem>> -> memref<1x1x2000xf32, #tpu.memory_space<vmem>>
        %dma_start3A_1156 = tpu.memref_squeeze %dma_start3A_1155 : memref<1x1x2000xf32, #tpu.memory_space<vmem>> -> memref<2000xf32, #tpu.memory_space<vmem>>
        %dma_start3A_1157 = tpu.memref_slice %arg13[%add3A_999] : memref<3200000xf32, #tpu.memory_space<hbm>> -> memref<2000xf32, #tpu.memory_space<hbm>>
        tpu.enqueue_dma source(%dma_start3A_1157 : memref<2000xf32, #tpu.memory_space<hbm>>) target(%dma_start3A_1156 : memref<2000xf32, #tpu.memory_space<vmem>>) target_semaphore(%dma_start3A_1153 : memref<!tpu.dma_semaphore, #tpu.memory_space<semaphore_mem>>)
        %dma_start3A_1158 = arith.constant 0 : i32
        %dma_start3A_1159 = arith.constant 11 : i32
        %dma_start3A_1160 = arith.constant 0 : i32
        %dma_start3A_1161 = arith.constant 0 : i32
        %dma_start3A_1162 = tpu.memref_slice %arg21[%dma_start3A_1158, %dma_start3A_1159, %dma_start3A_1161] : memref<2x14x2000xf32, #tpu.memory_space<vmem>> -> memref<1x1x2000xf32, #tpu.memory_space<vmem>>
        %dma_start3A_1163 = tpu.memref_squeeze %dma_start3A_1162 : memref<1x1x2000xf32, #tpu.memory_space<vmem>> -> memref<2000xf32, #tpu.memory_space<vmem>>
        %dma_start3A_1164 = tpu.memref_slice %arg14[%add3A_999] : memref<3200000xf32, #tpu.memory_space<hbm>> -> memref<2000xf32, #tpu.memory_space<hbm>>
        %dma_start3A_1165 = tpu.memref_slice %arg23[%dma_start3A_1160] : memref<2x!tpu.dma_semaphore, #tpu.memory_space<semaphore_mem>> -> memref<1x!tpu.dma_semaphore, #tpu.memory_space<semaphore_mem>>
        %dma_start3A_1166 = tpu.memref_squeeze %dma_start3A_1165 : memref<1x!tpu.dma_semaphore, #tpu.memory_space<semaphore_mem>> -> memref<!tpu.dma_semaphore, #tpu.memory_space<semaphore_mem>>
        %dma_start3A_1167 = arith.constant 0 : i32
        %dma_start3A_1168 = tpu.memref_slice %arg21[%dma_start3A_1158, %dma_start3A_1159, %dma_start3A_1167] : memref<2x14x2000xf32, #tpu.memory_space<vmem>> -> memref<1x1x2000xf32, #tpu.memory_space<vmem>>
        %dma_start3A_1169 = tpu.memref_squeeze %dma_start3A_1168 : memref<1x1x2000xf32, #tpu.memory_space<vmem>> -> memref<2000xf32, #tpu.memory_space<vmem>>
        %dma_start3A_1170 = tpu.memref_slice %arg14[%add3A_999] : memref<3200000xf32, #tpu.memory_space<hbm>> -> memref<2000xf32, #tpu.memory_space<hbm>>
        tpu.enqueue_dma source(%dma_start3A_1170 : memref<2000xf32, #tpu.memory_space<hbm>>) target(%dma_start3A_1169 : memref<2000xf32, #tpu.memory_space<vmem>>) target_semaphore(%dma_start3A_1166 : memref<!tpu.dma_semaphore, #tpu.memory_space<semaphore_mem>>)
        %dma_start3A_1171 = arith.constant 0 : i32
        %dma_start3A_1172 = arith.constant 12 : i32
        %dma_start3A_1173 = arith.constant 0 : i32
        %dma_start3A_1174 = arith.constant 0 : i32
        %dma_start3A_1175 = tpu.memref_slice %arg21[%dma_start3A_1171, %dma_start3A_1172, %dma_start3A_1174] : memref<2x14x2000xf32, #tpu.memory_space<vmem>> -> memref<1x1x2000xf32, #tpu.memory_space<vmem>>
        %dma_start3A_1176 = tpu.memref_squeeze %dma_start3A_1175 : memref<1x1x2000xf32, #tpu.memory_space<vmem>> -> memref<2000xf32, #tpu.memory_space<vmem>>
        %dma_start3A_1177 = tpu.memref_slice %arg15[%add3A_999] : memref<3200000xf32, #tpu.memory_space<hbm>> -> memref<2000xf32, #tpu.memory_space<hbm>>
        %dma_start3A_1178 = tpu.memref_slice %arg23[%dma_start3A_1173] : memref<2x!tpu.dma_semaphore, #tpu.memory_space<semaphore_mem>> -> memref<1x!tpu.dma_semaphore, #tpu.memory_space<semaphore_mem>>
        %dma_start3A_1179 = tpu.memref_squeeze %dma_start3A_1178 : memref<1x!tpu.dma_semaphore, #tpu.memory_space<semaphore_mem>> -> memref<!tpu.dma_semaphore, #tpu.memory_space<semaphore_mem>>
        %dma_start3A_1180 = arith.constant 0 : i32
        %dma_start3A_1181 = tpu.memref_slice %arg21[%dma_start3A_1171, %dma_start3A_1172, %dma_start3A_1180] : memref<2x14x2000xf32, #tpu.memory_space<vmem>> -> memref<1x1x2000xf32, #tpu.memory_space<vmem>>
        %dma_start3A_1182 = tpu.memref_squeeze %dma_start3A_1181 : memref<1x1x2000xf32, #tpu.memory_space<vmem>> -> memref<2000xf32, #tpu.memory_space<vmem>>
        %dma_start3A_1183 = tpu.memref_slice %arg15[%add3A_999] : memref<3200000xf32, #tpu.memory_space<hbm>> -> memref<2000xf32, #tpu.memory_space<hbm>>
        tpu.enqueue_dma source(%dma_start3A_1183 : memref<2000xf32, #tpu.memory_space<hbm>>) target(%dma_start3A_1182 : memref<2000xf32, #tpu.memory_space<vmem>>) target_semaphore(%dma_start3A_1179 : memref<!tpu.dma_semaphore, #tpu.memory_space<semaphore_mem>>)
        %dma_start3A_1184 = arith.constant 0 : i32
        %dma_start3A_1185 = arith.constant 13 : i32
        %dma_start3A_1186 = arith.constant 0 : i32
        %dma_start3A_1187 = arith.constant 0 : i32
        %dma_start3A_1188 = tpu.memref_slice %arg21[%dma_start3A_1184, %dma_start3A_1185, %dma_start3A_1187] : memref<2x14x2000xf32, #tpu.memory_space<vmem>> -> memref<1x1x2000xf32, #tpu.memory_space<vmem>>
        %dma_start3A_1189 = tpu.memref_squeeze %dma_start3A_1188 : memref<1x1x2000xf32, #tpu.memory_space<vmem>> -> memref<2000xf32, #tpu.memory_space<vmem>>
        %dma_start3A_1190 = tpu.memref_slice %arg16[%add3A_999] : memref<3200000xf32, #tpu.memory_space<hbm>> -> memref<2000xf32, #tpu.memory_space<hbm>>
        %dma_start3A_1191 = tpu.memref_slice %arg23[%dma_start3A_1186] : memref<2x!tpu.dma_semaphore, #tpu.memory_space<semaphore_mem>> -> memref<1x!tpu.dma_semaphore, #tpu.memory_space<semaphore_mem>>
        %dma_start3A_1192 = tpu.memref_squeeze %dma_start3A_1191 : memref<1x!tpu.dma_semaphore, #tpu.memory_space<semaphore_mem>> -> memref<!tpu.dma_semaphore, #tpu.memory_space<semaphore_mem>>
        %dma_start3A_1193 = arith.constant 0 : i32
        %dma_start3A_1194 = tpu.memref_slice %arg21[%dma_start3A_1184, %dma_start3A_1185, %dma_start3A_1193] : memref<2x14x2000xf32, #tpu.memory_space<vmem>> -> memref<1x1x2000xf32, #tpu.memory_space<vmem>>
        %dma_start3A_1195 = tpu.memref_squeeze %dma_start3A_1194 : memref<1x1x2000xf32, #tpu.memory_space<vmem>> -> memref<2000xf32, #tpu.memory_space<vmem>>
        %dma_start3A_1196 = tpu.memref_slice %arg16[%add3A_999] : memref<3200000xf32, #tpu.memory_space<hbm>> -> memref<2000xf32, #tpu.memory_space<hbm>>
        tpu.enqueue_dma source(%dma_start3A_1196 : memref<2000xf32, #tpu.memory_space<hbm>>) target(%dma_start3A_1195 : memref<2000xf32, #tpu.memory_space<vmem>>) target_semaphore(%dma_start3A_1192 : memref<!tpu.dma_semaphore, #tpu.memory_space<semaphore_mem>>)
      } else {
      }
      %dma_wait3A_743 = arith.constant 1 : i32
      %dma_wait3A_744 = arith.constant 1 : i32
      %dma_wait3A_745 = arith.constant 1 : i32
      %dma_wait3A_746 = arith.constant 0 : i32
      %dma_wait3A_747 = arith.constant 0 : i32
      %dma_wait3A_748 = tpu.memref_slice %arg20[%dma_wait3A_744, %dma_wait3A_746, %dma_wait3A_747] : memref<2x2000x16xf32, #tpu.memory_space<vmem>> -> memref<1x2000x16xf32, #tpu.memory_space<vmem>>
      %dma_wait3A_749 = tpu.memref_squeeze %dma_wait3A_748 : memref<1x2000x16xf32, #tpu.memory_space<vmem>> -> memref<2000x16xf32, #tpu.memory_space<vmem>>
      %dma_wait3A_750 = arith.constant 0 : i32
      %dma_wait3A_751 = tpu.memref_slice %arg19[%dma_wait3A_743, %dma_wait3A_750] : memref<2x2000xi32, #tpu.memory_space<vmem>> -> memref<1x2000xi32, #tpu.memory_space<vmem>>
      %dma_wait3A_752 = tpu.memref_squeeze %dma_wait3A_751 : memref<1x2000xi32, #tpu.memory_space<vmem>> -> memref<2000xi32, #tpu.memory_space<vmem>>
      %dma_wait3A_753 = arith.constant 0 : i32
      %dma_wait3A_754 = arith.constant 0 : i32
      %dma_wait3A_755 = tpu.memref_slice %arg2[%dma_wait3A_753, %dma_wait3A_754] : memref<50000x16xf32, #tpu.memory_space<hbm>> -> memref<50000x16xf32, #tpu.memory_space<hbm>>
      %dma_wait3A_756 = tpu.memref_slice %arg23[%dma_wait3A_745] : memref<2x!tpu.dma_semaphore, #tpu.memory_space<semaphore_mem>> -> memref<1x!tpu.dma_semaphore, #tpu.memory_space<semaphore_mem>>
      %dma_wait3A_757 = tpu.memref_squeeze %dma_wait3A_756 : memref<1x!tpu.dma_semaphore, #tpu.memory_space<semaphore_mem>> -> memref<!tpu.dma_semaphore, #tpu.memory_space<semaphore_mem>>
      tpu.wait_indirect_dma semaphore(%dma_wait3A_757 : memref<!tpu.dma_semaphore, #tpu.memory_space<semaphore_mem>>) src(%dma_wait3A_755 : memref<50000x16xf32, #tpu.memory_space<hbm>>) dst(%dma_wait3A_749 : memref<2000x16xf32, #tpu.memory_space<vmem>>)
      %dma_wait3A_758 = arith.constant 1 : i32
      %dma_wait3A_759 = arith.constant 0 : i32
      %dma_wait3A_760 = arith.constant 1 : i32
      %dma_wait3A_761 = arith.constant 0 : i32
      %dma_wait3A_762 = tpu.memref_slice %arg21[%dma_wait3A_758, %dma_wait3A_759, %dma_wait3A_761] : memref<2x14x2000xf32, #tpu.memory_space<vmem>> -> memref<1x1x2000xf32, #tpu.memory_space<vmem>>
      %dma_wait3A_763 = tpu.memref_squeeze %dma_wait3A_762 : memref<1x1x2000xf32, #tpu.memory_space<vmem>> -> memref<2000xf32, #tpu.memory_space<vmem>>
      %dma_wait3A_764 = arith.constant 0 : i32
      %dma_wait3A_765 = tpu.memref_slice %arg3[%dma_wait3A_764] : memref<3200000xf32, #tpu.memory_space<hbm>> -> memref<2000xf32, #tpu.memory_space<hbm>>
      %dma_wait3A_766 = tpu.memref_slice %arg23[%dma_wait3A_760] : memref<2x!tpu.dma_semaphore, #tpu.memory_space<semaphore_mem>> -> memref<1x!tpu.dma_semaphore, #tpu.memory_space<semaphore_mem>>
      %dma_wait3A_767 = tpu.memref_squeeze %dma_wait3A_766 : memref<1x!tpu.dma_semaphore, #tpu.memory_space<semaphore_mem>> -> memref<!tpu.dma_semaphore, #tpu.memory_space<semaphore_mem>>
      %dma_wait3A_768 = arith.constant 0 : i32
      %dma_wait3A_769 = tpu.memref_slice %arg21[%dma_wait3A_758, %dma_wait3A_759, %dma_wait3A_768] : memref<2x14x2000xf32, #tpu.memory_space<vmem>> -> memref<1x1x2000xf32, #tpu.memory_space<vmem>>
      %dma_wait3A_770 = tpu.memref_squeeze %dma_wait3A_769 : memref<1x1x2000xf32, #tpu.memory_space<vmem>> -> memref<2000xf32, #tpu.memory_space<vmem>>
      %dma_wait3A_771 = arith.constant 0 : i32
      %dma_wait3A_772 = tpu.memref_slice %arg3[%dma_wait3A_771] : memref<3200000xf32, #tpu.memory_space<hbm>> -> memref<2000xf32, #tpu.memory_space<hbm>>
      tpu.wait_dma2 semaphore(%dma_wait3A_767 : memref<!tpu.dma_semaphore, #tpu.memory_space<semaphore_mem>>) src(%dma_wait3A_772 : memref<2000xf32, #tpu.memory_space<hbm>>) dst(%dma_wait3A_770 : memref<2000xf32, #tpu.memory_space<vmem>>)
      %dma_wait3A_773 = arith.constant 1 : i32
      %dma_wait3A_774 = arith.constant 1 : i32
      %dma_wait3A_775 = arith.constant 1 : i32
      %dma_wait3A_776 = arith.constant 0 : i32
      %dma_wait3A_777 = tpu.memref_slice %arg21[%dma_wait3A_773, %dma_wait3A_774, %dma_wait3A_776] : memref<2x14x2000xf32, #tpu.memory_space<vmem>> -> memref<1x1x2000xf32, #tpu.memory_space<vmem>>
      %dma_wait3A_778 = tpu.memref_squeeze %dma_wait3A_777 : memref<1x1x2000xf32, #tpu.memory_space<vmem>> -> memref<2000xf32, #tpu.memory_space<vmem>>
      %dma_wait3A_779 = arith.constant 0 : i32
      %dma_wait3A_780 = tpu.memref_slice %arg4[%dma_wait3A_779] : memref<3200000xf32, #tpu.memory_space<hbm>> -> memref<2000xf32, #tpu.memory_space<hbm>>
      %dma_wait3A_781 = tpu.memref_slice %arg23[%dma_wait3A_775] : memref<2x!tpu.dma_semaphore, #tpu.memory_space<semaphore_mem>> -> memref<1x!tpu.dma_semaphore, #tpu.memory_space<semaphore_mem>>
      %dma_wait3A_782 = tpu.memref_squeeze %dma_wait3A_781 : memref<1x!tpu.dma_semaphore, #tpu.memory_space<semaphore_mem>> -> memref<!tpu.dma_semaphore, #tpu.memory_space<semaphore_mem>>
      %dma_wait3A_783 = arith.constant 0 : i32
      %dma_wait3A_784 = tpu.memref_slice %arg21[%dma_wait3A_773, %dma_wait3A_774, %dma_wait3A_783] : memref<2x14x2000xf32, #tpu.memory_space<vmem>> -> memref<1x1x2000xf32, #tpu.memory_space<vmem>>
      %dma_wait3A_785 = tpu.memref_squeeze %dma_wait3A_784 : memref<1x1x2000xf32, #tpu.memory_space<vmem>> -> memref<2000xf32, #tpu.memory_space<vmem>>
      %dma_wait3A_786 = arith.constant 0 : i32
      %dma_wait3A_787 = tpu.memref_slice %arg4[%dma_wait3A_786] : memref<3200000xf32, #tpu.memory_space<hbm>> -> memref<2000xf32, #tpu.memory_space<hbm>>
      tpu.wait_dma2 semaphore(%dma_wait3A_782 : memref<!tpu.dma_semaphore, #tpu.memory_space<semaphore_mem>>) src(%dma_wait3A_787 : memref<2000xf32, #tpu.memory_space<hbm>>) dst(%dma_wait3A_785 : memref<2000xf32, #tpu.memory_space<vmem>>)
      %dma_wait3A_788 = arith.constant 1 : i32
      %dma_wait3A_789 = arith.constant 2 : i32
      %dma_wait3A_790 = arith.constant 1 : i32
      %dma_wait3A_791 = arith.constant 0 : i32
      %dma_wait3A_792 = tpu.memref_slice %arg21[%dma_wait3A_788, %dma_wait3A_789, %dma_wait3A_791] : memref<2x14x2000xf32, #tpu.memory_space<vmem>> -> memref<1x1x2000xf32, #tpu.memory_space<vmem>>
      %dma_wait3A_793 = tpu.memref_squeeze %dma_wait3A_792 : memref<1x1x2000xf32, #tpu.memory_space<vmem>> -> memref<2000xf32, #tpu.memory_space<vmem>>
      %dma_wait3A_794 = arith.constant 0 : i32
      %dma_wait3A_795 = tpu.memref_slice %arg5[%dma_wait3A_794] : memref<3200000xf32, #tpu.memory_space<hbm>> -> memref<2000xf32, #tpu.memory_space<hbm>>
      %dma_wait3A_796 = tpu.memref_slice %arg23[%dma_wait3A_790] : memref<2x!tpu.dma_semaphore, #tpu.memory_space<semaphore_mem>> -> memref<1x!tpu.dma_semaphore, #tpu.memory_space<semaphore_mem>>
      %dma_wait3A_797 = tpu.memref_squeeze %dma_wait3A_796 : memref<1x!tpu.dma_semaphore, #tpu.memory_space<semaphore_mem>> -> memref<!tpu.dma_semaphore, #tpu.memory_space<semaphore_mem>>
      %dma_wait3A_798 = arith.constant 0 : i32
      %dma_wait3A_799 = tpu.memref_slice %arg21[%dma_wait3A_788, %dma_wait3A_789, %dma_wait3A_798] : memref<2x14x2000xf32, #tpu.memory_space<vmem>> -> memref<1x1x2000xf32, #tpu.memory_space<vmem>>
      %dma_wait3A_800 = tpu.memref_squeeze %dma_wait3A_799 : memref<1x1x2000xf32, #tpu.memory_space<vmem>> -> memref<2000xf32, #tpu.memory_space<vmem>>
      %dma_wait3A_801 = arith.constant 0 : i32
      %dma_wait3A_802 = tpu.memref_slice %arg5[%dma_wait3A_801] : memref<3200000xf32, #tpu.memory_space<hbm>> -> memref<2000xf32, #tpu.memory_space<hbm>>
      tpu.wait_dma2 semaphore(%dma_wait3A_797 : memref<!tpu.dma_semaphore, #tpu.memory_space<semaphore_mem>>) src(%dma_wait3A_802 : memref<2000xf32, #tpu.memory_space<hbm>>) dst(%dma_wait3A_800 : memref<2000xf32, #tpu.memory_space<vmem>>)
      %dma_wait3A_803 = arith.constant 1 : i32
      %dma_wait3A_804 = arith.constant 3 : i32
      %dma_wait3A_805 = arith.constant 1 : i32
      %dma_wait3A_806 = arith.constant 0 : i32
      %dma_wait3A_807 = tpu.memref_slice %arg21[%dma_wait3A_803, %dma_wait3A_804, %dma_wait3A_806] : memref<2x14x2000xf32, #tpu.memory_space<vmem>> -> memref<1x1x2000xf32, #tpu.memory_space<vmem>>
      %dma_wait3A_808 = tpu.memref_squeeze %dma_wait3A_807 : memref<1x1x2000xf32, #tpu.memory_space<vmem>> -> memref<2000xf32, #tpu.memory_space<vmem>>
      %dma_wait3A_809 = arith.constant 0 : i32
      %dma_wait3A_810 = tpu.memref_slice %arg6[%dma_wait3A_809] : memref<3200000xf32, #tpu.memory_space<hbm>> -> memref<2000xf32, #tpu.memory_space<hbm>>
      %dma_wait3A_811 = tpu.memref_slice %arg23[%dma_wait3A_805] : memref<2x!tpu.dma_semaphore, #tpu.memory_space<semaphore_mem>> -> memref<1x!tpu.dma_semaphore, #tpu.memory_space<semaphore_mem>>
      %dma_wait3A_812 = tpu.memref_squeeze %dma_wait3A_811 : memref<1x!tpu.dma_semaphore, #tpu.memory_space<semaphore_mem>> -> memref<!tpu.dma_semaphore, #tpu.memory_space<semaphore_mem>>
      %dma_wait3A_813 = arith.constant 0 : i32
      %dma_wait3A_814 = tpu.memref_slice %arg21[%dma_wait3A_803, %dma_wait3A_804, %dma_wait3A_813] : memref<2x14x2000xf32, #tpu.memory_space<vmem>> -> memref<1x1x2000xf32, #tpu.memory_space<vmem>>
      %dma_wait3A_815 = tpu.memref_squeeze %dma_wait3A_814 : memref<1x1x2000xf32, #tpu.memory_space<vmem>> -> memref<2000xf32, #tpu.memory_space<vmem>>
      %dma_wait3A_816 = arith.constant 0 : i32
      %dma_wait3A_817 = tpu.memref_slice %arg6[%dma_wait3A_816] : memref<3200000xf32, #tpu.memory_space<hbm>> -> memref<2000xf32, #tpu.memory_space<hbm>>
      tpu.wait_dma2 semaphore(%dma_wait3A_812 : memref<!tpu.dma_semaphore, #tpu.memory_space<semaphore_mem>>) src(%dma_wait3A_817 : memref<2000xf32, #tpu.memory_space<hbm>>) dst(%dma_wait3A_815 : memref<2000xf32, #tpu.memory_space<vmem>>)
      %dma_wait3A_818 = arith.constant 1 : i32
      %dma_wait3A_819 = arith.constant 4 : i32
      %dma_wait3A_820 = arith.constant 1 : i32
      %dma_wait3A_821 = arith.constant 0 : i32
      %dma_wait3A_822 = tpu.memref_slice %arg21[%dma_wait3A_818, %dma_wait3A_819, %dma_wait3A_821] : memref<2x14x2000xf32, #tpu.memory_space<vmem>> -> memref<1x1x2000xf32, #tpu.memory_space<vmem>>
      %dma_wait3A_823 = tpu.memref_squeeze %dma_wait3A_822 : memref<1x1x2000xf32, #tpu.memory_space<vmem>> -> memref<2000xf32, #tpu.memory_space<vmem>>
      %dma_wait3A_824 = arith.constant 0 : i32
      %dma_wait3A_825 = tpu.memref_slice %arg7[%dma_wait3A_824] : memref<3200000xf32, #tpu.memory_space<hbm>> -> memref<2000xf32, #tpu.memory_space<hbm>>
      %dma_wait3A_826 = tpu.memref_slice %arg23[%dma_wait3A_820] : memref<2x!tpu.dma_semaphore, #tpu.memory_space<semaphore_mem>> -> memref<1x!tpu.dma_semaphore, #tpu.memory_space<semaphore_mem>>
      %dma_wait3A_827 = tpu.memref_squeeze %dma_wait3A_826 : memref<1x!tpu.dma_semaphore, #tpu.memory_space<semaphore_mem>> -> memref<!tpu.dma_semaphore, #tpu.memory_space<semaphore_mem>>
      %dma_wait3A_828 = arith.constant 0 : i32
      %dma_wait3A_829 = tpu.memref_slice %arg21[%dma_wait3A_818, %dma_wait3A_819, %dma_wait3A_828] : memref<2x14x2000xf32, #tpu.memory_space<vmem>> -> memref<1x1x2000xf32, #tpu.memory_space<vmem>>
      %dma_wait3A_830 = tpu.memref_squeeze %dma_wait3A_829 : memref<1x1x2000xf32, #tpu.memory_space<vmem>> -> memref<2000xf32, #tpu.memory_space<vmem>>
      %dma_wait3A_831 = arith.constant 0 : i32
      %dma_wait3A_832 = tpu.memref_slice %arg7[%dma_wait3A_831] : memref<3200000xf32, #tpu.memory_space<hbm>> -> memref<2000xf32, #tpu.memory_space<hbm>>
      tpu.wait_dma2 semaphore(%dma_wait3A_827 : memref<!tpu.dma_semaphore, #tpu.memory_space<semaphore_mem>>) src(%dma_wait3A_832 : memref<2000xf32, #tpu.memory_space<hbm>>) dst(%dma_wait3A_830 : memref<2000xf32, #tpu.memory_space<vmem>>)
      %dma_wait3A_833 = arith.constant 1 : i32
      %dma_wait3A_834 = arith.constant 5 : i32
      %dma_wait3A_835 = arith.constant 1 : i32
      %dma_wait3A_836 = arith.constant 0 : i32
      %dma_wait3A_837 = tpu.memref_slice %arg21[%dma_wait3A_833, %dma_wait3A_834, %dma_wait3A_836] : memref<2x14x2000xf32, #tpu.memory_space<vmem>> -> memref<1x1x2000xf32, #tpu.memory_space<vmem>>
      %dma_wait3A_838 = tpu.memref_squeeze %dma_wait3A_837 : memref<1x1x2000xf32, #tpu.memory_space<vmem>> -> memref<2000xf32, #tpu.memory_space<vmem>>
      %dma_wait3A_839 = arith.constant 0 : i32
      %dma_wait3A_840 = tpu.memref_slice %arg8[%dma_wait3A_839] : memref<3200000xf32, #tpu.memory_space<hbm>> -> memref<2000xf32, #tpu.memory_space<hbm>>
      %dma_wait3A_841 = tpu.memref_slice %arg23[%dma_wait3A_835] : memref<2x!tpu.dma_semaphore, #tpu.memory_space<semaphore_mem>> -> memref<1x!tpu.dma_semaphore, #tpu.memory_space<semaphore_mem>>
      %dma_wait3A_842 = tpu.memref_squeeze %dma_wait3A_841 : memref<1x!tpu.dma_semaphore, #tpu.memory_space<semaphore_mem>> -> memref<!tpu.dma_semaphore, #tpu.memory_space<semaphore_mem>>
      %dma_wait3A_843 = arith.constant 0 : i32
      %dma_wait3A_844 = tpu.memref_slice %arg21[%dma_wait3A_833, %dma_wait3A_834, %dma_wait3A_843] : memref<2x14x2000xf32, #tpu.memory_space<vmem>> -> memref<1x1x2000xf32, #tpu.memory_space<vmem>>
      %dma_wait3A_845 = tpu.memref_squeeze %dma_wait3A_844 : memref<1x1x2000xf32, #tpu.memory_space<vmem>> -> memref<2000xf32, #tpu.memory_space<vmem>>
      %dma_wait3A_846 = arith.constant 0 : i32
      %dma_wait3A_847 = tpu.memref_slice %arg8[%dma_wait3A_846] : memref<3200000xf32, #tpu.memory_space<hbm>> -> memref<2000xf32, #tpu.memory_space<hbm>>
      tpu.wait_dma2 semaphore(%dma_wait3A_842 : memref<!tpu.dma_semaphore, #tpu.memory_space<semaphore_mem>>) src(%dma_wait3A_847 : memref<2000xf32, #tpu.memory_space<hbm>>) dst(%dma_wait3A_845 : memref<2000xf32, #tpu.memory_space<vmem>>)
      %dma_wait3A_848 = arith.constant 1 : i32
      %dma_wait3A_849 = arith.constant 6 : i32
      %dma_wait3A_850 = arith.constant 1 : i32
      %dma_wait3A_851 = arith.constant 0 : i32
      %dma_wait3A_852 = tpu.memref_slice %arg21[%dma_wait3A_848, %dma_wait3A_849, %dma_wait3A_851] : memref<2x14x2000xf32, #tpu.memory_space<vmem>> -> memref<1x1x2000xf32, #tpu.memory_space<vmem>>
      %dma_wait3A_853 = tpu.memref_squeeze %dma_wait3A_852 : memref<1x1x2000xf32, #tpu.memory_space<vmem>> -> memref<2000xf32, #tpu.memory_space<vmem>>
      %dma_wait3A_854 = arith.constant 0 : i32
      %dma_wait3A_855 = tpu.memref_slice %arg9[%dma_wait3A_854] : memref<3200000xf32, #tpu.memory_space<hbm>> -> memref<2000xf32, #tpu.memory_space<hbm>>
      %dma_wait3A_856 = tpu.memref_slice %arg23[%dma_wait3A_850] : memref<2x!tpu.dma_semaphore, #tpu.memory_space<semaphore_mem>> -> memref<1x!tpu.dma_semaphore, #tpu.memory_space<semaphore_mem>>
      %dma_wait3A_857 = tpu.memref_squeeze %dma_wait3A_856 : memref<1x!tpu.dma_semaphore, #tpu.memory_space<semaphore_mem>> -> memref<!tpu.dma_semaphore, #tpu.memory_space<semaphore_mem>>
      %dma_wait3A_858 = arith.constant 0 : i32
      %dma_wait3A_859 = tpu.memref_slice %arg21[%dma_wait3A_848, %dma_wait3A_849, %dma_wait3A_858] : memref<2x14x2000xf32, #tpu.memory_space<vmem>> -> memref<1x1x2000xf32, #tpu.memory_space<vmem>>
      %dma_wait3A_860 = tpu.memref_squeeze %dma_wait3A_859 : memref<1x1x2000xf32, #tpu.memory_space<vmem>> -> memref<2000xf32, #tpu.memory_space<vmem>>
      %dma_wait3A_861 = arith.constant 0 : i32
      %dma_wait3A_862 = tpu.memref_slice %arg9[%dma_wait3A_861] : memref<3200000xf32, #tpu.memory_space<hbm>> -> memref<2000xf32, #tpu.memory_space<hbm>>
      tpu.wait_dma2 semaphore(%dma_wait3A_857 : memref<!tpu.dma_semaphore, #tpu.memory_space<semaphore_mem>>) src(%dma_wait3A_862 : memref<2000xf32, #tpu.memory_space<hbm>>) dst(%dma_wait3A_860 : memref<2000xf32, #tpu.memory_space<vmem>>)
      %dma_wait3A_863 = arith.constant 1 : i32
      %dma_wait3A_864 = arith.constant 7 : i32
      %dma_wait3A_865 = arith.constant 1 : i32
      %dma_wait3A_866 = arith.constant 0 : i32
      %dma_wait3A_867 = tpu.memref_slice %arg21[%dma_wait3A_863, %dma_wait3A_864, %dma_wait3A_866] : memref<2x14x2000xf32, #tpu.memory_space<vmem>> -> memref<1x1x2000xf32, #tpu.memory_space<vmem>>
      %dma_wait3A_868 = tpu.memref_squeeze %dma_wait3A_867 : memref<1x1x2000xf32, #tpu.memory_space<vmem>> -> memref<2000xf32, #tpu.memory_space<vmem>>
      %dma_wait3A_869 = arith.constant 0 : i32
      %dma_wait3A_870 = tpu.memref_slice %arg10[%dma_wait3A_869] : memref<3200000xf32, #tpu.memory_space<hbm>> -> memref<2000xf32, #tpu.memory_space<hbm>>
      %dma_wait3A_871 = tpu.memref_slice %arg23[%dma_wait3A_865] : memref<2x!tpu.dma_semaphore, #tpu.memory_space<semaphore_mem>> -> memref<1x!tpu.dma_semaphore, #tpu.memory_space<semaphore_mem>>
      %dma_wait3A_872 = tpu.memref_squeeze %dma_wait3A_871 : memref<1x!tpu.dma_semaphore, #tpu.memory_space<semaphore_mem>> -> memref<!tpu.dma_semaphore, #tpu.memory_space<semaphore_mem>>
      %dma_wait3A_873 = arith.constant 0 : i32
      %dma_wait3A_874 = tpu.memref_slice %arg21[%dma_wait3A_863, %dma_wait3A_864, %dma_wait3A_873] : memref<2x14x2000xf32, #tpu.memory_space<vmem>> -> memref<1x1x2000xf32, #tpu.memory_space<vmem>>
      %dma_wait3A_875 = tpu.memref_squeeze %dma_wait3A_874 : memref<1x1x2000xf32, #tpu.memory_space<vmem>> -> memref<2000xf32, #tpu.memory_space<vmem>>
      %dma_wait3A_876 = arith.constant 0 : i32
      %dma_wait3A_877 = tpu.memref_slice %arg10[%dma_wait3A_876] : memref<3200000xf32, #tpu.memory_space<hbm>> -> memref<2000xf32, #tpu.memory_space<hbm>>
      tpu.wait_dma2 semaphore(%dma_wait3A_872 : memref<!tpu.dma_semaphore, #tpu.memory_space<semaphore_mem>>) src(%dma_wait3A_877 : memref<2000xf32, #tpu.memory_space<hbm>>) dst(%dma_wait3A_875 : memref<2000xf32, #tpu.memory_space<vmem>>)
      %dma_wait3A_878 = arith.constant 1 : i32
      %dma_wait3A_879 = arith.constant 8 : i32
      %dma_wait3A_880 = arith.constant 1 : i32
      %dma_wait3A_881 = arith.constant 0 : i32
      %dma_wait3A_882 = tpu.memref_slice %arg21[%dma_wait3A_878, %dma_wait3A_879, %dma_wait3A_881] : memref<2x14x2000xf32, #tpu.memory_space<vmem>> -> memref<1x1x2000xf32, #tpu.memory_space<vmem>>
      %dma_wait3A_883 = tpu.memref_squeeze %dma_wait3A_882 : memref<1x1x2000xf32, #tpu.memory_space<vmem>> -> memref<2000xf32, #tpu.memory_space<vmem>>
      %dma_wait3A_884 = arith.constant 0 : i32
      %dma_wait3A_885 = tpu.memref_slice %arg11[%dma_wait3A_884] : memref<3200000xf32, #tpu.memory_space<hbm>> -> memref<2000xf32, #tpu.memory_space<hbm>>
      %dma_wait3A_886 = tpu.memref_slice %arg23[%dma_wait3A_880] : memref<2x!tpu.dma_semaphore, #tpu.memory_space<semaphore_mem>> -> memref<1x!tpu.dma_semaphore, #tpu.memory_space<semaphore_mem>>
      %dma_wait3A_887 = tpu.memref_squeeze %dma_wait3A_886 : memref<1x!tpu.dma_semaphore, #tpu.memory_space<semaphore_mem>> -> memref<!tpu.dma_semaphore, #tpu.memory_space<semaphore_mem>>
      %dma_wait3A_888 = arith.constant 0 : i32
      %dma_wait3A_889 = tpu.memref_slice %arg21[%dma_wait3A_878, %dma_wait3A_879, %dma_wait3A_888] : memref<2x14x2000xf32, #tpu.memory_space<vmem>> -> memref<1x1x2000xf32, #tpu.memory_space<vmem>>
      %dma_wait3A_890 = tpu.memref_squeeze %dma_wait3A_889 : memref<1x1x2000xf32, #tpu.memory_space<vmem>> -> memref<2000xf32, #tpu.memory_space<vmem>>
      %dma_wait3A_891 = arith.constant 0 : i32
      %dma_wait3A_892 = tpu.memref_slice %arg11[%dma_wait3A_891] : memref<3200000xf32, #tpu.memory_space<hbm>> -> memref<2000xf32, #tpu.memory_space<hbm>>
      tpu.wait_dma2 semaphore(%dma_wait3A_887 : memref<!tpu.dma_semaphore, #tpu.memory_space<semaphore_mem>>) src(%dma_wait3A_892 : memref<2000xf32, #tpu.memory_space<hbm>>) dst(%dma_wait3A_890 : memref<2000xf32, #tpu.memory_space<vmem>>)
      %dma_wait3A_893 = arith.constant 1 : i32
      %dma_wait3A_894 = arith.constant 9 : i32
      %dma_wait3A_895 = arith.constant 1 : i32
      %dma_wait3A_896 = arith.constant 0 : i32
      %dma_wait3A_897 = tpu.memref_slice %arg21[%dma_wait3A_893, %dma_wait3A_894, %dma_wait3A_896] : memref<2x14x2000xf32, #tpu.memory_space<vmem>> -> memref<1x1x2000xf32, #tpu.memory_space<vmem>>
      %dma_wait3A_898 = tpu.memref_squeeze %dma_wait3A_897 : memref<1x1x2000xf32, #tpu.memory_space<vmem>> -> memref<2000xf32, #tpu.memory_space<vmem>>
      %dma_wait3A_899 = arith.constant 0 : i32
      %dma_wait3A_900 = tpu.memref_slice %arg12[%dma_wait3A_899] : memref<3200000xf32, #tpu.memory_space<hbm>> -> memref<2000xf32, #tpu.memory_space<hbm>>
      %dma_wait3A_901 = tpu.memref_slice %arg23[%dma_wait3A_895] : memref<2x!tpu.dma_semaphore, #tpu.memory_space<semaphore_mem>> -> memref<1x!tpu.dma_semaphore, #tpu.memory_space<semaphore_mem>>
      %dma_wait3A_902 = tpu.memref_squeeze %dma_wait3A_901 : memref<1x!tpu.dma_semaphore, #tpu.memory_space<semaphore_mem>> -> memref<!tpu.dma_semaphore, #tpu.memory_space<semaphore_mem>>
      %dma_wait3A_903 = arith.constant 0 : i32
      %dma_wait3A_904 = tpu.memref_slice %arg21[%dma_wait3A_893, %dma_wait3A_894, %dma_wait3A_903] : memref<2x14x2000xf32, #tpu.memory_space<vmem>> -> memref<1x1x2000xf32, #tpu.memory_space<vmem>>
      %dma_wait3A_905 = tpu.memref_squeeze %dma_wait3A_904 : memref<1x1x2000xf32, #tpu.memory_space<vmem>> -> memref<2000xf32, #tpu.memory_space<vmem>>
      %dma_wait3A_906 = arith.constant 0 : i32
      %dma_wait3A_907 = tpu.memref_slice %arg12[%dma_wait3A_906] : memref<3200000xf32, #tpu.memory_space<hbm>> -> memref<2000xf32, #tpu.memory_space<hbm>>
      tpu.wait_dma2 semaphore(%dma_wait3A_902 : memref<!tpu.dma_semaphore, #tpu.memory_space<semaphore_mem>>) src(%dma_wait3A_907 : memref<2000xf32, #tpu.memory_space<hbm>>) dst(%dma_wait3A_905 : memref<2000xf32, #tpu.memory_space<vmem>>)
      %dma_wait3A_908 = arith.constant 1 : i32
      %dma_wait3A_909 = arith.constant 10 : i32
      %dma_wait3A_910 = arith.constant 1 : i32
      %dma_wait3A_911 = arith.constant 0 : i32
      %dma_wait3A_912 = tpu.memref_slice %arg21[%dma_wait3A_908, %dma_wait3A_909, %dma_wait3A_911] : memref<2x14x2000xf32, #tpu.memory_space<vmem>> -> memref<1x1x2000xf32, #tpu.memory_space<vmem>>
      %dma_wait3A_913 = tpu.memref_squeeze %dma_wait3A_912 : memref<1x1x2000xf32, #tpu.memory_space<vmem>> -> memref<2000xf32, #tpu.memory_space<vmem>>
      %dma_wait3A_914 = arith.constant 0 : i32
      %dma_wait3A_915 = tpu.memref_slice %arg13[%dma_wait3A_914] : memref<3200000xf32, #tpu.memory_space<hbm>> -> memref<2000xf32, #tpu.memory_space<hbm>>
      %dma_wait3A_916 = tpu.memref_slice %arg23[%dma_wait3A_910] : memref<2x!tpu.dma_semaphore, #tpu.memory_space<semaphore_mem>> -> memref<1x!tpu.dma_semaphore, #tpu.memory_space<semaphore_mem>>
      %dma_wait3A_917 = tpu.memref_squeeze %dma_wait3A_916 : memref<1x!tpu.dma_semaphore, #tpu.memory_space<semaphore_mem>> -> memref<!tpu.dma_semaphore, #tpu.memory_space<semaphore_mem>>
      %dma_wait3A_918 = arith.constant 0 : i32
      %dma_wait3A_919 = tpu.memref_slice %arg21[%dma_wait3A_908, %dma_wait3A_909, %dma_wait3A_918] : memref<2x14x2000xf32, #tpu.memory_space<vmem>> -> memref<1x1x2000xf32, #tpu.memory_space<vmem>>
      %dma_wait3A_920 = tpu.memref_squeeze %dma_wait3A_919 : memref<1x1x2000xf32, #tpu.memory_space<vmem>> -> memref<2000xf32, #tpu.memory_space<vmem>>
      %dma_wait3A_921 = arith.constant 0 : i32
      %dma_wait3A_922 = tpu.memref_slice %arg13[%dma_wait3A_921] : memref<3200000xf32, #tpu.memory_space<hbm>> -> memref<2000xf32, #tpu.memory_space<hbm>>
      tpu.wait_dma2 semaphore(%dma_wait3A_917 : memref<!tpu.dma_semaphore, #tpu.memory_space<semaphore_mem>>) src(%dma_wait3A_922 : memref<2000xf32, #tpu.memory_space<hbm>>) dst(%dma_wait3A_920 : memref<2000xf32, #tpu.memory_space<vmem>>)
      %dma_wait3A_923 = arith.constant 1 : i32
      %dma_wait3A_924 = arith.constant 11 : i32
      %dma_wait3A_925 = arith.constant 1 : i32
      %dma_wait3A_926 = arith.constant 0 : i32
      %dma_wait3A_927 = tpu.memref_slice %arg21[%dma_wait3A_923, %dma_wait3A_924, %dma_wait3A_926] : memref<2x14x2000xf32, #tpu.memory_space<vmem>> -> memref<1x1x2000xf32, #tpu.memory_space<vmem>>
      %dma_wait3A_928 = tpu.memref_squeeze %dma_wait3A_927 : memref<1x1x2000xf32, #tpu.memory_space<vmem>> -> memref<2000xf32, #tpu.memory_space<vmem>>
      %dma_wait3A_929 = arith.constant 0 : i32
      %dma_wait3A_930 = tpu.memref_slice %arg14[%dma_wait3A_929] : memref<3200000xf32, #tpu.memory_space<hbm>> -> memref<2000xf32, #tpu.memory_space<hbm>>
      %dma_wait3A_931 = tpu.memref_slice %arg23[%dma_wait3A_925] : memref<2x!tpu.dma_semaphore, #tpu.memory_space<semaphore_mem>> -> memref<1x!tpu.dma_semaphore, #tpu.memory_space<semaphore_mem>>
      %dma_wait3A_932 = tpu.memref_squeeze %dma_wait3A_931 : memref<1x!tpu.dma_semaphore, #tpu.memory_space<semaphore_mem>> -> memref<!tpu.dma_semaphore, #tpu.memory_space<semaphore_mem>>
      %dma_wait3A_933 = arith.constant 0 : i32
      %dma_wait3A_934 = tpu.memref_slice %arg21[%dma_wait3A_923, %dma_wait3A_924, %dma_wait3A_933] : memref<2x14x2000xf32, #tpu.memory_space<vmem>> -> memref<1x1x2000xf32, #tpu.memory_space<vmem>>
      %dma_wait3A_935 = tpu.memref_squeeze %dma_wait3A_934 : memref<1x1x2000xf32, #tpu.memory_space<vmem>> -> memref<2000xf32, #tpu.memory_space<vmem>>
      %dma_wait3A_936 = arith.constant 0 : i32
      %dma_wait3A_937 = tpu.memref_slice %arg14[%dma_wait3A_936] : memref<3200000xf32, #tpu.memory_space<hbm>> -> memref<2000xf32, #tpu.memory_space<hbm>>
      tpu.wait_dma2 semaphore(%dma_wait3A_932 : memref<!tpu.dma_semaphore, #tpu.memory_space<semaphore_mem>>) src(%dma_wait3A_937 : memref<2000xf32, #tpu.memory_space<hbm>>) dst(%dma_wait3A_935 : memref<2000xf32, #tpu.memory_space<vmem>>)
      %dma_wait3A_938 = arith.constant 1 : i32
      %dma_wait3A_939 = arith.constant 12 : i32
      %dma_wait3A_940 = arith.constant 1 : i32
      %dma_wait3A_941 = arith.constant 0 : i32
      %dma_wait3A_942 = tpu.memref_slice %arg21[%dma_wait3A_938, %dma_wait3A_939, %dma_wait3A_941] : memref<2x14x2000xf32, #tpu.memory_space<vmem>> -> memref<1x1x2000xf32, #tpu.memory_space<vmem>>
      %dma_wait3A_943 = tpu.memref_squeeze %dma_wait3A_942 : memref<1x1x2000xf32, #tpu.memory_space<vmem>> -> memref<2000xf32, #tpu.memory_space<vmem>>
      %dma_wait3A_944 = arith.constant 0 : i32
      %dma_wait3A_945 = tpu.memref_slice %arg15[%dma_wait3A_944] : memref<3200000xf32, #tpu.memory_space<hbm>> -> memref<2000xf32, #tpu.memory_space<hbm>>
      %dma_wait3A_946 = tpu.memref_slice %arg23[%dma_wait3A_940] : memref<2x!tpu.dma_semaphore, #tpu.memory_space<semaphore_mem>> -> memref<1x!tpu.dma_semaphore, #tpu.memory_space<semaphore_mem>>
      %dma_wait3A_947 = tpu.memref_squeeze %dma_wait3A_946 : memref<1x!tpu.dma_semaphore, #tpu.memory_space<semaphore_mem>> -> memref<!tpu.dma_semaphore, #tpu.memory_space<semaphore_mem>>
      %dma_wait3A_948 = arith.constant 0 : i32
      %dma_wait3A_949 = tpu.memref_slice %arg21[%dma_wait3A_938, %dma_wait3A_939, %dma_wait3A_948] : memref<2x14x2000xf32, #tpu.memory_space<vmem>> -> memref<1x1x2000xf32, #tpu.memory_space<vmem>>
      %dma_wait3A_950 = tpu.memref_squeeze %dma_wait3A_949 : memref<1x1x2000xf32, #tpu.memory_space<vmem>> -> memref<2000xf32, #tpu.memory_space<vmem>>
      %dma_wait3A_951 = arith.constant 0 : i32
      %dma_wait3A_952 = tpu.memref_slice %arg15[%dma_wait3A_951] : memref<3200000xf32, #tpu.memory_space<hbm>> -> memref<2000xf32, #tpu.memory_space<hbm>>
      tpu.wait_dma2 semaphore(%dma_wait3A_947 : memref<!tpu.dma_semaphore, #tpu.memory_space<semaphore_mem>>) src(%dma_wait3A_952 : memref<2000xf32, #tpu.memory_space<hbm>>) dst(%dma_wait3A_950 : memref<2000xf32, #tpu.memory_space<vmem>>)
      %dma_wait3A_953 = arith.constant 1 : i32
      %dma_wait3A_954 = arith.constant 13 : i32
      %dma_wait3A_955 = arith.constant 1 : i32
      %dma_wait3A_956 = arith.constant 0 : i32
      %dma_wait3A_957 = tpu.memref_slice %arg21[%dma_wait3A_953, %dma_wait3A_954, %dma_wait3A_956] : memref<2x14x2000xf32, #tpu.memory_space<vmem>> -> memref<1x1x2000xf32, #tpu.memory_space<vmem>>
      %dma_wait3A_958 = tpu.memref_squeeze %dma_wait3A_957 : memref<1x1x2000xf32, #tpu.memory_space<vmem>> -> memref<2000xf32, #tpu.memory_space<vmem>>
      %dma_wait3A_959 = arith.constant 0 : i32
      %dma_wait3A_960 = tpu.memref_slice %arg16[%dma_wait3A_959] : memref<3200000xf32, #tpu.memory_space<hbm>> -> memref<2000xf32, #tpu.memory_space<hbm>>
      %dma_wait3A_961 = tpu.memref_slice %arg23[%dma_wait3A_955] : memref<2x!tpu.dma_semaphore, #tpu.memory_space<semaphore_mem>> -> memref<1x!tpu.dma_semaphore, #tpu.memory_space<semaphore_mem>>
      %dma_wait3A_962 = tpu.memref_squeeze %dma_wait3A_961 : memref<1x!tpu.dma_semaphore, #tpu.memory_space<semaphore_mem>> -> memref<!tpu.dma_semaphore, #tpu.memory_space<semaphore_mem>>
      %dma_wait3A_963 = arith.constant 0 : i32
      %dma_wait3A_964 = tpu.memref_slice %arg21[%dma_wait3A_953, %dma_wait3A_954, %dma_wait3A_963] : memref<2x14x2000xf32, #tpu.memory_space<vmem>> -> memref<1x1x2000xf32, #tpu.memory_space<vmem>>
      %dma_wait3A_965 = tpu.memref_squeeze %dma_wait3A_964 : memref<1x1x2000xf32, #tpu.memory_space<vmem>> -> memref<2000xf32, #tpu.memory_space<vmem>>
      %dma_wait3A_966 = arith.constant 0 : i32
      %dma_wait3A_967 = tpu.memref_slice %arg16[%dma_wait3A_966] : memref<3200000xf32, #tpu.memory_space<hbm>> -> memref<2000xf32, #tpu.memory_space<hbm>>
      tpu.wait_dma2 semaphore(%dma_wait3A_962 : memref<!tpu.dma_semaphore, #tpu.memory_space<semaphore_mem>>) src(%dma_wait3A_967 : memref<2000xf32, #tpu.memory_space<hbm>>) dst(%dma_wait3A_965 : memref<2000xf32, #tpu.memory_space<vmem>>)
      %mul3A_968 = arith.constant 2 : i32
      %mul3A_969 = arith.muli %mul3A_968, %scan3A_276 : i32
      %add3A_970 = arith.constant 3 : i32
      %add3A_971 = arith.addi %mul3A_969, %add3A_970 : i32
      %lt3A_972 = arith.constant 50 : i32
      %lt3A_973 = arith.cmpi slt, %add3A_971, %lt3A_972 : i32
      %convert_element_type3A_974 = arith.extui %lt3A_973 : i1 to i32
      %cond3A_975 = arith.constant 0 : i32
      %cond3A_976 = arith.cmpi ne, %convert_element_type3A_974, %cond3A_975 : i32
      scf.if %cond3A_976 {
        %add3A_984 = arith.constant 6000 : i32
        %add3A_985 = arith.addi %add3A_282, %add3A_984 : i32
        %dma_start3A_986 = arith.constant 1 : i32
        %dma_start3A_987 = arith.constant 1 : i32
        %dma_start3A_988 = arith.constant 0 : i32
        %dma_start3A_989 = tpu.memref_slice %arg19[%dma_start3A_986, %dma_start3A_988] : memref<2x2000xi32, #tpu.memory_space<vmem>> -> memref<1x2000xi32, #tpu.memory_space<vmem>>
        %dma_start3A_990 = tpu.memref_squeeze %dma_start3A_989 : memref<1x2000xi32, #tpu.memory_space<vmem>> -> memref<2000xi32, #tpu.memory_space<vmem>>
        %dma_start3A_991 = tpu.memref_slice %arg17[%add3A_985] : memref<3200000xi32, #tpu.memory_space<hbm>> -> memref<2000xi32, #tpu.memory_space<hbm>>
        %dma_start3A_992 = tpu.memref_slice %arg24[%dma_start3A_987] : memref<2x!tpu.dma_semaphore, #tpu.memory_space<semaphore_mem>> -> memref<1x!tpu.dma_semaphore, #tpu.memory_space<semaphore_mem>>
        %dma_start3A_993 = tpu.memref_squeeze %dma_start3A_992 : memref<1x!tpu.dma_semaphore, #tpu.memory_space<semaphore_mem>> -> memref<!tpu.dma_semaphore, #tpu.memory_space<semaphore_mem>>
        %dma_start3A_994 = arith.constant 0 : i32
        %dma_start3A_995 = tpu.memref_slice %arg19[%dma_start3A_986, %dma_start3A_994] : memref<2x2000xi32, #tpu.memory_space<vmem>> -> memref<1x2000xi32, #tpu.memory_space<vmem>>
        %dma_start3A_996 = tpu.memref_squeeze %dma_start3A_995 : memref<1x2000xi32, #tpu.memory_space<vmem>> -> memref<2000xi32, #tpu.memory_space<vmem>>
        %dma_start3A_997 = tpu.memref_slice %arg17[%add3A_985] : memref<3200000xi32, #tpu.memory_space<hbm>> -> memref<2000xi32, #tpu.memory_space<hbm>>
        tpu.enqueue_dma source(%dma_start3A_997 : memref<2000xi32, #tpu.memory_space<hbm>>) target(%dma_start3A_996 : memref<2000xi32, #tpu.memory_space<vmem>>) target_semaphore(%dma_start3A_993 : memref<!tpu.dma_semaphore, #tpu.memory_space<semaphore_mem>>)
      } else {
      }
      %scan3A_977 = arith.constant 1 : i32
      %scan3A_978 = arith.constant 0 : i32
      %scan3A_979 = arith.constant 125 : i32
      %scan3A_980 = arith.addi %scan3A_978, %scan3A_979 : i32
      %scan3A_981 = arith.constant 1 : i32
      %scan3A_982 = scf.for %scan3A_984 = %scan3A_978 to %scan3A_980 step %scan3A_981 iter_args(%scan3A_985 = %scan3A_732) -> (vector<16xf32>)  : i32 {
        %mul3A_986 = arith.constant 16 : i32
        %mul3A_987 = arith.muli %scan3A_984, %mul3A_986 : i32
        %add3A_988 = vector.broadcast %mul3A_987 : i32 to vector<16xi32>
        %add3A_989 = arith.addi %iota3A, %add3A_988 : vector<16xi32>
        %get3A = arith.constant 1 : i32
        %get3A_990 = arith.constant 12 : i32
        %get3A_991 = arith.index_cast %get3A : i32 to index
        %get3A_992 = arith.index_cast %get3A_990 : i32 to index
        %get3A_993 = arith.index_cast %mul3A_987 : i32 to index
        %get3A_994 = tpu.vector_load %arg21[%get3A_991, %get3A_992, %get3A_993] {strides = array<i32>} : memref<2x14x2000xf32, #tpu.memory_space<vmem>>, vector<16xf32>,
        %get3A_995 = arith.constant 1 : i32
        %get3A_996 = arith.constant 13 : i32
        %get3A_997 = arith.index_cast %get3A_995 : i32 to index
        %get3A_998 = arith.index_cast %get3A_996 : i32 to index
        %get3A_999 = arith.index_cast %mul3A_987 : i32 to index
        %get3A_1000 = tpu.vector_load %arg21[%get3A_997, %get3A_998, %get3A_999] {strides = array<i32>} : memref<2x14x2000xf32, #tpu.memory_space<vmem>>, vector<16xf32>,
        %mul3A_1001 = arith.mulf %get3A_994, %get3A_994 : vector<16xf32>
        %div3A = arith.constant 1.000000e+00 : f32
        %div3A_1002 = vector.broadcast %div3A : f32 to vector<16xf32>
        %div3A_1003 = arith.divf %div3A_1002, %get3A_994 : vector<16xf32>
        %mul3A_1004 = arith.constant -2.40167108E-9 : f32
        %mul3A_1005 = vector.broadcast %mul3A_1004 : f32 to vector<16xf32>
        %mul3A_1006 = arith.mulf %mul3A_1005, %mul3A_1001 : vector<16xf32>
        %add3A_1007 = arith.constant 7.1492849E-7 : f32
        %add3A_1008 = vector.broadcast %add3A_1007 : f32 to vector<16xf32>
        %add3A_1009 = arith.addf %mul3A_1006, %add3A_1008 : vector<16xf32>
        %mul3A_1010 = arith.mulf %add3A_1009, %mul3A_1001 : vector<16xf32>
        %add3A_1011 = arith.constant 1.78751565E-4 : f32
        %add3A_1012 = vector.broadcast %add3A_1011 : f32 to vector<16xf32>
        %add3A_1013 = arith.addf %mul3A_1010, %add3A_1012 : vector<16xf32>
        %mul3A_1014 = arith.mulf %add3A_1013, %mul3A_1001 : vector<16xf32>
        %add3A_1015 = arith.addf %div3A_1003, %mul3A_1014 : vector<16xf32>
        %sub3A = arith.constant 0.115845099 : f32
        %sub3A_1016 = vector.broadcast %sub3A : f32 to vector<16xf32>
        %sub3A_1017 = arith.subf %add3A_1015, %sub3A_1016 : vector<16xf32>
        %div3A_1018 = arith.constant 1.000000e+00 : f32
        %div3A_1019 = vector.broadcast %div3A_1018 : f32 to vector<16xf32>
        %div3A_1020 = arith.divf %div3A_1019, %mul3A_1001 : vector<16xf32>
        %mul3A_1021 = arith.mulf %sub3A_1017, %div3A_1020 : vector<16xf32>
        %mul3A_1022 = arith.constant 3.000000e+00 : f32
        %mul3A_1023 = vector.broadcast %mul3A_1022 : f32 to vector<16xf32>
        %mul3A_1024 = arith.mulf %mul3A_1023, %mul3A_1021 : vector<16xf32>
        %mul3A_1025 = arith.mulf %mul3A_1024, %div3A_1020 : vector<16xf32>
        %gather3A = arith.constant 0 : i32
        %gather3A_1026 = arith.constant 0 : i32
        %gather3A_1027 = tpu.memref_slice %arg20[%scan3A_977, %gather3A, %gather3A_1026] : memref<2x2000x16xf32, #tpu.memory_space<vmem>> -> memref<1x2000x16xf32, #tpu.memory_space<vmem>>
        %gather3A_1028 = tpu.memref_squeeze %gather3A_1027 : memref<1x2000x16xf32, #tpu.memory_space<vmem>> -> memref<2000x16xf32, #tpu.memory_space<vmem>>
        %gather3A_1029 = tpu.vector_load_idx %gather3A_1028[%add3A_989, %broadcast_in_dim3A_3] : memref<2000x16xf32, #tpu.memory_space<vmem>>[vector<16xi32>, vector<16xi32>], vector<16xf32>,
        %get3A_1030 = arith.constant 1 : i32
        %get3A_1031 = arith.constant 0 : i32
        %get3A_1032 = arith.index_cast %get3A_1030 : i32 to index
        %get3A_1033 = arith.index_cast %get3A_1031 : i32 to index
        %get3A_1034 = arith.index_cast %mul3A_987 : i32 to index
        %get3A_1035 = tpu.vector_load %arg21[%get3A_1032, %get3A_1033, %get3A_1034] {strides = array<i32>} : memref<2x14x2000xf32, #tpu.memory_space<vmem>>, vector<16xf32>,
        %gather3A_1036 = arith.constant 0 : i32
        %gather3A_1037 = arith.constant 0 : i32
        %gather3A_1038 = tpu.memref_slice %arg20[%scan3A_977, %gather3A_1036, %gather3A_1037] : memref<2x2000x16xf32, #tpu.memory_space<vmem>> -> memref<1x2000x16xf32, #tpu.memory_space<vmem>>
        %gather3A_1039 = tpu.memref_squeeze %gather3A_1038 : memref<1x2000x16xf32, #tpu.memory_space<vmem>> -> memref<2000x16xf32, #tpu.memory_space<vmem>>
        %gather3A_1040 = tpu.vector_load_idx %gather3A_1039[%add3A_989, %broadcast_in_dim3A_5] : memref<2000x16xf32, #tpu.memory_space<vmem>>[vector<16xi32>, vector<16xi32>], vector<16xf32>,
        %mul3A_1041 = arith.mulf %get3A_1035, %gather3A_1040 : vector<16xf32>
        %get3A_1042 = arith.constant 1 : i32
        %get3A_1043 = arith.constant 1 : i32
        %get3A_1044 = arith.index_cast %get3A_1042 : i32 to index
        %get3A_1045 = arith.index_cast %get3A_1043 : i32 to index
        %get3A_1046 = arith.index_cast %mul3A_987 : i32 to index
        %get3A_1047 = tpu.vector_load %arg21[%get3A_1044, %get3A_1045, %get3A_1046] {strides = array<i32>} : memref<2x14x2000xf32, #tpu.memory_space<vmem>>, vector<16xf32>,
        %gather3A_1048 = arith.constant 0 : i32
        %gather3A_1049 = arith.constant 0 : i32
        %gather3A_1050 = tpu.memref_slice %arg20[%scan3A_977, %gather3A_1048, %gather3A_1049] : memref<2x2000x16xf32, #tpu.memory_space<vmem>> -> memref<1x2000x16xf32, #tpu.memory_space<vmem>>
        %gather3A_1051 = tpu.memref_squeeze %gather3A_1050 : memref<1x2000x16xf32, #tpu.memory_space<vmem>> -> memref<2000x16xf32, #tpu.memory_space<vmem>>
        %gather3A_1052 = tpu.vector_load_idx %gather3A_1051[%add3A_989, %broadcast_in_dim3A_7] : memref<2000x16xf32, #tpu.memory_space<vmem>>[vector<16xi32>, vector<16xi32>], vector<16xf32>,
        %mul3A_1053 = arith.mulf %get3A_1047, %gather3A_1052 : vector<16xf32>
        %add3A_1054 = arith.addf %mul3A_1041, %mul3A_1053 : vector<16xf32>
        %get3A_1055 = arith.constant 1 : i32
        %get3A_1056 = arith.constant 2 : i32
        %get3A_1057 = arith.index_cast %get3A_1055 : i32 to index
        %get3A_1058 = arith.index_cast %get3A_1056 : i32 to index
        %get3A_1059 = arith.index_cast %mul3A_987 : i32 to index
        %get3A_1060 = tpu.vector_load %arg21[%get3A_1057, %get3A_1058, %get3A_1059] {strides = array<i32>} : memref<2x14x2000xf32, #tpu.memory_space<vmem>>, vector<16xf32>,
        %gather3A_1061 = arith.constant 0 : i32
        %gather3A_1062 = arith.constant 0 : i32
        %gather3A_1063 = tpu.memref_slice %arg20[%scan3A_977, %gather3A_1061, %gather3A_1062] : memref<2x2000x16xf32, #tpu.memory_space<vmem>> -> memref<1x2000x16xf32, #tpu.memory_space<vmem>>
        %gather3A_1064 = tpu.memref_squeeze %gather3A_1063 : memref<1x2000x16xf32, #tpu.memory_space<vmem>> -> memref<2000x16xf32, #tpu.memory_space<vmem>>
        %gather3A_1065 = tpu.vector_load_idx %gather3A_1064[%add3A_989, %broadcast_in_dim3A_9] : memref<2000x16xf32, #tpu.memory_space<vmem>>[vector<16xi32>, vector<16xi32>], vector<16xf32>,
        %mul3A_1066 = arith.mulf %get3A_1060, %gather3A_1065 : vector<16xf32>
        %add3A_1067 = arith.addf %add3A_1054, %mul3A_1066 : vector<16xf32>
        %get3A_1068 = arith.constant 1 : i32
        %get3A_1069 = arith.constant 3 : i32
        %get3A_1070 = arith.index_cast %get3A_1068 : i32 to index
        %get3A_1071 = arith.index_cast %get3A_1069 : i32 to index
        %get3A_1072 = arith.index_cast %mul3A_987 : i32 to index
        %get3A_1073 = tpu.vector_load %arg21[%get3A_1070, %get3A_1071, %get3A_1072] {strides = array<i32>} : memref<2x14x2000xf32, #tpu.memory_space<vmem>>, vector<16xf32>,
        %gather3A_1074 = arith.constant 0 : i32
        %gather3A_1075 = arith.constant 0 : i32
        %gather3A_1076 = tpu.memref_slice %arg20[%scan3A_977, %gather3A_1074, %gather3A_1075] : memref<2x2000x16xf32, #tpu.memory_space<vmem>> -> memref<1x2000x16xf32, #tpu.memory_space<vmem>>
        %gather3A_1077 = tpu.memref_squeeze %gather3A_1076 : memref<1x2000x16xf32, #tpu.memory_space<vmem>> -> memref<2000x16xf32, #tpu.memory_space<vmem>>
        %gather3A_1078 = tpu.vector_load_idx %gather3A_1077[%add3A_989, %broadcast_in_dim3A_11] : memref<2000x16xf32, #tpu.memory_space<vmem>>[vector<16xi32>, vector<16xi32>], vector<16xf32>,
        %mul3A_1079 = arith.mulf %get3A_1073, %gather3A_1078 : vector<16xf32>
        %get3A_1080 = arith.constant 1 : i32
        %get3A_1081 = arith.constant 4 : i32
        %get3A_1082 = arith.index_cast %get3A_1080 : i32 to index
        %get3A_1083 = arith.index_cast %get3A_1081 : i32 to index
        %get3A_1084 = arith.index_cast %mul3A_987 : i32 to index
        %get3A_1085 = tpu.vector_load %arg21[%get3A_1082, %get3A_1083, %get3A_1084] {strides = array<i32>} : memref<2x14x2000xf32, #tpu.memory_space<vmem>>, vector<16xf32>,
        %gather3A_1086 = arith.constant 0 : i32
        %gather3A_1087 = arith.constant 0 : i32
        %gather3A_1088 = tpu.memref_slice %arg20[%scan3A_977, %gather3A_1086, %gather3A_1087] : memref<2x2000x16xf32, #tpu.memory_space<vmem>> -> memref<1x2000x16xf32, #tpu.memory_space<vmem>>
        %gather3A_1089 = tpu.memref_squeeze %gather3A_1088 : memref<1x2000x16xf32, #tpu.memory_space<vmem>> -> memref<2000x16xf32, #tpu.memory_space<vmem>>
        %gather3A_1090 = tpu.vector_load_idx %gather3A_1089[%add3A_989, %broadcast_in_dim3A_13] : memref<2000x16xf32, #tpu.memory_space<vmem>>[vector<16xi32>, vector<16xi32>], vector<16xf32>,
        %mul3A_1091 = arith.mulf %get3A_1085, %gather3A_1090 : vector<16xf32>
        %add3A_1092 = arith.addf %mul3A_1079, %mul3A_1091 : vector<16xf32>
        %get3A_1093 = arith.constant 1 : i32
        %get3A_1094 = arith.constant 5 : i32
        %get3A_1095 = arith.index_cast %get3A_1093 : i32 to index
        %get3A_1096 = arith.index_cast %get3A_1094 : i32 to index
        %get3A_1097 = arith.index_cast %mul3A_987 : i32 to index
        %get3A_1098 = tpu.vector_load %arg21[%get3A_1095, %get3A_1096, %get3A_1097] {strides = array<i32>} : memref<2x14x2000xf32, #tpu.memory_space<vmem>>, vector<16xf32>,
        %gather3A_1099 = arith.constant 0 : i32
        %gather3A_1100 = arith.constant 0 : i32
        %gather3A_1101 = tpu.memref_slice %arg20[%scan3A_977, %gather3A_1099, %gather3A_1100] : memref<2x2000x16xf32, #tpu.memory_space<vmem>> -> memref<1x2000x16xf32, #tpu.memory_space<vmem>>
        %gather3A_1102 = tpu.memref_squeeze %gather3A_1101 : memref<1x2000x16xf32, #tpu.memory_space<vmem>> -> memref<2000x16xf32, #tpu.memory_space<vmem>>
        %gather3A_1103 = tpu.vector_load_idx %gather3A_1102[%add3A_989, %broadcast_in_dim3A_15] : memref<2000x16xf32, #tpu.memory_space<vmem>>[vector<16xi32>, vector<16xi32>], vector<16xf32>,
        %mul3A_1104 = arith.mulf %get3A_1098, %gather3A_1103 : vector<16xf32>
        %add3A_1105 = arith.addf %add3A_1092, %mul3A_1104 : vector<16xf32>
        %get3A_1106 = arith.constant 1 : i32
        %get3A_1107 = arith.constant 6 : i32
        %get3A_1108 = arith.index_cast %get3A_1106 : i32 to index
        %get3A_1109 = arith.index_cast %get3A_1107 : i32 to index
        %get3A_1110 = arith.index_cast %mul3A_987 : i32 to index
        %get3A_1111 = tpu.vector_load %arg21[%get3A_1108, %get3A_1109, %get3A_1110] {strides = array<i32>} : memref<2x14x2000xf32, #tpu.memory_space<vmem>>, vector<16xf32>,
        %gather3A_1112 = arith.constant 0 : i32
        %gather3A_1113 = arith.constant 0 : i32
        %gather3A_1114 = tpu.memref_slice %arg20[%scan3A_977, %gather3A_1112, %gather3A_1113] : memref<2x2000x16xf32, #tpu.memory_space<vmem>> -> memref<1x2000x16xf32, #tpu.memory_space<vmem>>
        %gather3A_1115 = tpu.memref_squeeze %gather3A_1114 : memref<1x2000x16xf32, #tpu.memory_space<vmem>> -> memref<2000x16xf32, #tpu.memory_space<vmem>>
        %gather3A_1116 = tpu.vector_load_idx %gather3A_1115[%add3A_989, %broadcast_in_dim3A_17] : memref<2000x16xf32, #tpu.memory_space<vmem>>[vector<16xi32>, vector<16xi32>], vector<16xf32>,
        %mul3A_1117 = arith.mulf %get3A_1111, %gather3A_1116 : vector<16xf32>
        %add3A_1118 = arith.addf %add3A_1105, %mul3A_1117 : vector<16xf32>
        %get3A_1119 = arith.constant 1 : i32
        %get3A_1120 = arith.constant 7 : i32
        %get3A_1121 = arith.index_cast %get3A_1119 : i32 to index
        %get3A_1122 = arith.index_cast %get3A_1120 : i32 to index
        %get3A_1123 = arith.index_cast %mul3A_987 : i32 to index
        %get3A_1124 = tpu.vector_load %arg21[%get3A_1121, %get3A_1122, %get3A_1123] {strides = array<i32>} : memref<2x14x2000xf32, #tpu.memory_space<vmem>>, vector<16xf32>,
        %gather3A_1125 = arith.constant 0 : i32
        %gather3A_1126 = arith.constant 0 : i32
        %gather3A_1127 = tpu.memref_slice %arg20[%scan3A_977, %gather3A_1125, %gather3A_1126] : memref<2x2000x16xf32, #tpu.memory_space<vmem>> -> memref<1x2000x16xf32, #tpu.memory_space<vmem>>
        %gather3A_1128 = tpu.memref_squeeze %gather3A_1127 : memref<1x2000x16xf32, #tpu.memory_space<vmem>> -> memref<2000x16xf32, #tpu.memory_space<vmem>>
        %gather3A_1129 = tpu.vector_load_idx %gather3A_1128[%add3A_989, %broadcast_in_dim3A_19] : memref<2000x16xf32, #tpu.memory_space<vmem>>[vector<16xi32>, vector<16xi32>], vector<16xf32>,
        %mul3A_1130 = arith.mulf %get3A_1124, %gather3A_1129 : vector<16xf32>
        %add3A_1131 = arith.addf %add3A_1118, %mul3A_1130 : vector<16xf32>
        %get3A_1132 = arith.constant 1 : i32
        %get3A_1133 = arith.constant 8 : i32
        %get3A_1134 = arith.index_cast %get3A_1132 : i32 to index
        %get3A_1135 = arith.index_cast %get3A_1133 : i32 to index
        %get3A_1136 = arith.index_cast %mul3A_987 : i32 to index
        %get3A_1137 = tpu.vector_load %arg21[%get3A_1134, %get3A_1135, %get3A_1136] {strides = array<i32>} : memref<2x14x2000xf32, #tpu.memory_space<vmem>>, vector<16xf32>,
        %gather3A_1138 = arith.constant 0 : i32
        %gather3A_1139 = arith.constant 0 : i32
        %gather3A_1140 = tpu.memref_slice %arg20[%scan3A_977, %gather3A_1138, %gather3A_1139] : memref<2x2000x16xf32, #tpu.memory_space<vmem>> -> memref<1x2000x16xf32, #tpu.memory_space<vmem>>
        %gather3A_1141 = tpu.memref_squeeze %gather3A_1140 : memref<1x2000x16xf32, #tpu.memory_space<vmem>> -> memref<2000x16xf32, #tpu.memory_space<vmem>>
        %gather3A_1142 = tpu.vector_load_idx %gather3A_1141[%add3A_989, %broadcast_in_dim3A_21] : memref<2000x16xf32, #tpu.memory_space<vmem>>[vector<16xi32>, vector<16xi32>], vector<16xf32>,
        %mul3A_1143 = arith.mulf %get3A_1137, %gather3A_1142 : vector<16xf32>
        %add3A_1144 = arith.addf %add3A_1131, %mul3A_1143 : vector<16xf32>
        %get3A_1145 = arith.constant 1 : i32
        %get3A_1146 = arith.constant 9 : i32
        %get3A_1147 = arith.index_cast %get3A_1145 : i32 to index
        %get3A_1148 = arith.index_cast %get3A_1146 : i32 to index
        %get3A_1149 = arith.index_cast %mul3A_987 : i32 to index
        %get3A_1150 = tpu.vector_load %arg21[%get3A_1147, %get3A_1148, %get3A_1149] {strides = array<i32>} : memref<2x14x2000xf32, #tpu.memory_space<vmem>>, vector<16xf32>,
        %gather3A_1151 = arith.constant 0 : i32
        %gather3A_1152 = arith.constant 0 : i32
        %gather3A_1153 = tpu.memref_slice %arg20[%scan3A_977, %gather3A_1151, %gather3A_1152] : memref<2x2000x16xf32, #tpu.memory_space<vmem>> -> memref<1x2000x16xf32, #tpu.memory_space<vmem>>
        %gather3A_1154 = tpu.memref_squeeze %gather3A_1153 : memref<1x2000x16xf32, #tpu.memory_space<vmem>> -> memref<2000x16xf32, #tpu.memory_space<vmem>>
        %gather3A_1155 = tpu.vector_load_idx %gather3A_1154[%add3A_989, %broadcast_in_dim3A_23] : memref<2000x16xf32, #tpu.memory_space<vmem>>[vector<16xi32>, vector<16xi32>], vector<16xf32>,
        %mul3A_1156 = arith.mulf %get3A_1150, %gather3A_1155 : vector<16xf32>
        %add3A_1157 = arith.addf %add3A_1144, %mul3A_1156 : vector<16xf32>
        %get3A_1158 = arith.constant 1 : i32
        %get3A_1159 = arith.constant 10 : i32
        %get3A_1160 = arith.index_cast %get3A_1158 : i32 to index
        %get3A_1161 = arith.index_cast %get3A_1159 : i32 to index
        %get3A_1162 = arith.index_cast %mul3A_987 : i32 to index
        %get3A_1163 = tpu.vector_load %arg21[%get3A_1160, %get3A_1161, %get3A_1162] {strides = array<i32>} : memref<2x14x2000xf32, #tpu.memory_space<vmem>>, vector<16xf32>,
        %gather3A_1164 = arith.constant 0 : i32
        %gather3A_1165 = arith.constant 0 : i32
        %gather3A_1166 = tpu.memref_slice %arg20[%scan3A_977, %gather3A_1164, %gather3A_1165] : memref<2x2000x16xf32, #tpu.memory_space<vmem>> -> memref<1x2000x16xf32, #tpu.memory_space<vmem>>
        %gather3A_1167 = tpu.memref_squeeze %gather3A_1166 : memref<1x2000x16xf32, #tpu.memory_space<vmem>> -> memref<2000x16xf32, #tpu.memory_space<vmem>>
        %gather3A_1168 = tpu.vector_load_idx %gather3A_1167[%add3A_989, %broadcast_in_dim3A_25] : memref<2000x16xf32, #tpu.memory_space<vmem>>[vector<16xi32>, vector<16xi32>], vector<16xf32>,
        %mul3A_1169 = arith.mulf %get3A_1163, %gather3A_1168 : vector<16xf32>
        %add3A_1170 = arith.addf %add3A_1157, %mul3A_1169 : vector<16xf32>
        %get3A_1171 = arith.constant 1 : i32
        %get3A_1172 = arith.constant 11 : i32
        %get3A_1173 = arith.index_cast %get3A_1171 : i32 to index
        %get3A_1174 = arith.index_cast %get3A_1172 : i32 to index
        %get3A_1175 = arith.index_cast %mul3A_987 : i32 to index
        %get3A_1176 = tpu.vector_load %arg21[%get3A_1173, %get3A_1174, %get3A_1175] {strides = array<i32>} : memref<2x14x2000xf32, #tpu.memory_space<vmem>>, vector<16xf32>,
        %gather3A_1177 = arith.constant 0 : i32
        %gather3A_1178 = arith.constant 0 : i32
        %gather3A_1179 = tpu.memref_slice %arg20[%scan3A_977, %gather3A_1177, %gather3A_1178] : memref<2x2000x16xf32, #tpu.memory_space<vmem>> -> memref<1x2000x16xf32, #tpu.memory_space<vmem>>
        %gather3A_1180 = tpu.memref_squeeze %gather3A_1179 : memref<1x2000x16xf32, #tpu.memory_space<vmem>> -> memref<2000x16xf32, #tpu.memory_space<vmem>>
        %gather3A_1181 = tpu.vector_load_idx %gather3A_1180[%add3A_989, %broadcast_in_dim3A_27] : memref<2000x16xf32, #tpu.memory_space<vmem>>[vector<16xi32>, vector<16xi32>], vector<16xf32>,
        %mul3A_1182 = arith.mulf %get3A_1176, %gather3A_1181 : vector<16xf32>
        %add3A_1183 = arith.addf %add3A_1170, %mul3A_1182 : vector<16xf32>
        %mul3A_1184 = arith.mulf %gather3A_1029, %sub3A_1017 : vector<16xf32>
        %mul3A_1185 = arith.mulf %add3A_1067, %mul3A_1021 : vector<16xf32>
        %add3A_1186 = arith.addf %mul3A_1184, %mul3A_1185 : vector<16xf32>
        %mul3A_1187 = arith.mulf %add3A_1183, %mul3A_1025 : vector<16xf32>
        %add3A_1188 = arith.addf %add3A_1186, %mul3A_1187 : vector<16xf32>
        %mul3A_1189 = arith.mulf %get3A_1000, %add3A_1188 : vector<16xf32>
        %add3A_1190 = arith.addf %scan3A_985, %mul3A_1189 : vector<16xf32>
        scf.yield %add3A_1190 : vector<16xf32>
      }
      %scan3A_983 = arith.constant 125 : i32
      scf.yield %scan3A_982 : vector<16xf32>
    }
    %scan3A_269 = arith.constant 25 : i32
    %mul3A_270 = arith.constant 1389.35461 : f32
    %mul3A_271 = vector.broadcast %mul3A_270 : f32 to vector<16xf32>
    %mul3A_272 = arith.mulf %scan3A_268, %mul3A_271 : vector<16xf32>
    %swap3A = arith.constant 0 : index
    %swap3A_273 = tpu.vector_load %arg22[%swap3A] {strides = array<i32>} : memref<16xf32, #tpu.memory_space<vmem>>, vector<16xf32>,
    tpu.vector_store %arg22[%swap3A], %mul3A_272 {strides = array<i32>} : memref<16xf32, #tpu.memory_space<vmem>>, vector<16xf32>,
    %mul3A_274 = arith.constant 16 : i32
    %mul3A_275 = arith.muli %add3A, %mul3A_274 : i32
    "tpu.region"() ({
      %run_scoped3A = tpu.sem_alloc : memref<!tpu.dma_semaphore, #tpu.memory_space<semaphore_mem>>
      %dma_start3A_276 = tpu.memref_slice %arg18[%mul3A_275] : memref<512xf32, #tpu.memory_space<hbm>> -> memref<16xf32, #tpu.memory_space<hbm>>
      %dma_start3A_277 = tpu.memref_slice %arg18[%mul3A_275] : memref<512xf32, #tpu.memory_space<hbm>> -> memref<16xf32, #tpu.memory_space<hbm>>
      tpu.enqueue_dma source(%arg22 : memref<16xf32, #tpu.memory_space<vmem>>) target(%dma_start3A_277 : memref<16xf32, #tpu.memory_space<hbm>>) target_semaphore(%run_scoped3A : memref<!tpu.dma_semaphore, #tpu.memory_space<semaphore_mem>>)
      %dma_wait3A_278 = tpu.memref_slice %arg18[%mul3A_275] : memref<512xf32, #tpu.memory_space<hbm>> -> memref<16xf32, #tpu.memory_space<hbm>>
      %dma_wait3A_279 = tpu.memref_slice %arg18[%mul3A_275] : memref<512xf32, #tpu.memory_space<hbm>> -> memref<16xf32, #tpu.memory_space<hbm>>
      tpu.wait_dma2 semaphore(%run_scoped3A : memref<!tpu.dma_semaphore, #tpu.memory_space<semaphore_mem>>) src(%arg22 : memref<16xf32, #tpu.memory_space<vmem>>) dst(%dma_wait3A_279 : memref<16xf32, #tpu.memory_space<hbm>>)
      tpu.yield
    }) : () -> ()
    return
  }
}

</mosaic_0001>

<sc_bundles>
// kernel: kernel.3.cloned.1.call-start
scs
__scs_entry_jumppad:
0x0: {  	(pc) =	sbr.rel $0x88, $3  }
0x1: {  	(tag) =	ssettag $0x0;
	lr =	simm.s32 $0x1  }
0x2: {  	[smem:$0x3F99] =	sst lr;
	_ =	strace $0xD0000000  }
0x3: {  	_ = 	snop  }
0x4: {  	_ = 	snop  }
0x5: {  	_ = 	snop  }
0x6: {  	_ = 	snop  }
0x7: {  	_ = 	snop  }
__scs_overlays_trampoline_lowered:
0x8: {  	[smem:$0x3FA8] =	sst s0  }
0x9: {  	[smem:$0x3FA9] =	sst s1  }
0xa: {  	[smem:$0x3FAA] =	sst s2  }
0xb: {  	[smem:$0x3FAB] =	sst s3  }
0xc: {  	[smem:$0x3FAC] =	sst s4  }
0xd: {  	[smem:$0x3FAD] =	sst s5  }
0xe: {  	[smem:$0x3FAE] =	sst s6  }
0xf: {  	[smem:$0x3FAF] =	sst s7  }
0x10: {  	[smem:$0x3FB0] =	sst s8  }
0x11: {  	[smem:$0x3FB1] =	sst s9;
	s0 =	simm.s32 @!p0 $0x0  }
0x12: {  	s1 =	sld [smem:$0x3F97];
	s0 =	simm.s32 @p0 $0x1  }
0x13: {  	[smem:$0x3FB2] =	sst s0;
	s0 =	simm.s32 @!p1 $0x0  }
0x14: {  	s2 =	sld [smem:$0x3F96];
	s0 =	simm.s32 @p1 $0x1  }
0x15: {  	[smem:$0x3FB3] =	sst s0;
	s0 =	simm.s32 @!p2 $0x0  }
0x16: {  	s3 =	sld [smem:$0x3FDB];
	s0 =	simm.s32 @p2 $0x1  }
0x17: {  	s4 =	simm.s32 $0x1BF5;
	[smem:$0x3FB5] =	sst s0  }
0x18: {  	s0 =	sld [smem:$0x3F98];
	_ =	swait.ge [sflag:s4], $0x0  }
0x19: {  	s7 =	sld [smem:$0x3F99]  }
0x1a: {  	s8 =	sadd.s32 $0xFFFFE003, lr  }
0x1b: {  	s9 =	sadd.s32 $0xFFFFFEF7, lr;
	s5 =	simm.s32 $0xFFFFFFFF;
	p2 =	slt.u32 s8, $0xFFFFF086  }
0x1c: {  	p1 =	slt.u32 s9, $0xF7A;
	s5 =	simm.s32 @!p2 $0x0  }
0x1d: {  	s5 =	simm.s32 @p1 $0x1;
	p0 =	seq.s32 s7, s2  }
0x1e: {  	s7 =	smul.u32 @!p0 $0xF7A, s2;
	p2 =	seq.s32 @!p0 s5, $0x0  }
0x1f: {  	s9 =	smul.u32 $0xF7A, s1;
	s8 =	simm.s32 @!p0 $0x1BF5;
	p2 =	por !p2, p0  }
0x20: {  	[sflag:s8] =	ssyncset.s32 @!p0 $0xFFFFF086;
	s6 =	sadd.s32 @!p0 s3, s7;
	s7 =	simm.s32 @!p0 $0x108  }
0x21: {  	s3 =	sadd.s32 s3, s9;
	s6 =	sadd.s32 @!p0 $0x88, s6;
	s7 =	simm.s32 @p2 $0x1082  }
0x22: {  	[simem:s7], [sflag:s8] =	dma.local @!p0 [hbm:s6], $0xF7A  }
0x23: {  	s9 =	sor.u32 $0xD0000000, s2;
	s6 =	simm.s32 $0x108;
	_ =	swait.ge @!p0 [sflag:s8], $0x0  }
0x24: {  	s3 =	sadd.s32 $0x88, s3;
	s6 =	simm.s32 @!p1 $0x1082;
	[sflag:s4] =	ssyncset.s32 $0xFFFFF086  }
0x25: {  	[simem:s6], [sflag:s4] =	dma.local [hbm:s3], $0xF7A  }
0x26: {  	[smem:$0x3F99] =	sst s1;
	(tag) =	ssettag s2;
	_ =	strace s9  }
0x27: {  	s1 =	sld [smem:$0x3FA9]  }
0x28: {  	s2 =	sld [smem:$0x3FAA]  }
0x29: {  	s4 =	sld [smem:$0x3FAC]  }
0x2a: {  	p0 =	seq.s32 s5, $0x0;
	s5 =	sld [smem:$0x3FAD]  }
0x2b: {  	s6 =	sld [smem:$0x3FAE]  }
0x2c: {  	s7 =	sld [smem:$0x3FAF]  }
0x2d: {  	s3 =	simm.s32 $0x108;
	s8 =	sld [smem:$0x3FB0]  }
0x2e: {  	s3 =	simm.s32 @!p0 $0x1082;
	s9 =	sld [smem:$0x3FB1]  }
0x2f: {  	lr =	sadd.s32 s0, s3;
	s0 =	sld [smem:$0x3FA8]  }
0x30: {  	s3 =	sld [smem:$0x3FAB]  }
0x31: {  	[smem:$0x3FB4] =	sst s10  }
0x32: {  	s10 =	sld [smem:$0x3FB2];
	_ =	sdelay $0x3  }
0x33: {  	p0 =	seq.s32 s10, $0x1;
	s10 =	sld [smem:$0x3FB4];
	_ =	sdelay $0x3  }
0x34: {  	[smem:$0x3FB4] =	sst s10  }
0x35: {  	s10 =	sld [smem:$0x3FB3];
	_ =	sdelay $0x3  }
0x36: {  	p1 =	seq.s32 s10, $0x1;
	s10 =	sld [smem:$0x3FB4];
	_ =	sdelay $0x3  }
0x37: {  	[smem:$0x3FB4] =	sst s10  }
0x38: {  	s10 =	sld [smem:$0x3FB5]  }
0x39: {  	_ = 	snop;
	(pc) =	sbr.ind lr, $3  }
0x3a: {  	_ = 	snop  }
0x3b: {  	_ = 	snop  }
0x3c: {  	p2 =	seq.s32 s10, $0x1;
	s10 =	sld [smem:$0x3FB4]  }
0x3d: {  	_ =	shalt  }
0x3e: {  	_ =	shalt  }
0x3f: {  	_ =	shalt  }
0x40: {  	_ =	shalt  }
0x41: {  	_ =	shalt  }
0x42: {  	_ =	shalt  }
0x43: {  	_ =	shalt  }
0x44: {  	_ =	shalt  }
0x45: {  	_ =	shalt  }
0x46: {  	_ =	shalt  }
0x47: {  	_ =	shalt  }
0x48: {  	_ =	shalt  }
0x49: {  	_ =	shalt  }
0x4a: {  	_ =	shalt  }
0x4b: {  	_ =	shalt  }
0x4c: {  	_ =	shalt  }
0x4d: {  	_ =	shalt  }
0x4e: {  	_ =	shalt  }
0x4f: {  	_ =	shalt  }
0x50: {  	_ =	shalt  }
0x51: {  	_ =	shalt  }
0x52: {  	_ =	shalt  }
0x53: {  	_ =	shalt  }
0x54: {  	_ =	shalt  }
0x55: {  	_ =	shalt  }
0x56: {  	_ =	shalt  }
0x57: {  	_ =	shalt  }
0x58: {  	_ =	shalt  }
0x59: {  	_ =	shalt  }
0x5a: {  	_ =	shalt  }
0x5b: {  	_ =	shalt  }
0x5c: {  	_ =	shalt  }
0x5d: {  	_ =	shalt  }
0x5e: {  	_ =	shalt  }
0x5f: {  	_ =	shalt  }
0x60: {  	_ =	shalt  }
0x61: {  	_ =	shalt  }
0x62: {  	_ =	shalt  }
0x63: {  	_ =	shalt  }
0x64: {  	_ =	shalt  }
0x65: {  	_ =	shalt  }
0x66: {  	_ =	shalt  }
0x67: {  	_ =	shalt  }
0x68: {  	_ =	shalt  }
0x69: {  	_ =	shalt  }
0x6a: {  	_ =	shalt  }
0x6b: {  	_ =	shalt  }
0x6c: {  	_ =	shalt  }
0x6d: {  	_ =	shalt  }
0x6e: {  	_ =	shalt  }
0x6f: {  	_ =	shalt  }
0x70: {  	_ =	shalt  }
0x71: {  	_ =	shalt  }
0x72: {  	_ =	shalt  }
0x73: {  	_ =	shalt  }
0x74: {  	_ =	shalt  }
0x75: {  	_ =	shalt  }
0x76: {  	_ =	shalt  }
0x77: {  	_ =	shalt  }
0x78: {  	_ =	shalt  }
0x79: {  	_ =	shalt  }
0x7a: {  	_ =	shalt  }
0x7b: {  	_ =	shalt  }
0x7c: {  	_ =	shalt  }
0x7d: {  	_ =	shalt  }
0x7e: {  	_ =	shalt  }
0x7f: {  	_ =	shalt  }
0x80: {  	_ =	shalt  }
0x81: {  	_ =	shalt  }
0x82: {  	_ =	shalt  }
0x83: {  	_ =	shalt  }
0x84: {  	_ =	shalt  }
0x85: {  	_ =	shalt  }
0x86: {  	_ =	shalt  }
0x87: {  	_ =	shalt  }
.Lfunc_end0:
.L_simem_size_0:
called_computation_lowered:
.L_overlay_start_0:
0x88: {  	s2 =	sld [smem:$0x3FD9]  }
0x89: {  	s3 =	sld [smem:$0x3FFE];
	_ =	sdelay $0x1  }
0x8a: {  	s1 =	srdreg.scid  }
0x8b: {  	s0 =	sand.u32 $0x1, s1  }
0x8c: {  	s17 =	sshll.u32 s0, $0xA;
	s2 =	sadd.s32 s3, s2  }
0x8d: {  	s2 =	sadd.s32 s2, s17  }
0x8e: {  	[smem:$0x3FC0] =	sst s2  }
0x8f: {  	_ = 	snop  }
0x90: {  	s2 =	sld [smem:$0x3FC4]  }
0x91: {  	s18 =	sld [smem:$0x3FC3]  }
0x92: {  	s4 =	sld [smem:$0x3FC2];
	(tm) =	ssettm $0x1  }
0x93: {  	s5 =	sld [smem:$0x3FFB];
	_ =	sdelay $0x3  }
0x94: {  	_ =	strace s5  }
0x95: {  	s5 =	sld [smem:$0x3FFC];
	_ =	sdelay $0x3  }
0x96: {  	_ =	strace s5  }
0x97: {  	s5 =	sld [smem:$0x3FFD];
	_ =	sdelay $0x3  }
0x98: {  	_ =	strace s5  }
0x99: {  	_ =	strace $0x8FFFFFFF  }
0x9a: {  	s19 =	sld [smem:$0x3FDB];
	_ =	sdelay $0x1  }
0x9b: {  	s6 =	simm.s32 $_scs_section_size  }
0x9c: {  	s7 =	simm.s32 $_size__tile_overlayer_lowered;
	s8 =	simm.s32 $_tile_overlayer_lowered  }
0x9d: {  	s22 =	simm.s32 $0x1BFF;
	s21 =	sshll.u32 s8, $0x1;
	s5 =	sadd.s32 s6, s19  }
0x9e: {  	s9 =	simm.s32 $0x0;
	s20 =	sshll.u32 s7, $0x1;
	s7 =	sadd.s32 s21, s5  }
0x9f: {  	[timem:s9], [sflag:s22] =	dma.local [hbm:s7], s20  }
0xa0: {  	_ =	swait.ge [sflag:s22], s20  }
0xa1: {  	s6 =	ssub.s32 $0x0, s20;
	[sflag:s22] =	ssyncset.done $0x0  }
0xa2: {  	[sflag:s22] =	ssyncadd.s32 s6;
	_ =	sdelay $0x1  }
0xa3: {  	s23 =	simm.s32 $0x1B8B  }
0xa4: {  	_ =	swait.ge [sflag:s23], $0x1  }
0xa5: {  	[sflag:s23] =	ssyncset.done $0x0  }
0xa6: {  	s25 =	simm.s32 $0x1B8E;
	s24 =	sld [smem:$0x3FFE];
	[sflag:s23] =	ssyncadd.s32 $0xFFFFFFFF  }
0xa7: {  	s26 =	simm.s32 $execute0_lowered;
	[smem:$0x3FD2] =	sst s25  }
0xa8: {  	s7 =	sshll.u32 s26, $0x1;
	_ =	strace $0x80000046;
	[dreg:$0x1] =	wrdreg $0xFFFFFFFF  }
0xa9: {  	s28 =	simm.s32 $_size_execute0_lowered;
	s5 =	sadd.s32 s5, s7;
	[dreg:$0x0] =	wrdreg $0x0  }
0xaa: {  	s7 =	sshll.u32 s28, $0x1;
	[dreg:$0x2] =	wrdreg s5  }
0xab: {  	[dreg:$0x3] =	wrdreg s7  }
0xac: {  	[dreg:$0x4] =	wrdreg $0xC0  }
0xad: {  	_ =	task [dreg:s9], $0x5FFFF  }
0xae: {  	[dreg:$0x1] =	wrdreg $0xFFFFFFFF  }
0xaf: {  	[dreg:$0x0] =	wrdreg $0x60  }
0xb0: {  	[dreg:$0x2] =	wrdreg s24  }
0xb1: {  	[dreg:$0x3] =	wrdreg s2  }
0xb2: {  	[dreg:$0x4] =	wrdreg s18  }
0xb3: {  	[dreg:$0x5] =	wrdreg s4  }
0xb4: {  	[dreg:$0x6] =	wrdreg $0x9  }
0xb5: {  	_ =	task.clear_ibuf [dreg:s9], $0x7FFFF;
	_ =	strace $0x90000046  }
0xb6: {  	s29 =	simm.s32 $0x9;
	_ =	strace $0x80000048  }
0xb7: {  	_ =	swait.ge [sflag:s29], $0x1  }
0xb8: {  	[sflag:s29] =	ssyncadd.s32 $0xFFFFFFFF  }
0xb9: {  	_ =	strace $0x90000048  }
0xba: {  	_ =	sfence  }
0xbb: {  	s30 =	sld [smem:$0x0];
	_ =	sdelay $0x2  }
0xbc: {  	s31 =	sshll.u32 s1, $0xD;
	s1 =	sshrl.u32 s1, $0x2  }
0xbd: {  	s3 =	sand.u32 $0x4000, s31;
	s1 =	sadd.s32 s1, s30  }
0xbe: {  	s0 =	sor.u32 s3, s0;
	s1 =	sshll.u32 s1, $0x11  }
0xbf: {  	s0 =	sor.u32 s1, s0  }
0xc0: {  	s0 =	sadd.s32 $0x8F2B, s0  }
0xc1: {  	[sflag:s0] =	ssyncadd.remote.s32 $0x1  }
0xc2: {  	_ =	sfence.sel $0xFFFF  }
0xc3: {  	[dreg:$0x0] =	wrdreg $0xFFFFFFFF;
	(pc) =	sbr.abs _section_cstart, $3  }
0xc4: {  	[dreg:$0x1] =	wrdreg $0xFFFFFFFF  }
0xc5: {  	_ =	task.clear_ibuf [dreg:s9], $0x2FFFF;
	_ =	strace $0x9FFFFFFF  }
0xc6: {  	(tm) =	ssettm $0x7FFFFFFF  }
0xc7: {  	_ =	shalt  }
tec
execute0_lowered:
.L_overlay_start_1:
0x0: {  	(tag) =	ssettag $0x1  }
0x1: {  	s0 =	rddreg [dreg:$0x0]  }
0x2: {  	s1 =	rddreg [dreg:$0x1]  }
0x3: {  	s2 =	rddreg [dreg:$0x2]  }
0x4: {  	s21 =	rddreg [dreg:$0x3];
	s4 =	simm.s32 $0x0  }
0x5: {  	s3 =	srdreg.scid;
	s5 =	sadd.s32 $0x400, s0;
	s6 =	sadd.s32 $0xDC400, s0  }
0x6: {  	s7 =	sadd.s32 $0x7A800, s0;
	s8 =	sadd.s32 $0x18C00, s0;
	s10 =	sadd.s32 $0x44C000, s0  }
0x7: {  	s9 =	stileid.u32;
	s11 =	sadd.s32 $0x3EA400, s0;
	s12 =	sadd.s32 $0x388800, s0  }
0x8: {  	s13 =	sadd.s32 $0x326C00, s0;
	s3 =	sand.u32 $0x1, s3;
	s9 =	sshll.u32 s9, $0x1  }
0x9: {  	s14 =	sadd.s32 $0x263400, s0;
	s15 =	sadd.s32 $0x201800, s0;
	s9 =	sor.u32 s3, s9  }
0xa: {  	s16 =	sadd.s32 $0x2C5000, s0;
	s18 =	smul.u32 $0x186A0, s9;
	s9 =	sshll.u32 s9, $0x1  }
0xb: {  	s17 =	sadd.s32 $0x19FC00, s0;
	s19 =	sadd.s32 $0x13E000, s0;
	s0 =	sadd.s32 s9, s0  }
0xc: {  	[smem:$0x7FF] =	sst s4;
	s20 =	sshrl.u32 s18, $0x3;
	s0 =	sadd.s32 $0x4ADC00, s0  }
0xd: {  	_ =	strace $0x80000047;
	s22 =	sadd.s32 s6, s20;
	[dreg:$0x14] =	wrdreg s0  }
0xe: {  	s23 =	sadd.s32 s7, s20;
	[dreg:$0x6] =	wrdreg s22  }
0xf: {  	s3 =	ssub.s32 $0x2, s3;
	s24 =	sadd.s32 s8, s20;
	[dreg:$0x7] =	wrdreg s23  }
0x10: {  	s26 =	sshrl.u32 s3, $0x1;
	s25 =	sadd.s32 s10, s20;
	[dreg:$0x8] =	wrdreg s24  }
0x11: {  	s3 =	ssub.s32 s3, s26;
	s26 =	sadd.s32 s11, s20;
	[dreg:$0x9] =	wrdreg s25  }
0x12: {  	s9 =	sadd.s32 s21, s20;
	[dreg:$0xa] =	wrdreg s26  }
0x13: {  	s22 =	sadd.s32 s12, s20;
	[dreg:$0x5] =	wrdreg s9  }
0x14: {  	s23 =	sadd.s32 s13, s20;
	[dreg:$0xb] =	wrdreg s22  }
0x15: {  	s24 =	sadd.s32 s16, s20;
	[dreg:$0xc] =	wrdreg s23  }
0x16: {  	s25 =	sadd.s32 s14, s20;
	[dreg:$0xd] =	wrdreg s24  }
0x17: {  	s26 =	sadd.s32 s15, s20;
	[dreg:$0xe] =	wrdreg s25  }
0x18: {  	[dreg:$0xf] =	wrdreg s26;
	s22 =	sadd.s32 s17, s20  }
0x19: {  	s23 =	sadd.s32 s19, s20;
	[dreg:$0x10] =	wrdreg s22  }
0x1a: {  	s24 =	sadd.s32 s1, s20;
	[dreg:$0x11] =	wrdreg s23  }
0x1b: {  	s28 =	simm.s32 $0x7D0;
	s20 =	sadd.s32 s2, s20;
	[dreg:$0x12] =	wrdreg s24  }
0x1c: {  	s29 =	simm.s32 $0xFA0;
	s25 =	smax.u32 s3, $0x1;
	[dreg:$0x13] =	wrdreg s20  }
0x1d: {  	s30 =	simm.s32 $0x4;
	s26 =	sadd.s32 $0xFA, s9;
	[dreg:$0x15] =	wrdreg s25  }
0x1e: {  	s31 =	simm.s32 $0x8CA0;
	v0 =	vlaneseq.u32;
	s9 =	simm.s32 $0x0;
	[dreg:$0x16] =	wrdreg s26  }
0x1f: {  	v0 =	vmul.u32 $0x10, v0;
	s22 =	simm.s32 $0x1DC90;
	s23 =	simm.s32 $0x1;
	s24 =	simm.s32 $0x2  }
.LBB2_1:
0x20: {  	[dreg:$0x17] =	wrdreg s9  }
0x21: {  	s0 =	rddreg [dreg:$0x5];
	s3 =	simm.s32 $0x3  }
0x22: {  	[tilespmem:s4], [sflag:$0x3] =	stream.linear.gather [hbm4b:s0+s4], $0x7D0, $0x38;
	[tilespmem:$0x1E470] =	vst v63  }
0x23: {  	_ =	swait.ge [sflag:s3], $0x7D0  }
0x24: {  	[sflag:s3] =	ssyncset.done $0x0  }
0x25: {  	[sflag:s3] =	ssyncadd.s32 $0xFFFFF830  }
0x26: {  	[tilespmem:s29], [sflag:$0x1] =	stream.indirect.gather [hbm4b:s5+s28], $0x10, s4, s28, $0xb8;
	[tilespmem:$0x1E470] =	vst v63  }
0x27: {  	s9 =	rddreg [dreg:$0x6];
	s3 =	simm.s32 $0x109A0  }
0x28: {  	[tilespmem:s3], [sflag:$0x1] =	stream.linear.gather [hbm4b:s9+s4], $0x7D0, $0x38;
	[tilespmem:$0x1E470] =	vst v63  }
0x29: {  	s21 =	simm.s32 $0x11170;
	s20 =	rddreg [dreg:$0x7]  }
0x2a: {  	[tilespmem:s21], [sflag:$0x1] =	stream.linear.gather [hbm4b:s20+s4], $0x7D0, $0x38;
	[tilespmem:$0x1E470] =	vst v63  }
0x2b: {  	s26 =	simm.s32 $0x11940;
	s25 =	rddreg [dreg:$0x8]  }
0x2c: {  	[tilespmem:s26], [sflag:$0x1] =	stream.linear.gather [hbm4b:s25+s4], $0x7D0, $0x38;
	[tilespmem:$0x1E470] =	vst v63  }
0x2d: {  	s3 =	rddreg [dreg:$0x9];
	s9 =	simm.s32 $0x12110  }
0x2e: {  	[tilespmem:s9], [sflag:$0x1] =	stream.linear.gather [hbm4b:s3+s4], $0x7D0, $0x38;
	[tilespmem:$0x1E470] =	vst v63  }
0x2f: {  	s20 =	rddreg [dreg:$0xa];
	s21 =	simm.s32 $0x128E0  }
0x30: {  	[tilespmem:s21], [sflag:$0x1] =	stream.linear.gather [hbm4b:s20+s4], $0x7D0, $0x38;
	[tilespmem:$0x1E470] =	vst v63  }
0x31: {  	s25 =	rddreg [dreg:$0xb];
	s26 =	simm.s32 $0x130B0  }
0x32: {  	[tilespmem:s26], [sflag:$0x1] =	stream.linear.gather [hbm4b:s25+s4], $0x7D0, $0x38;
	[tilespmem:$0x1E470] =	vst v63  }
0x33: {  	s3 =	rddreg [dreg:$0xc];
	s9 =	simm.s32 $0x13880  }
0x34: {  	[tilespmem:s9], [sflag:$0x1] =	stream.linear.gather [hbm4b:s3+s4], $0x7D0, $0x38;
	[tilespmem:$0x1E470] =	vst v63  }
0x35: {  	s20 =	rddreg [dreg:$0xd];
	s21 =	simm.s32 $0x14050  }
0x36: {  	[tilespmem:s21], [sflag:$0x1] =	stream.linear.gather [hbm4b:s20+s4], $0x7D0, $0x38;
	[tilespmem:$0x1E470] =	vst v63  }
0x37: {  	s25 =	rddreg [dreg:$0xe];
	s26 =	simm.s32 $0x14820  }
0x38: {  	[tilespmem:s26], [sflag:$0x1] =	stream.linear.gather [hbm4b:s25+s4], $0x7D0, $0x38;
	[tilespmem:$0x1E470] =	vst v63  }
0x39: {  	s3 =	rddreg [dreg:$0xf];
	s9 =	simm.s32 $0x14FF0  }
0x3a: {  	[tilespmem:s9], [sflag:$0x1] =	stream.linear.gather [hbm4b:s3+s4], $0x7D0, $0x38;
	[tilespmem:$0x1E470] =	vst v63  }
0x3b: {  	s20 =	rddreg [dreg:$0x10];
	s21 =	simm.s32 $0x157C0  }
0x3c: {  	[tilespmem:s21], [sflag:$0x1] =	stream.linear.gather [hbm4b:s20+s4], $0x7D0, $0x38;
	[tilespmem:$0x1E470] =	vst v63  }
0x3d: {  	s25 =	rddreg [dreg:$0x11];
	s26 =	simm.s32 $0x15F90  }
0x3e: {  	[tilespmem:s26], [sflag:$0x1] =	stream.linear.gather [hbm4b:s25+s4], $0x7D0, $0x38;
	[tilespmem:$0x1E470] =	vst v63  }
0x3f: {  	s9 =	rddreg [dreg:$0x12];
	s20 =	simm.s32 $0x16760  }
0x40: {  	[tilespmem:s20], [sflag:$0x1] =	stream.linear.gather [hbm4b:s9+s4], $0x7D0, $0x38;
	[tilespmem:$0x1E470] =	vst v63  }
0x41: {  	s21 =	rddreg [dreg:$0x13];
	s25 =	simm.s32 $0x16F30  }
0x42: {  	[tilespmem:s25], [sflag:$0x1] =	stream.linear.gather [hbm4b:s21+s4], $0x7D0, $0x38;
	[tilespmem:$0x1E470] =	vst v63  }
0x43: {  	s26 =	rddreg [dreg:$0x16];
	s25 =	simm.s32 $0x0  }
0x44: {  	v1 =	vimm.f32 $0.0e+00;
	[tilespmem:s28], [sflag:$0x4] =	stream.linear.gather [hbm4b:s26+s4], $0x7D0, $0x38;
	[tilespmem:$0x1E470] =	vst v63  }
.LBB2_2:
0x45: {  	s0 =	smul.u32 $0xFA0, s25;
	_ =	swait.ge [sflag:s30], $0x7D0  }
0x46: {  	[sflag:s30] =	ssyncset.done $0x0  }
0x47: {  	s0 =	sadd.s32 s18, s0;
	[sflag:s30] =	ssyncadd.s32 $0xFFFFF830  }
0x48: {  	[tilespmem:s31], [sflag:$0x2] =	stream.indirect.gather [hbm4b:s5+s28], $0x10, s28, s28, $0xb8;
	[tilespmem:$0x1E470] =	vst v63  }
0x49: {  	s3 =	sshrl.u32 s0, $0x3  }
0x4a: {  	s3 =	sadd.s32 $0xFA, s3  }
0x4b: {  	s20 =	simm.s32 $0x17700;
	s9 =	sadd.s32 s6, s3  }
0x4c: {  	[tilespmem:s20], [sflag:$0x2] =	stream.linear.gather [hbm4b:s9+s4], $0x7D0, $0x38;
	[tilespmem:$0x1E470] =	vst v63  }
0x4d: {  	s26 =	simm.s32 $0x17ED0;
	s21 =	sadd.s32 s7, s3  }
0x4e: {  	[tilespmem:s26], [sflag:$0x2] =	stream.linear.gather [hbm4b:s21+s4], $0x7D0, $0x38;
	[tilespmem:$0x1E470] =	vst v63  }
0x4f: {  	s21 =	sadd.s32 s8, s3;
	s26 =	simm.s32 $0x186A0  }
0x50: {  	[tilespmem:s26], [sflag:$0x2] =	stream.linear.gather [hbm4b:s21+s4], $0x7D0, $0x38;
	[tilespmem:$0x1E470] =	vst v63  }
0x51: {  	s21 =	sadd.s32 s10, s3;
	s26 =	simm.s32 $0x18E70  }
0x52: {  	[tilespmem:s26], [sflag:$0x2] =	stream.linear.gather [hbm4b:s21+s4], $0x7D0, $0x38;
	[tilespmem:$0x1E470] =	vst v63  }
0x53: {  	s21 =	sadd.s32 s11, s3;
	s26 =	simm.s32 $0x19640  }
0x54: {  	[tilespmem:s26], [sflag:$0x2] =	stream.linear.gather [hbm4b:s21+s4], $0x7D0, $0x38;
	[tilespmem:$0x1E470] =	vst v63  }
0x55: {  	s21 =	sadd.s32 s12, s3;
	s26 =	simm.s32 $0x19E10  }
0x56: {  	[tilespmem:s26], [sflag:$0x2] =	stream.linear.gather [hbm4b:s21+s4], $0x7D0, $0x38;
	[tilespmem:$0x1E470] =	vst v63  }
0x57: {  	s21 =	sadd.s32 s13, s3;
	s26 =	simm.s32 $0x1A5E0  }
0x58: {  	[tilespmem:s26], [sflag:$0x2] =	stream.linear.gather [hbm4b:s21+s4], $0x7D0, $0x38;
	[tilespmem:$0x1E470] =	vst v63  }
0x59: {  	s21 =	sadd.s32 s16, s3;
	s26 =	simm.s32 $0x1ADB0  }
0x5a: {  	[tilespmem:s26], [sflag:$0x2] =	stream.linear.gather [hbm4b:s21+s4], $0x7D0, $0x38;
	[tilespmem:$0x1E470] =	vst v63  }
0x5b: {  	s21 =	sadd.s32 s14, s3;
	s26 =	simm.s32 $0x1B580  }
0x5c: {  	[tilespmem:s26], [sflag:$0x2] =	stream.linear.gather [hbm4b:s21+s4], $0x7D0, $0x38;
	[tilespmem:$0x1E470] =	vst v63  }
0x5d: {  	s21 =	sadd.s32 s15, s3;
	s26 =	simm.s32 $0x1BD50  }
0x5e: {  	[tilespmem:s26], [sflag:$0x2] =	stream.linear.gather [hbm4b:s21+s4], $0x7D0, $0x38;
	[tilespmem:$0x1E470] =	vst v63  }
0x5f: {  	s21 =	sadd.s32 s17, s3;
	s26 =	simm.s32 $0x1C520  }
0x60: {  	[tilespmem:s26], [sflag:$0x2] =	stream.linear.gather [hbm4b:s21+s4], $0x7D0, $0x38;
	[tilespmem:$0x1E470] =	vst v63  }
0x61: {  	s21 =	sadd.s32 s19, s3;
	s26 =	simm.s32 $0x1CCF0  }
0x62: {  	[tilespmem:s26], [sflag:$0x2] =	stream.linear.gather [hbm4b:s21+s4], $0x7D0, $0x38;
	[tilespmem:$0x1E470] =	vst v63  }
0x63: {  	s21 =	sadd.s32 s1, s3;
	s26 =	simm.s32 $0x1D4C0  }
0x64: {  	[tilespmem:s26], [sflag:$0x2] =	stream.linear.gather [hbm4b:s21+s4], $0x7D0, $0x38;
	[tilespmem:$0x1E470] =	vst v63  }
0x65: {  	s3 =	sadd.s32 s2, s3  }
0x66: {  	[tilespmem:s22], [sflag:$0x2] =	stream.linear.gather [hbm4b:s3+s4], $0x7D0, $0x38;
	[tilespmem:$0x1E470] =	vst v63  }
0x67: {  	_ =	swait.ge [sflag:s23], $0x7D00  }
0x68: {  	[sflag:s23] =	ssyncset.done $0x0  }
0x69: {  	[sflag:s23] =	ssyncadd.s32 $0xFFFF8300  }
0x6a: {  	_ =	swait.ge [sflag:s23], $0x7D0  }
0x6b: {  	[sflag:s23] =	ssyncset.done $0x0  }
0x6c: {  	[sflag:s23] =	ssyncadd.s32 $0xFFFFF830  }
0x6d: {  	_ =	swait.ge [sflag:s23], $0x7D0  }
0x6e: {  	[sflag:s23] =	ssyncset.done $0x0  }
0x6f: {  	[sflag:s23] =	ssyncadd.s32 $0xFFFFF830  }
0x70: {  	_ =	swait.ge [sflag:s23], $0x7D0  }
0x71: {  	[sflag:s23] =	ssyncset.done $0x0  }
0x72: {  	[sflag:s23] =	ssyncadd.s32 $0xFFFFF830  }
0x73: {  	_ =	swait.ge [sflag:s23], $0x7D0  }
0x74: {  	[sflag:s23] =	ssyncset.done $0x0  }
0x75: {  	[sflag:s23] =	ssyncadd.s32 $0xFFFFF830  }
0x76: {  	_ =	swait.ge [sflag:s23], $0x7D0  }
0x77: {  	[sflag:s23] =	ssyncset.done $0x0  }
0x78: {  	[sflag:s23] =	ssyncadd.s32 $0xFFFFF830  }
0x79: {  	_ =	swait.ge [sflag:s23], $0x7D0  }
0x7a: {  	[sflag:s23] =	ssyncset.done $0x0  }
0x7b: {  	[sflag:s23] =	ssyncadd.s32 $0xFFFFF830  }
0x7c: {  	_ =	swait.ge [sflag:s23], $0x7D0  }
0x7d: {  	[sflag:s23] =	ssyncset.done $0x0  }
0x7e: {  	[sflag:s23] =	ssyncadd.s32 $0xFFFFF830  }
0x7f: {  	_ =	swait.ge [sflag:s23], $0x7D0  }
0x80: {  	[sflag:s23] =	ssyncset.done $0x0  }
0x81: {  	[sflag:s23] =	ssyncadd.s32 $0xFFFFF830  }
0x82: {  	_ =	swait.ge [sflag:s23], $0x7D0  }
0x83: {  	[sflag:s23] =	ssyncset.done $0x0  }
0x84: {  	[sflag:s23] =	ssyncadd.s32 $0xFFFFF830  }
0x85: {  	_ =	swait.ge [sflag:s23], $0x7D0  }
0x86: {  	[sflag:s23] =	ssyncset.done $0x0  }
0x87: {  	[sflag:s23] =	ssyncadd.s32 $0xFFFFF830  }
0x88: {  	_ =	swait.ge [sflag:s23], $0x7D0  }
0x89: {  	[sflag:s23] =	ssyncset.done $0x0  }
0x8a: {  	[sflag:s23] =	ssyncadd.s32 $0xFFFFF830  }
0x8b: {  	_ =	swait.ge [sflag:s23], $0x7D0  }
0x8c: {  	[sflag:s23] =	ssyncset.done $0x0  }
0x8d: {  	[sflag:s23] =	ssyncadd.s32 $0xFFFFF830  }
0x8e: {  	_ =	swait.ge [sflag:s23], $0x7D0  }
0x8f: {  	[sflag:s23] =	ssyncset.done $0x0  }
0x90: {  	[sflag:s23] =	ssyncadd.s32 $0xFFFFF830  }
0x91: {  	_ =	swait.ge [sflag:s23], $0x7D0  }
0x92: {  	p0 =	seq.s32 s25, $0x18;
	[sflag:s23] =	ssyncset.done $0x0  }
0x93: {  	s26 =	sshrl.u32 @!p0 s0, $0x3;
	s0 =	rddreg [dreg:$0x3]  }
0x94: {  	s9 =	simm.s32 $0x0;
	s20 =	sadd.s32 @!p0 s0, s26  }
0x95: {  	s3 =	simm.s32 @!p0 $0x0;
	[sflag:s23] =	ssyncadd.s32 $0xFFFFF830;
	s0 =	sadd.s32 @!p0 $0x1F4, s20  }
0x96: {  	[tilespmem:s3], [sflag:$0x3] =	stream.linear.gather @!p0 [hbm4b:s0+s3], $0x7D0, $0x38;
	[tilespmem:$0x1E470] =	vst v63  }
0x97: {  	s21 =	simm.s32 $0x0;
	v4 =	vld [tilespmem:s9+$0x11940]  }
0x98: {  	v2 =	vmov s21;
	v3 =	vld [tilespmem:s9+$0x109A0]  }
0x99: {  	v2 =	vshll.u32 v2, $0x4;
	v5 =	vld [tilespmem:s9+$0x11170]  }
0x9a: {  	v2 =	vor.u32 v0, v2;
	v6 =	vld [tilespmem:s9+$0x14FF0]  }
0x9b: {  	v7 =	vor.u32 $0x4, v2;
	v8 =	vld [tilespmem:s9+$0x14820]  }
0x9c: {  	v9 =	vor.u32 $0x5, v2;
	v10 =	vld [tilespmem:s9+$0x14050]  }
0x9d: {  	v12 =	vld [tilespmem:s9+$0x16760]  }
0x9e: {  	v13 =	vor.u32 $0x6, v2;
	v11 =	vld [tilespmem:s9+$0x13880]  }
0x9f: {  	v14 =	vld [tilespmem:s9+$0x12110]  }
0xa0: {  	v15 =	vor.u32 $0x7, v2;
	v7 =	vld.idx.msk [tilespmem:v7+s29+$0x0], $0xffff  }
0xa1: {  	v16 =	vor.u32 $0x3, v2;
	v9 =	vld.idx.msk [tilespmem:v9+s29+$0x0], $0xffff  }
0xa2: {  	v18 =	vor.u32 $0x8, v2;
	v17 =	vld [tilespmem:s9+$0x128E0];
	v19 =	vmul.f32 v12, v12  }
0xa3: {  	v20 =	vor.u32 $0x1, v2;
	v13 =	vld.idx.msk [tilespmem:v13+s29+$0x0], $0xffff  }
0xa4: {  	v22 =	vor.u32 $0x9, v2;
	v21 =	vld [tilespmem:s9+$0x130B0];
	(erf) = vrcp.f32 v12;
	v23 =	vmul.f32 $-2.401671080e-09, v19  }
0xa5: {  	v24 =	vor.u32 $0x2, v2;
	v15 =	vld.idx.msk [tilespmem:v15+s29+$0x0], $0xffff  }
0xa6: {  	v12 =	vld.idx.msk [tilespmem:v16+s29+$0x0], $0xffff;
	v16 =	vor.u32 $0xA, v2;
	v23 =	vadd.f32 $7.149284900e-07, v23  }
0xa7: {  	v25 =	vor.u32 $0xB, v2;
	v7 =	vmul.f32 v7, v14;
	v9 =	vmul.f32 v9, v17;
	v14 =	vld.idx.msk [tilespmem:v18+s29+$0x0], $0xffff  }
0xa8: {  	v17 =	vld.idx.msk [tilespmem:v20+s29+$0x0], $0xffff;
	v18 =	vor.u32 $0xC, v2;
	v20 =	vmul.f32 v23, v19  }
0xa9: {  	(erf) = vrcp.f32 v19;
	v7 =	vadd.f32 v9, v7;
	v9 =	vmul.f32 v13, v21;
	v13 =	vld.idx.msk [tilespmem:v22+s29+$0x0], $0xffff  }
0xaa: {  	v21 =	vld.idx.msk [tilespmem:v24+s29+$0x0], $0xffff;
	v20 =	vadd.f32 $1.787515650e-04, v20  }
0xab: {  	v7 =	vadd.f32 v9, v7;
	v9 =	vmul.f32 v15, v11;
	v11 =	vld.idx.msk [tilespmem:v16+s29+$0x0], $0xffff  }
0xac: {  	v16 =	vld.idx.msk [tilespmem:v25+s29+$0x0], $0xffff;
	v15 =	vmul.f32 v20, v19  }
0xad: {  	v7 =	vadd.f32 v9, v7;
	v9 =	vmul.f32 v14, v10;
	v14 =	vld [tilespmem:s9+$0x157C0];
	v10 =	vpop (erf)  }
0xae: {  	v19 =	vld.idx.msk [tilespmem:v18+s29+$0x0], $0xffff;
	v10 =	vadd.f32 v15, v10  }
0xaf: {  	s0 =	simm.s32 $0x10;
	v8 =	vmul.f32 v13, v8;
	v20 =	vld [tilespmem:s9+$0x15F90];
	v15 =	vadd.f32 v9, v7  }
0xb0: {  	v17 =	vmul.f32 v17, v3;
	v3 =	vld [tilespmem:s9+$0x16F30];
	v13 =	vmov s0;
	v5 =	vmul.f32 v21, v5  }
0xb1: {  	s3 =	simm.s32 $0x10;
	v6 =	vmul.f32 v11, v6;
	v7 =	vld.idx.msk [tilespmem:v2+s29+$0x0], $0xffff;
	v9 =	vadd.f32 $-1.158450990e-01, v10;
	v18 =	vadd.f32 v8, v15  }
0xb2: {  	v21 =	vadd.f32 v5, v17;
	v5 =	vld [tilespmem:s3+$0x11170];
	v11 =	vshll.u32 v13, $0x4;
	v13 =	vmul.f32 v16, v14;
	v10 =	vpop (erf)  }
0xb3: {  	v2 =	vld [tilespmem:s3+$0x11940];
	v15 =	vmul.f32 v12, v4;
	v18 =	vadd.f32 v6, v18;
	v8 =	vmul.f32 v9, v10  }
0xb4: {  	s9 =	simm.s32 $0x80;
	v4 =	vld [tilespmem:s3+$0x109A0];
	v14 =	vmul.f32 v19, v20;
	v6 =	vor.u32 v0, v11  }
.LBB2_3:
0xb5: {  	p1 =	sne.s32 s9, $0x1F00;
	v11 =	vld [tilespmem:s3+$0x14FF0];
	v12 =	vmul.f32 $3.000000000e+00, v8;
	v15 =	vadd.f32 v15, v21;
	v13 =	vadd.f32 v13, v18  }
0xb6: {  	v16 =	vor.u32 $0x4, v6;
	v17 =	vor.u32 $0x5, v6;
	v7 =	vmul.f32 v9, v7;
	v18 =	vld [tilespmem:s3+$0x14820]  }
0xb7: {  	v9 =	vld [tilespmem:s3+$0x14050];
	v10 =	vmul.f32 v12, v10;
	v12 =	vadd.f32 v14, v13;
	v8 =	vmul.f32 v15, v8  }
0xb8: {  	v13 =	vld [tilespmem:s3+$0x13880]  }
0xb9: {  	v15 =	vor.u32 $0x6, v6;
	v14 =	vld [tilespmem:s3+$0x16760];
	v7 =	vadd.f32 v8, v7;
	v8 =	vmul.f32 v12, v10  }
0xba: {  	v10 =	vld [tilespmem:s3+$0x12110]  }
0xbb: {  	v12 =	vld.idx.msk [tilespmem:v16+s29+$0x0], $0xffff;
	v16 =	vor.u32 $0x7, v6;
	v7 =	vadd.f32 v8, v7  }
0xbc: {  	v8 =	vor.u32 $0x3, v6;
	v17 =	vld.idx.msk [tilespmem:v17+s29+$0x0], $0xffff  }
0xbd: {  	v20 =	vor.u32 $0x8, v6;
	v19 =	vld [tilespmem:s3+$0x128E0];
	v3 =	vmul.f32 v7, v3  }
0xbe: {  	v21 =	vor.u32 $0x1, v6;
	v7 =	vmul.f32 v14, v14;
	v15 =	vld.idx.msk [tilespmem:v15+s29+$0x0], $0xffff  }
0xbf: {  	v23 =	vor.u32 $0x9, v6;
	v22 =	vld [tilespmem:s3+$0x130B0];
	v1 =	vadd.f32 v3, v1  }
0xc0: {  	v24 =	vor.u32 $0x2, v6;
	v3 =	vmul.f32 $-2.401671080e-09, v7;
	v16 =	vld.idx.msk [tilespmem:v16+s29+$0x0], $0xffff;
	(erf) = vrcp.f32 v14  }
0xc1: {  	v25 =	vor.u32 $0xB, v6;
	v14 =	vor.u32 $0xA, v6;
	v8 =	vld.idx.msk [tilespmem:v8+s29+$0x0], $0xffff  }
0xc2: {  	v10 =	vmul.f32 v12, v10;
	v3 =	vadd.f32 $7.149284900e-07, v3;
	v12 =	vmul.f32 v17, v19;
	v17 =	vld.idx.msk [tilespmem:v20+s29+$0x0], $0xffff  }
0xc3: {  	v20 =	vor.u32 $0xC, v6;
	v19 =	vld.idx.msk [tilespmem:v21+s29+$0x0], $0xffff;
	(erf) = vrcp.f32 v7  }
0xc4: {  	v3 =	vmul.f32 v3, v7;
	v10 =	vadd.f32 v12, v10;
	v12 =	vmul.f32 v15, v22;
	v15 =	vld.idx.msk [tilespmem:v23+s29+$0x0], $0xffff  }
0xc5: {  	v21 =	vld.idx.msk [tilespmem:v24+s29+$0x0], $0xffff  }
0xc6: {  	v3 =	vadd.f32 $1.787515650e-04, v3;
	v22 =	vadd.f32 v12, v10;
	v12 =	vmul.f32 v16, v13;
	v13 =	vld.idx.msk [tilespmem:v14+s29+$0x0], $0xffff  }
0xc7: {  	v14 =	vld.idx.msk [tilespmem:v25+s29+$0x0], $0xffff  }
0xc8: {  	v9 =	vmul.f32 v17, v9;
	v3 =	vmul.f32 v3, v7;
	v7 =	vadd.f32 v12, v22;
	v12 =	vld [tilespmem:s3+$0x157C0]  }
0xc9: {  	v16 =	vld.idx.msk [tilespmem:v20+s29+$0x0], $0xffff;
	v10 =	vpop (erf)  }
0xca: {  	s0 =	sadd.s32 $0x10, s0;
	v15 =	vmul.f32 v15, v18;
	v22 =	vadd.f32 v3, v10;
	v17 =	vadd.f32 v9, v7;
	v20 =	vld [tilespmem:s3+$0x15F90]  }
.Ltmp0:
0xcb: {  	v18 =	vmov s0;
	v5 =	vmul.f32 v21, v5;
	v7 =	vld.idx.msk [tilespmem:v6+s29+$0x0], $0xffff;
	v6 =	vmul.f32 v19, v4;
	(pc) =	sbr.rel @p1 .LBB2_3-.Ltmp0, $4  }
0xcc: {  	v11 =	vmul.f32 v13, v11;
	v3 =	vld [tilespmem:s3+$0x16F30];
	s3 =	sshra.s32 s9, $0x2;
	v9 =	vadd.f32 $-1.158450990e-01, v22;
	v17 =	vadd.f32 v15, v17;
	v10 =	vpop (erf)  }
0xcd: {  	v19 =	vshll.u32 v18, $0x4;
	v15 =	vmul.f32 v8, v2;
	v2 =	vld [tilespmem:s3+$0x11940];
	v13 =	vmul.f32 v14, v12  }
0xce: {  	v21 =	vadd.f32 v5, v6;
	v4 =	vld [tilespmem:s3+$0x109A0];
	v8 =	vmul.f32 v9, v10;
	v18 =	vadd.f32 v11, v17  }
0xcf: {  	s9 =	sadd.s32 $0x40, s9;
	v6 =	vor.u32 v0, v19;
	v5 =	vld [tilespmem:s3+$0x11170];
	v14 =	vmul.f32 v16, v20  }
0xd0: {  	v11 =	vld [tilespmem:s3+$0x14FF0]  }
0xd1: {  	v12 =	vld [tilespmem:s3+$0x14820]  }
0xd2: {  	v20 =	vld [tilespmem:s3+$0x14050]  }
0xd3: {  	v24 =	vld [tilespmem:s3+$0x13880]  }
0xd4: {  	v22 =	vld [tilespmem:s3+$0x16760]  }
0xd5: {  	v16 =	vor.u32 $0x4, v6;
	v37 =	vld [tilespmem:s3+$0x12110]  }
0xd6: {  	v17 =	vor.u32 $0x5, v6;
	v40 =	vld [tilespmem:s3+$0x128E0]  }
0xd7: {  	v19 =	vor.u32 $0x6, v6;
	v36 =	vld [tilespmem:s3+$0x130B0]  }
0xd8: {  	v23 =	vor.u32 $0x3, v6;
	v57 =	vld [tilespmem:s3+$0x157C0]  }
0xd9: {  	v25 =	vor.u32 $0x1, v6;
	v59 =	vld [tilespmem:s3+$0x15F90]  }
0xda: {  	v38 =	vld.idx.msk [tilespmem:v16+s29+$0x0], $0xffff;
	v16 =	vor.u32 $0x7, v6  }
0xdb: {  	v39 =	vld.idx.msk [tilespmem:v17+s29+$0x0], $0xffff;
	v17 =	vor.u32 $0x8, v6;
	v31 =	vmul.f32 v22, v22  }
0xdc: {  	v26 =	vor.u32 $0x9, v6;
	v35 =	vld.idx.msk [tilespmem:v19+s29+$0x0], $0xffff;
	(erf) = vrcp.f32 v22  }
0xdd: {  	v28 =	vor.u32 $0x2, v6;
	v53 =	vld.idx.msk [tilespmem:v23+s29+$0x0], $0xffff;
	(erf) = vrcp.f32 v31  }
0xde: {  	v54 =	vor.u32 $0xB, v6;
	v27 =	vld.idx.msk [tilespmem:v25+s29+$0x0], $0xffff  }
0xdf: {  	v33 =	vld.idx.msk [tilespmem:v16+s29+$0x0], $0xffff;
	v16 =	vor.u32 $0xA, v6  }
0xe0: {  	v32 =	vld.idx.msk [tilespmem:v17+s29+$0x0], $0xffff;
	v17 =	vor.u32 $0xC, v6  }
0xe1: {  	v30 =	vld.idx.msk [tilespmem:v26+s29+$0x0], $0xffff  }
0xe2: {  	v29 =	vld.idx.msk [tilespmem:v28+s29+$0x0], $0xffff  }
0xe3: {  	v56 =	vld.idx.msk [tilespmem:v54+s29+$0x0], $0xffff  }
0xe4: {  	v55 =	vld.idx.msk [tilespmem:v16+s29+$0x0], $0xffff  }
0xe5: {  	v34 =	vpop (erf);
	v58 =	vld.idx.msk [tilespmem:v17+s29+$0x0], $0xffff  }
0xe6: {  	s0 =	simm.s32 @!p0 $0x3;
	v16 =	vld.idx.msk [tilespmem:v6+s29+$0x0], $0xffff;
	v17 =	vpop (erf)  }
0xe7: {  	v6 =	vld [tilespmem:s3+$0x16F30];
	_ =	swait.ge @!p0 [sflag:s0], $0x7D0  }
0xe8: {  	s9 =	simm.s32 @!p0 $0xFA0;
	[sflag:s0] =	ssyncset.done @!p0 $0x0  }
0xe9: {  	s3 =	simm.s32 @!p0 $0x0;
	[sflag:s0] =	ssyncadd.s32 @!p0 $0xFFFFF830;
	s0 =	simm.s32 @!p0 $0x7D0  }
0xea: {  	[tilespmem:s9], [sflag:$0x1] =	stream.indirect.gather @!p0 [hbm4b:s5+s0], $0x10, s3, s0, $0xb8;
	[tilespmem:$0x1E470] =	vst v63  }
0xeb: {  	s9 =	sadd.s32 @!p0 $0x1F4, s26  }
0xec: {  	s21 =	simm.s32 @!p0 $0x109A0;
	s26 =	sadd.s32 @!p0 s6, s9  }
0xed: {  	[tilespmem:s21], [sflag:$0x1] =	stream.linear.gather @!p0 [hbm4b:s26+s3], $0x7D0, $0x38;
	[tilespmem:$0x1E470] =	vst v63  }
0xee: {  	s21 =	sadd.s32 @!p0 s7, s9;
	s26 =	simm.s32 @!p0 $0x11170  }
0xef: {  	[tilespmem:s26], [sflag:$0x1] =	stream.linear.gather @!p0 [hbm4b:s21+s3], $0x7D0, $0x38;
	[tilespmem:$0x1E470] =	vst v63  }
0xf0: {  	s21 =	sadd.s32 @!p0 s8, s9;
	s26 =	simm.s32 @!p0 $0x11940  }
0xf1: {  	[tilespmem:s26], [sflag:$0x1] =	stream.linear.gather @!p0 [hbm4b:s21+s3], $0x7D0, $0x38;
	[tilespmem:$0x1E470] =	vst v63  }
0xf2: {  	s21 =	sadd.s32 @!p0 s10, s9;
	s26 =	simm.s32 @!p0 $0x12110  }
0xf3: {  	[tilespmem:s26], [sflag:$0x1] =	stream.linear.gather @!p0 [hbm4b:s21+s3], $0x7D0, $0x38;
	[tilespmem:$0x1E470] =	vst v63  }
0xf4: {  	s21 =	sadd.s32 @!p0 s11, s9;
	s26 =	simm.s32 @!p0 $0x128E0  }
0xf5: {  	[tilespmem:s26], [sflag:$0x1] =	stream.linear.gather @!p0 [hbm4b:s21+s3], $0x7D0, $0x38;
	[tilespmem:$0x1E470] =	vst v63  }
0xf6: {  	s21 =	sadd.s32 @!p0 s12, s9;
	s26 =	simm.s32 @!p0 $0x130B0  }
0xf7: {  	[tilespmem:s26], [sflag:$0x1] =	stream.linear.gather @!p0 [hbm4b:s21+s3], $0x7D0, $0x38;
	[tilespmem:$0x1E470] =	vst v63  }
0xf8: {  	s21 =	sadd.s32 @!p0 s13, s9;
	s26 =	simm.s32 @!p0 $0x13880  }
0xf9: {  	[tilespmem:s26], [sflag:$0x1] =	stream.linear.gather @!p0 [hbm4b:s21+s3], $0x7D0, $0x38;
	[tilespmem:$0x1E470] =	vst v63  }
0xfa: {  	s21 =	sadd.s32 @!p0 s16, s9;
	s26 =	simm.s32 @!p0 $0x14050  }
0xfb: {  	[tilespmem:s26], [sflag:$0x1] =	stream.linear.gather @!p0 [hbm4b:s21+s3], $0x7D0, $0x38;
	[tilespmem:$0x1E470] =	vst v63  }
0xfc: {  	s21 =	sadd.s32 @!p0 s14, s9;
	s26 =	simm.s32 @!p0 $0x14820  }
0xfd: {  	[tilespmem:s26], [sflag:$0x1] =	stream.linear.gather @!p0 [hbm4b:s21+s3], $0x7D0, $0x38;
	[tilespmem:$0x1E470] =	vst v63  }
0xfe: {  	s21 =	sadd.s32 @!p0 s15, s9;
	s26 =	simm.s32 @!p0 $0x14FF0  }
0xff: {  	[tilespmem:s26], [sflag:$0x1] =	stream.linear.gather @!p0 [hbm4b:s21+s3], $0x7D0, $0x38;
	[tilespmem:$0x1E470] =	vst v63  }
0x100: {  	s21 =	sadd.s32 @!p0 s17, s9;
	s26 =	simm.s32 @!p0 $0x157C0  }
0x101: {  	[tilespmem:s26], [sflag:$0x1] =	stream.linear.gather @!p0 [hbm4b:s21+s3], $0x7D0, $0x38;
	[tilespmem:$0x1E470] =	vst v63  }
0x102: {  	s21 =	sadd.s32 @!p0 s19, s9;
	s26 =	simm.s32 @!p0 $0x15F90  }
0x103: {  	[tilespmem:s26], [sflag:$0x1] =	stream.linear.gather @!p0 [hbm4b:s21+s3], $0x7D0, $0x38;
	[tilespmem:$0x1E470] =	vst v63  }
0x104: {  	s21 =	sadd.s32 @!p0 s1, s9;
	s26 =	simm.s32 @!p0 $0x16760  }
0x105: {  	[tilespmem:s26], [sflag:$0x1] =	stream.linear.gather @!p0 [hbm4b:s21+s3], $0x7D0, $0x38;
	[tilespmem:$0x1E470] =	vst v63  }
0x106: {  	s9 =	sadd.s32 @!p0 s2, s9;
	s21 =	simm.s32 @!p0 $0x16F30  }
0x107: {  	[tilespmem:s21], [sflag:$0x1] =	stream.linear.gather @!p0 [hbm4b:s9+s3], $0x7D0, $0x38;
	[tilespmem:$0x1E470] =	vst v63  }
0x108: {  	_ =	swait.ge [sflag:s24], $0x7D00  }
0x109: {  	[sflag:s24] =	ssyncset.done $0x0  }
0x10a: {  	[sflag:s24] =	ssyncadd.s32 $0xFFFF8300  }
0x10b: {  	_ =	swait.ge [sflag:s24], $0x7D0  }
0x10c: {  	[sflag:s24] =	ssyncset.done $0x0  }
0x10d: {  	[sflag:s24] =	ssyncadd.s32 $0xFFFFF830  }
0x10e: {  	_ =	swait.ge [sflag:s24], $0x7D0  }
0x10f: {  	[sflag:s24] =	ssyncset.done $0x0  }
0x110: {  	[sflag:s24] =	ssyncadd.s32 $0xFFFFF830  }
0x111: {  	_ =	swait.ge [sflag:s24], $0x7D0  }
0x112: {  	[sflag:s24] =	ssyncset.done $0x0  }
0x113: {  	[sflag:s24] =	ssyncadd.s32 $0xFFFFF830  }
0x114: {  	_ =	swait.ge [sflag:s24], $0x7D0  }
0x115: {  	[sflag:s24] =	ssyncset.done $0x0  }
0x116: {  	[sflag:s24] =	ssyncadd.s32 $0xFFFFF830  }
0x117: {  	_ =	swait.ge [sflag:s24], $0x7D0  }
0x118: {  	[sflag:s24] =	ssyncset.done $0x0  }
0x119: {  	[sflag:s24] =	ssyncadd.s32 $0xFFFFF830  }
0x11a: {  	_ =	swait.ge [sflag:s24], $0x7D0  }
0x11b: {  	[sflag:s24] =	ssyncset.done $0x0  }
0x11c: {  	[sflag:s24] =	ssyncadd.s32 $0xFFFFF830  }
0x11d: {  	_ =	swait.ge [sflag:s24], $0x7D0  }
0x11e: {  	[sflag:s24] =	ssyncset.done $0x0  }
0x11f: {  	[sflag:s24] =	ssyncadd.s32 $0xFFFFF830  }
0x120: {  	_ =	swait.ge [sflag:s24], $0x7D0  }
0x121: {  	[sflag:s24] =	ssyncset.done $0x0  }
0x122: {  	[sflag:s24] =	ssyncadd.s32 $0xFFFFF830  }
0x123: {  	_ =	swait.ge [sflag:s24], $0x7D0  }
0x124: {  	[sflag:s24] =	ssyncset.done $0x0  }
0x125: {  	[sflag:s24] =	ssyncadd.s32 $0xFFFFF830  }
0x126: {  	_ =	swait.ge [sflag:s24], $0x7D0  }
0x127: {  	[sflag:s24] =	ssyncset.done $0x0  }
0x128: {  	[sflag:s24] =	ssyncadd.s32 $0xFFFFF830  }
0x129: {  	_ =	swait.ge [sflag:s24], $0x7D0  }
0x12a: {  	[sflag:s24] =	ssyncset.done $0x0  }
0x12b: {  	[sflag:s24] =	ssyncadd.s32 $0xFFFFF830  }
0x12c: {  	_ =	swait.ge [sflag:s24], $0x7D0  }
0x12d: {  	[sflag:s24] =	ssyncset.done $0x0  }
0x12e: {  	[sflag:s24] =	ssyncadd.s32 $0xFFFFF830  }
0x12f: {  	_ =	swait.ge [sflag:s24], $0x7D0  }
0x130: {  	v15 =	vadd.f32 v15, v21;
	v41 =	vmul.f32 $-2.401671080e-09, v31;
	[sflag:s24] =	ssyncset.done $0x0  }
0x131: {  	v62 =	vmul.f32 $3.000000000e+00, v8;
	v13 =	vadd.f32 v13, v18;
	[sflag:s24] =	ssyncadd.s32 $0xFFFFF830  }
0x132: {  	v7 =	vmul.f32 v9, v7;
	v8 =	vmul.f32 v15, v8;
	v60 =	vadd.f32 $7.149284900e-07, v41;
	_ =	swait.ge [sflag:s24], $0x7D0  }
0x133: {  	v37 =	vmul.f32 v38, v37;
	v61 =	vmul.f32 v39, v40;
	s26 =	simm.s32 $0x0;
	[sflag:s24] =	ssyncset.done $0x0  }
0x134: {  	v10 =	vmul.f32 v62, v10;
	v13 =	vadd.f32 v14, v13;
	v9 =	vmul.f32 v60, v31;
	s9 =	sadd.s32 @!p0 $0x2EE, s20;
	s21 =	simm.s32 $0x0;
	[sflag:s24] =	ssyncadd.s32 $0xFFFFF830  }
0x135: {  	v7 =	vadd.f32 v8, v7;
	v63 =	vadd.f32 v61, v37;
	v37 =	vmul.f32 v35, v36;
	[tilespmem:s0], [sflag:$0x4] =	stream.linear.gather @!p0 [hbm4b:s9+s3], $0x7D0, $0x38;
	[tilespmem:$0x1E470] =	vst v63  }
0x136: {  	v10 =	vmul.f32 v13, v10;
	v9 =	vadd.f32 $1.787515650e-04, v9;
	v14 =	vmov s21;
	v38 =	vld [tilespmem:s26+$0x186A0]  }
0x137: {  	v18 =	vadd.f32 v37, v63;
	v39 =	vmul.f32 v33, v24;
	v14 =	vshll.u32 v14, $0x4;
	v40 =	vld [tilespmem:s26+$0x17700]  }
0x138: {  	v7 =	vadd.f32 v10, v7;
	v9 =	vmul.f32 v9, v31;
	v14 =	vor.u32 v0, v14;
	v15 =	vld [tilespmem:s26+$0x17ED0]  }
0x139: {  	v20 =	vmul.f32 v32, v20;
	v18 =	vadd.f32 v39, v18;
	v42 =	vor.u32 $0x4, v14;
	v41 =	vld [tilespmem:s26+$0x1BD50]  }
0x13a: {  	v4 =	vmul.f32 v27, v4;
	v5 =	vmul.f32 v29, v5;
	v8 =	vor.u32 $0x5, v14;
	v43 =	vld [tilespmem:s26+$0x1B580]  }
0x13b: {  	v12 =	vmul.f32 v30, v12;
	v9 =	vadd.f32 v9, v34;
	v13 =	vadd.f32 v20, v18;
	v44 =	vld [tilespmem:s26+$0x1ADB0]  }
0x13c: {  	v2 =	vmul.f32 v53, v2;
	v4 =	vadd.f32 v5, v4;
	v46 =	vor.u32 $0x6, v14;
	v45 =	vld [tilespmem:s26+$0x1D4C0]  }
0x13d: {  	v9 =	vadd.f32 $-1.158450990e-01, v9;
	v11 =	vmul.f32 v55, v11;
	v12 =	vadd.f32 v12, v13;
	v47 =	vld [tilespmem:s26+$0x18E70]  }
0x13e: {  	v3 =	vmul.f32 v7, v3;
	v2 =	vadd.f32 v2, v4;
	v13 =	vmul.f32 v56, v57;
	v48 =	vld.idx.msk [tilespmem:v42+s31+$0x0], $0xffff  }
0x13f: {  	v49 =	vmul.f32 v9, v17;
	v11 =	vadd.f32 v11, v12;
	v5 =	vor.u32 $0x7, v14;
	v8 =	vld.idx.msk [tilespmem:v8+s31+$0x0], $0xffff  }
0x140: {  	v9 =	vmul.f32 v9, v16;
	v12 =	vmul.f32 v58, v59;
	v50 =	vor.u32 $0x3, v14;
	v51 =	vld [tilespmem:s26+$0x19640]  }
0x141: {  	v52 =	vmul.f32 $3.000000000e+00, v49;
	v11 =	vadd.f32 v13, v11;
	v4 =	vor.u32 $0x8, v14;
	v27 =	vld.idx.msk [tilespmem:v46+s31+$0x0], $0xffff  }
0x142: {  	v2 =	vmul.f32 v2, v49;
	v53 =	vor.u32 $0x1, v14;
	v54 =	vld [tilespmem:s26+$0x19E10];
	v13 =	vmul.f32 v45, v45  }
0x143: {  	v16 =	vmul.f32 v52, v17;
	v11 =	vadd.f32 v12, v11;
	v55 =	vor.u32 $0x9, v14;
	v17 =	vld [tilespmem:s26+$0x1A5E0]  }
0x144: {  	v57 =	vor.u32 $0x2, v14;
	v5 =	vld.idx.msk [tilespmem:v5+s31+$0x0], $0xffff;
	(erf) = vrcp.f32 v45;
	v56 =	vmul.f32 $-2.401671080e-09, v13  }
0x145: {  	v58 =	vor.u32 $0xA, v14;
	v22 =	vld.idx.msk [tilespmem:v50+s31+$0x0], $0xffff;
	v19 =	vmul.f32 v48, v47;
	v8 =	vmul.f32 v8, v51  }
0x146: {  	v2 =	vadd.f32 v2, v9;
	v12 =	vor.u32 $0xB, v14;
	v4 =	vld.idx.msk [tilespmem:v4+s31+$0x0], $0xffff;
	v59 =	vadd.f32 $7.149284900e-07, v56  }
0x147: {  	v9 =	vmul.f32 v11, v16;
	v60 =	vld.idx.msk [tilespmem:v53+s31+$0x0], $0xffff;
	v61 =	vmul.f32 v27, v54;
	v8 =	vadd.f32 v8, v19  }
0x148: {  	v26 =	vld.idx.msk [tilespmem:v55+s31+$0x0], $0xffff;
	(erf) = vrcp.f32 v13;
	v28 =	vmul.f32 v59, v13  }
0x149: {  	v62 =	vor.u32 $0xC, v14;
	v10 =	vld.idx.msk [tilespmem:v57+s31+$0x0], $0xffff;
	v5 =	vmul.f32 v5, v17;
	v8 =	vadd.f32 v61, v8  }
0x14a: {  	v2 =	vadd.f32 v9, v2;
	v16 =	vld.idx.msk [tilespmem:v58+s31+$0x0], $0xffff;
	v11 =	vadd.f32 $1.787515650e-04, v28  }
0x14b: {  	v12 =	vld.idx.msk [tilespmem:v12+s31+$0x0], $0xffff;
	v4 =	vmul.f32 v4, v44;
	v5 =	vadd.f32 v5, v8  }
0x14c: {  	v1 =	vadd.f32 v3, v1;
	v2 =	vmul.f32 v2, v6;
	v8 =	vld [tilespmem:s26+$0x1C520];
	v7 =	vmul.f32 v11, v13  }
0x14d: {  	v63 =	vld [tilespmem:s26+$0x1CCF0];
	v6 =	vmul.f32 v26, v43;
	v4 =	vadd.f32 v4, v5;
	v3 =	vpop (erf)  }
0x14e: {  	v1 =	vadd.f32 v2, v1;
	s3 =	simm.s32 $0x10;
	v17 =	vld.idx.msk [tilespmem:v62+s31+$0x0], $0xffff;
	v3 =	vadd.f32 v7, v3  }
0x14f: {  	v2 =	vmov s3;
	v15 =	vmul.f32 v10, v15;
	v5 =	vld [tilespmem:s26+$0x1DC90];
	v4 =	vadd.f32 v6, v4  }
0x150: {  	s20 =	simm.s32 $0x10;
	v6 =	vmul.f32 v16, v41;
	v7 =	vld.idx.msk [tilespmem:v14+s31+$0x0], $0xffff;
	v14 =	vmul.f32 v60, v40;
	v9 =	vadd.f32 $-1.158450990e-01, v3  }
0x151: {  	v16 =	vshll.u32 v2, $0x4;
	v2 =	vld [tilespmem:s20+$0x186A0];
	v13 =	vmul.f32 v22, v38;
	v10 =	vpop (erf);
	v11 =	vmul.f32 v12, v8  }
0x152: {  	v3 =	vld [tilespmem:s20+$0x17700];
	v15 =	vadd.f32 v15, v14;
	v14 =	vadd.f32 v6, v4;
	v8 =	vmul.f32 v9, v10  }
0x153: {  	s0 =	simm.s32 $0x80;
	v12 =	vmul.f32 v17, v63;
	v4 =	vor.u32 v0, v16;
	v6 =	vld [tilespmem:s20+$0x17ED0]  }
.LBB2_5:
0x154: {  	p0 =	sne.s32 s0, $0x1F00;
	v16 =	vld [tilespmem:s20+$0x1BD50];
	v17 =	vmul.f32 $3.000000000e+00, v8;
	v13 =	vadd.f32 v13, v15;
	v11 =	vadd.f32 v11, v14  }
0x155: {  	v14 =	vor.u32 $0x4, v4;
	v15 =	vor.u32 $0x5, v4;
	v7 =	vmul.f32 v9, v7;
	v18 =	vld [tilespmem:s20+$0x1B580]  }
0x156: {  	v9 =	vld [tilespmem:s20+$0x1ADB0];
	v10 =	vmul.f32 v17, v10;
	v11 =	vadd.f32 v12, v11;
	v8 =	vmul.f32 v13, v8  }
0x157: {  	v12 =	vld [tilespmem:s20+$0x1A5E0]  }
0x158: {  	v17 =	vor.u32 $0x6, v4;
	v13 =	vld [tilespmem:s20+$0x1D4C0];
	v7 =	vadd.f32 v8, v7;
	v8 =	vmul.f32 v11, v10  }
0x159: {  	v10 =	vld [tilespmem:s20+$0x18E70]  }
0x15a: {  	v11 =	vld.idx.msk [tilespmem:v14+s31+$0x0], $0xffff;
	v14 =	vor.u32 $0x7, v4;
	v7 =	vadd.f32 v8, v7  }
0x15b: {  	v8 =	vor.u32 $0x3, v4;
	v15 =	vld.idx.msk [tilespmem:v15+s31+$0x0], $0xffff  }
0x15c: {  	v20 =	vor.u32 $0x8, v4;
	v19 =	vld [tilespmem:s20+$0x19640];
	v5 =	vmul.f32 v7, v5  }
0x15d: {  	v21 =	vor.u32 $0x1, v4;
	v7 =	vmul.f32 v13, v13;
	v17 =	vld.idx.msk [tilespmem:v17+s31+$0x0], $0xffff  }
0x15e: {  	v23 =	vor.u32 $0x9, v4;
	v22 =	vld [tilespmem:s20+$0x19E10];
	v1 =	vadd.f32 v5, v1  }
0x15f: {  	v24 =	vor.u32 $0x2, v4;
	v5 =	vmul.f32 $-2.401671080e-09, v7;
	v14 =	vld.idx.msk [tilespmem:v14+s31+$0x0], $0xffff;
	(erf) = vrcp.f32 v13  }
0x160: {  	v25 =	vor.u32 $0xB, v4;
	v13 =	vor.u32 $0xA, v4;
	v8 =	vld.idx.msk [tilespmem:v8+s31+$0x0], $0xffff  }
0x161: {  	v10 =	vmul.f32 v11, v10;
	v5 =	vadd.f32 $7.149284900e-07, v5;
	v11 =	vmul.f32 v15, v19;
	v15 =	vld.idx.msk [tilespmem:v20+s31+$0x0], $0xffff  }
0x162: {  	v20 =	vor.u32 $0xC, v4;
	v19 =	vld.idx.msk [tilespmem:v21+s31+$0x0], $0xffff;
	(erf) = vrcp.f32 v7  }
0x163: {  	v5 =	vmul.f32 v5, v7;
	v10 =	vadd.f32 v11, v10;
	v11 =	vmul.f32 v17, v22;
	v17 =	vld.idx.msk [tilespmem:v23+s31+$0x0], $0xffff  }
0x164: {  	v21 =	vld.idx.msk [tilespmem:v24+s31+$0x0], $0xffff  }
0x165: {  	v5 =	vadd.f32 $1.787515650e-04, v5;
	v22 =	vadd.f32 v11, v10;
	v11 =	vmul.f32 v14, v12;
	v12 =	vld.idx.msk [tilespmem:v13+s31+$0x0], $0xffff  }
0x166: {  	v14 =	vld.idx.msk [tilespmem:v25+s31+$0x0], $0xffff  }
0x167: {  	v9 =	vmul.f32 v15, v9;
	v5 =	vmul.f32 v5, v7;
	v7 =	vadd.f32 v11, v22;
	v11 =	vld [tilespmem:s20+$0x1C520]  }
0x168: {  	v20 =	vld.idx.msk [tilespmem:v20+s31+$0x0], $0xffff;
	v10 =	vpop (erf)  }
0x169: {  	s3 =	sadd.s32 $0x10, s3;
	v15 =	vmul.f32 v17, v18;
	v22 =	vadd.f32 v5, v10;
	v13 =	vadd.f32 v9, v7;
	v17 =	vld [tilespmem:s20+$0x1CCF0]  }
.Ltmp1:
0x16a: {  	v18 =	vmov s3;
	v6 =	vmul.f32 v21, v6;
	v7 =	vld.idx.msk [tilespmem:v4+s31+$0x0], $0xffff;
	v4 =	vmul.f32 v19, v3;
	(pc) =	sbr.rel @p0 .LBB2_5-.Ltmp1, $4  }
0x16b: {  	v12 =	vmul.f32 v12, v16;
	v5 =	vld [tilespmem:s20+$0x1DC90];
	s20 =	sshra.s32 s0, $0x2;
	v9 =	vadd.f32 $-1.158450990e-01, v22;
	v19 =	vadd.f32 v15, v13;
	v10 =	vpop (erf)  }
0x16c: {  	v16 =	vshll.u32 v18, $0x4;
	v13 =	vmul.f32 v8, v2;
	v2 =	vld [tilespmem:s20+$0x186A0];
	v11 =	vmul.f32 v14, v11  }
0x16d: {  	v15 =	vadd.f32 v6, v4;
	v3 =	vld [tilespmem:s20+$0x17700];
	v8 =	vmul.f32 v9, v10;
	v14 =	vadd.f32 v12, v19  }
0x16e: {  	s0 =	sadd.s32 $0x40, s0;
	v4 =	vor.u32 v0, v16;
	v6 =	vld [tilespmem:s20+$0x17ED0];
	v12 =	vmul.f32 v20, v17  }
0x16f: {  	v16 =	vld [tilespmem:s20+$0x1BD50]  }
0x170: {  	v19 =	vld [tilespmem:s20+$0x1B580]  }
0x171: {  	v17 =	vor.u32 $0x4, v4;
	v20 =	vld [tilespmem:s20+$0x1ADB0]  }
0x172: {  	v18 =	vor.u32 $0x5, v4;
	v21 =	vld [tilespmem:s20+$0x1D4C0]  }
0x173: {  	v23 =	vld [tilespmem:s20+$0x18E70]  }
0x174: {  	v22 =	vor.u32 $0x6, v4;
	v26 =	vld [tilespmem:s20+$0x19640]  }
0x175: {  	v30 =	vld [tilespmem:s20+$0x19E10]  }
0x176: {  	v24 =	vor.u32 $0x7, v4;
	v17 =	vld.idx.msk [tilespmem:v17+s31+$0x0], $0xffff  }
0x177: {  	v18 =	vld.idx.msk [tilespmem:v18+s31+$0x0], $0xffff  }
0x178: {  	v27 =	vor.u32 $0x8, v4;
	v31 =	vld [tilespmem:s20+$0x1A5E0];
	v28 =	vmul.f32 v21, v21  }
0x179: {  	v29 =	vor.u32 $0x1, v4;
	v22 =	vld.idx.msk [tilespmem:v22+s31+$0x0], $0xffff  }
0x17a: {  	v32 =	vor.u32 $0x9, v4;
	v46 =	vld [tilespmem:s20+$0x1C520];
	(erf) = vrcp.f32 v21;
	v33 =	vmul.f32 $-2.401671080e-09, v28  }
0x17b: {  	v38 =	vor.u32 $0x2, v4;
	v39 =	vor.u32 $0xA, v4;
	v24 =	vld.idx.msk [tilespmem:v24+s31+$0x0], $0xffff  }
0x17c: {  	v50 =	vld [tilespmem:s20+$0x1CCF0];
	v33 =	vadd.f32 $7.149284900e-07, v33;
	v17 =	vmul.f32 v17, v23;
	v18 =	vmul.f32 v18, v26  }
0x17d: {  	v25 =	vor.u32 $0x3, v4;
	v40 =	vor.u32 $0xB, v4;
	v27 =	vld.idx.msk [tilespmem:v27+s31+$0x0], $0xffff;
	(erf) = vrcp.f32 v28  }
0x17e: {  	v41 =	vld.idx.msk [tilespmem:v29+s31+$0x0], $0xffff;
	v22 =	vmul.f32 v22, v30;
	v43 =	vmul.f32 v33, v28;
	v17 =	vadd.f32 v18, v17  }
0x17f: {  	v42 =	vor.u32 $0xC, v4;
	v32 =	vld.idx.msk [tilespmem:v32+s31+$0x0], $0xffff  }
0x180: {  	v21 =	vld.idx.msk [tilespmem:v38+s31+$0x0], $0xffff;
	v24 =	vmul.f32 v24, v31;
	v44 =	vadd.f32 $1.787515650e-04, v43;
	v17 =	vadd.f32 v22, v17  }
0x181: {  	v23 =	vld.idx.msk [tilespmem:v39+s31+$0x0], $0xffff  }
0x182: {  	v25 =	vld.idx.msk [tilespmem:v25+s31+$0x0], $0xffff;
	v20 =	vmul.f32 v27, v20;
	v22 =	vmul.f32 v44, v28;
	v17 =	vadd.f32 v24, v17  }
0x183: {  	v45 =	vmul.f32 $3.000000000e+00, v8;
	v7 =	vmul.f32 v9, v7;
	v13 =	vadd.f32 v13, v15;
	v26 =	vld.idx.msk [tilespmem:v40+s31+$0x0], $0xffff;
	v49 =	vpop (erf)  }
0x184: {  	v48 =	vld.idx.msk [tilespmem:v42+s31+$0x0], $0xffff;
	v19 =	vmul.f32 v32, v19;
	v22 =	vadd.f32 v22, v49;
	v17 =	vadd.f32 v20, v17  }
0x185: {  	v11 =	vadd.f32 v11, v14;
	v3 =	vmul.f32 v41, v3;
	v6 =	vmul.f32 v21, v6  }
0x186: {  	v51 =	vld.idx.msk [tilespmem:v4+s31+$0x0], $0xffff;
	v16 =	vmul.f32 v23, v16;
	v52 =	vadd.f32 $-1.158450990e-01, v22;
	v17 =	vadd.f32 v19, v17  }
0x187: {  	v47 =	vmul.f32 v45, v10;
	v2 =	vmul.f32 v25, v2;
	v3 =	vadd.f32 v6, v3;
	v53 =	vpop (erf)  }
0x188: {  	v54 =	vmul.f32 v26, v46;
	v55 =	vmul.f32 v52, v53;
	v56 =	vadd.f32 v16, v17  }
0x189: {  	v11 =	vadd.f32 v12, v11;
	v57 =	vmul.f32 v13, v8;
	v10 =	vmul.f32 v48, v50  }
0x18a: {  	v2 =	vadd.f32 v2, v3;
	v58 =	vmul.f32 $3.000000000e+00, v55;
	v3 =	vadd.f32 v54, v56  }
0x18b: {  	v59 =	vadd.f32 v57, v7;
	v60 =	vmul.f32 v11, v47;
	v4 =	vmul.f32 v52, v51  }
0x18c: {  	v2 =	vmul.f32 v2, v55;
	v61 =	vmul.f32 v58, v53;
	v3 =	vadd.f32 v10, v3  }
0x18d: {  	v62 =	vld [tilespmem:s20+$0x1DC90]  }
0x18e: {  	s25 =	sadd.s32 $0x1, s25;
	v6 =	vadd.f32 v60, v59;
	v2 =	vadd.f32 v2, v4;
	v3 =	vmul.f32 v3, v61  }
0x18f: {  	p0 =	sne.s32 s25, $0x19  }
.Ltmp2:
0x190: {  	v63 =	vmul.f32 v6, v5;
	v2 =	vadd.f32 v3, v2;
	(pc) =	sbr.rel @p0 .LBB2_2-.Ltmp2, $3  }
0x191: {  	_ = 	snop  }
0x192: {  	v1 =	vadd.f32 v63, v1;
	v2 =	vmul.f32 v2, v62;
	_ =	sdelay $0x1  }
0x193: {  	v1 =	vadd.f32 v2, v1  }
0x194: {  	_ = 	snop  }
0x195: {  	v1 =	vmul.f32 $1.389354610e+03, v1;
	_ =	sdelay $0x1  }
0x196: {  	s0 =	rddreg [dreg:$0x14];
	s3 =	simm.s32 $0x1E460;
	s25 =	simm.s32 $0x5;
	[tilespmem:$0x1E460] =	vst v1  }
0x197: {  	[hbm4b:s0+s4] =	stream.linear.scatter [tilespmem:s3], [sflag:$0x5], $0x10, $0x38;
	[tilespmem:$0x1E470] =	vst v63  }
0x198: {  	_ =	swait.ge [sflag:s25], $0x10  }
0x199: {  	s9 =	rddreg [dreg:$0x17]  }
0x19a: {  	s26 =	rddreg [dreg:$0x15];
	s9 =	sadd.s32 $0x1, s9  }
0x19b: {  	p0 =	sne.s32 s9, s26  }
.Ltmp3:
0x19c: {  	_ = 	snop;
	(pc) =	sbr.rel @p0 .LBB2_1-.Ltmp3, $3  }
0x19d: {  	_ =	sdelay $0x1  }
0x19e: {  	[sflag:s25] =	ssyncset.done $0x0  }
0x19f: {  	[sflag:s25] =	ssyncadd.s32 $0xFFFFFFF0  }
0x1a0: {  	_ =	sfence.sel $0x180000  }
0x1a1: {  	[bflag:$0x0] =	sbarrier.arrive $0xFFFF  }
0x1a2: {  	_ =	strace $0x90000047  }
0x1a3: {  	s0 =	stileid.u32;
	[bflag:$0x2] =	sbarrier.arrive $0xFFFF  }
0x1a4: {  	p0 =	sne.s32 s0, $0x0;
	s0 =	rddreg [dreg:$0x4]  }
0x1a5: {  	s0 =	sadd.s32 @!p0 $0x100000, s0  }
0x1a6: {  	[sflag:s0] =	ssyncadd.tile.s32 @!p0 $0x1;
	_ =	shalt  }
.Lfunc_end2:
_tile_overlayer_lowered:
.L_overlay_start_2:
0x1a7: {  	(tag) =	ssettag $0x2  }
0x1a8: {  	s0 =	rddreg [dreg:$0x0];
	s2 =	stileid.u32  }
0x1a9: {  	s1 =	rddreg [dreg:$0x1];
	p0 =	sne.s32 s2, $0x0  }
0x1aa: {  	s3 =	rddreg [dreg:$0x2];
	[bflag:$0x3] =	sbarrier.arrive $0xFFFF;
	s2 =	simm.s32 @!p0 $0x1C05  }
0x1ab: {  	[timem:s3], [sflag:s2] =	dma.local @!p0 [hbm:s0], s1  }
0x1ac: {  	s0 =	simm.s32 @!p0 $0x5  }
0x1ad: {  	_ =	swait.ge @!p0 [sflag:s0], s1  }
0x1ae: {  	s1 =	ssub.s32 @!p0 $0x0, s1;
	[sflag:s0] =	ssyncset.done @!p0 $0x0  }
0x1af: {  	[sflag:s0] =	ssyncadd.s32 @!p0 s1  }
0x1b0: {  	[bflag:$0x3] =	sbarrier.arrive $0xFFFF  }
0x1b1: {  	_ =	shalt  }

</sc_bundles>
